<compile_context>
chip_gen: v7x
topology: tpu7x:2x2x1
jax: 0.10.2.dev20260603
libtpu: 0.0.44.dev20260713+nightly
codegen_flags: <defaults>
</compile_context>

<pallas_src>
import functools

import jax
import jax.numpy as jnp
from jax import lax
from jax.experimental import pallas as pl
from jax.experimental.pallas import tpu as pltpu
from jax.experimental.pallas import tpu_sc as plsc

EMBED_DIM = 64
ROW_PAD = 128
LANES = 16
NUM_WORKERS = 32


def _make_transpose(vocab: int):
    n_full = vocab // ROW_PAD
    tail = vocab - n_full * ROW_PAD
    per_w = n_full // NUM_WORKERS
    extra = n_full - per_w * NUM_WORKERS
    mesh = plsc.VectorSubcoreMesh(core_axis_name="c", subcore_axis_name="s")

    @functools.partial(
        pl.kernel,
        mesh=mesh,
        compiler_params=pltpu.CompilerParams(needs_layout_passes=False),
        out_type=jax.ShapeDtypeStruct((vocab, ROW_PAD), jnp.float32),
        scratch_types=[
            pltpu.VMEM((2, EMBED_DIM, ROW_PAD), jnp.float32),
            pltpu.VMEM((2, ROW_PAD, ROW_PAD), jnp.float32),
            pltpu.VMEM((EMBED_DIM, EMBED_DIM), jnp.float32),
            pltpu.SemaphoreType.DMA((2,)),
            pltpu.SemaphoreType.DMA((2,)),
        ],
    )
    def transpose_kernel(tabt_hbm, out_hbm, cbuf, tbuf, cbuf_t, isem, osem):
        wid = lax.axis_index("s") * 2 + lax.axis_index("c")
        iotas = [lax.iota(jnp.int32, LANES) + g * LANES for g in range(8)]

        def col_of(j):
            return j * NUM_WORKERS + wid

        def in_desc(j, b):
            return pltpu.make_async_copy(
                tabt_hbm.at[:, pl.ds(col_of(j) * ROW_PAD, ROW_PAD)],
                cbuf.at[b],
                isem.at[b],
            )

        def out_desc(j, b):
            return pltpu.make_async_copy(
                tbuf.at[b],
                out_hbm.at[pl.ds(col_of(j) * ROW_PAD, ROW_PAD)],
                osem.at[b],
            )

        def transpose_block(j, b, n_rows):
            def row_body(r, carry):
                col = jnp.full((LANES,), r, jnp.int32)
                for g in range(EMBED_DIM // LANES):
                    v = plsc.load_gather(cbuf.at[b], [iotas[g], col])
                    tbuf[b, r, pl.ds(g * LANES, LANES)] = v
                return carry

            lax.fori_loop(0, n_rows, row_body, 0)

        for b in range(2):
            in_desc(b, b).start()

        def it(i, carry):
            for b in range(2):
                j = 2 * i + b
                in_desc(j, b).wait()

                @pl.when(j >= 2)
                def _():
                    out_desc(j - 2, b).wait()

                transpose_block(j, b, ROW_PAD)
                out_desc(j, b).start()

                @pl.when(j + 2 < per_w)
                def _():
                    in_desc(j + 2, b).start()

            return carry

        lax.fori_loop(0, per_w // 2, it, 0)
        for b in range(2):
            out_desc(per_w - 2 + b, b).wait()

        if extra:
            @pl.when(wid < extra)
            def _():
                base = (n_full - extra + wid) * ROW_PAD
                pltpu.make_async_copy(
                    tabt_hbm.at[:, pl.ds(base, ROW_PAD)], cbuf.at[0], isem.at[0]
                ).start()
                pltpu.make_async_copy(
                    tabt_hbm.at[:, pl.ds(base, ROW_PAD)], cbuf.at[0], isem.at[0]
                ).wait()

                def row_body(r, carry):
                    col = jnp.full((LANES,), r, jnp.int32)
                    for g in range(EMBED_DIM // LANES):
                        v = plsc.load_gather(cbuf.at[0], [iotas[g], col])
                        tbuf[0, r, pl.ds(g * LANES, LANES)] = v
                    return carry

                lax.fori_loop(0, ROW_PAD, row_body, 0)
                pltpu.make_async_copy(
                    tbuf.at[0], out_hbm.at[pl.ds(base, ROW_PAD)], osem.at[0]
                ).start()
                pltpu.make_async_copy(
                    tbuf.at[0], out_hbm.at[pl.ds(base, ROW_PAD)], osem.at[0]
                ).wait()

        if tail:
            @pl.when(wid == extra)
            def _():
                base = n_full * ROW_PAD
                pltpu.make_async_copy(
                    tabt_hbm.at[:, pl.ds(base, tail)], cbuf_t, isem.at[1]
                ).start()
                pltpu.make_async_copy(
                    tabt_hbm.at[:, pl.ds(base, tail)], cbuf_t, isem.at[1]
                ).wait()

                def row_body(r, carry):
                    col = jnp.full((LANES,), r, jnp.int32)
                    for g in range(EMBED_DIM // LANES):
                        v = plsc.load_gather(cbuf_t, [iotas[g], col])
                        tbuf[1, r, pl.ds(g * LANES, LANES)] = v
                    return carry

                lax.fori_loop(0, tail, row_body, 0)
                pltpu.make_async_copy(
                    tbuf.at[1].at[pl.ds(0, tail)],
                    out_hbm.at[pl.ds(base, tail)],
                    osem.at[1],
                ).start()
                pltpu.make_async_copy(
                    tbuf.at[1].at[pl.ds(0, tail)],
                    out_hbm.at[pl.ds(base, tail)],
                    osem.at[1],
                ).wait()

    return transpose_kernel


def _make_gather(batch: int, hist: int, vocab: int):
    bpw = batch // NUM_WORKERS
    nbuf = 4
    mesh = plsc.VectorSubcoreMesh(core_axis_name="c", subcore_axis_name="s")

    @functools.partial(
        pl.kernel,
        mesh=mesh,
        compiler_params=pltpu.CompilerParams(
            use_tc_tiling_on_sc=False, needs_layout_passes=False
        ),
        out_type=jax.ShapeDtypeStruct((hist, EMBED_DIM, batch), jnp.float32),
        scratch_types=[
            pltpu.VMEM((hist, bpw), jnp.int32),
            pltpu.VMEM((nbuf, bpw, ROW_PAD), jnp.float32),
            pltpu.VMEM((2, EMBED_DIM, bpw), jnp.float32),
            pltpu.SemaphoreType.DMA((nbuf,)),
            pltpu.SemaphoreType.DMA((2,)),
        ],
    )
    def gather_kernel(tab_hbm, xt_hbm, out_hbm, idx_v, rows_v, tbuf, gsem, osem):
        wid = lax.axis_index("s") * 2 + lax.axis_index("c")
        b0 = wid * bpw
        iotas = [lax.iota(jnp.int32, LANES) + g * LANES for g in range(8)]
        pltpu.sync_copy(xt_hbm.at[:, pl.ds(b0, bpw)], idx_v)

        def g_desc(h, b):
            return pltpu.make_async_copy(
                tab_hbm.at[idx_v.at[h]], rows_v.at[b], gsem.at[b]
            )

        def o_desc(h, tb):
            return pltpu.make_async_copy(
                tbuf.at[tb], out_hbm.at[h].at[:, pl.ds(b0, bpw)], osem.at[tb]
            )

        def transpose_rows(b, tb):
            def d_body(d, carry):
                row = jnp.full((LANES,), d, jnp.int32)
                for g in range(bpw // LANES):
                    v = plsc.load_gather(rows_v.at[b], [iotas[g], row])
                    tbuf[tb, d, pl.ds(g * LANES, LANES)] = v
                return carry

            lax.fori_loop(0, EMBED_DIM, d_body, 0)

        for b in range(nbuf):
            g_desc(b, b).start()

        def it(i, carry):
            for b in range(nbuf):
                h = nbuf * i + b
                tb = b % 2
                g_desc(h, b).wait()

                @pl.when(h >= 2)
                def _():
                    o_desc(h - 2, tb).wait()

                transpose_rows(b, tb)
                o_desc(h, tb).start()

                @pl.when(h + nbuf < hist)
                def _():
                    g_desc(h + nbuf, b).start()

            return carry

        lax.fori_loop(0, hist // nbuf, it, 0)
        for tb in range(2):
            o_desc(hist - 2 + tb, tb).wait()

    return gather_kernel


def kernel(x, table):
    batch, hist = x.shape
    vocab, _ = table.shape
    table_rm = _make_transpose(vocab)(table.T)
    out = _make_gather(batch, hist, vocab)(table_rm, x.T.astype(jnp.int32))
    return jnp.transpose(out, (2, 0, 1))

# --- scband reference (transcript-rebuilt; emitter-appended) ---
"""Pipeline reference for scband-embedding-26371099197552 (READ-ONLY COPY).

The authoritative reference and input builder live on the scoring server;
editing this copy changes nothing except your own understanding.
"""

import jax, jax.numpy as jnp
import numpy as np

VOCAB = 1000000
EMBED_DIM = 64
BATCH = 4096
HIST = 200

def setup_inputs(seed: int = 0) -> dict:
    key = jax.random.key(seed)
    k1, k2 = jax.random.split(key)
    x = jax.random.randint(k1, (BATCH, HIST), 0, VOCAB, dtype=jnp.int64 if jax.config.jax_enable_x64 else jnp.int32)
    table = jax.random.normal(k2, (VOCAB, EMBED_DIM), dtype=jnp.float32) * 0.02
    return {"x": x, "table": table}

def reference(x, table):
    # nn.Embedding forward: row gather from the embedding table
    return jnp.take(table, x, axis=0)

if __name__ == "__main__":
    import jax
    _d = setup_inputs()
    print(jax.jit(kernel)(*tuple(_d.values())))

</pallas_src>

<mosaic_0001>
#map = affine_map<(d0, d1) -> (0, 0)>
#map1 = affine_map<(d0, d1) -> (0, 0, 0)>
module attributes {stable_mosaic.version = 14 : i64} {
  func.func @gather_kernel(%arg0: i32, %arg1: i32, %arg2: memref<1000000x128xf32, #tpu.memory_space<hbm>>, %arg3: memref<200x4096xi32, #tpu.memory_space<hbm>>, %arg4: memref<200x64x4096xf32, #tpu.memory_space<hbm>>, %arg5: memref<200x128xi32, #tpu.memory_space<vmem>>, %arg6: memref<4x128x128xf32, #tpu.memory_space<vmem>>, %arg7: memref<2x64x128xf32, #tpu.memory_space<vmem>>, %arg8: memref<4x!tpu.dma_semaphore, #tpu.memory_space<semaphore_mem>>, %arg9: memref<2x!tpu.dma_semaphore, #tpu.memory_space<semaphore_mem>>) attributes {dimension_semantics = [#tpu.dimension_semantics<core_parallel>, #tpu.dimension_semantics<subcore_parallel>], iteration_bounds = array<i64: 2, 16>, scalar_prefetch = 0 : i64, scratch_operands = 5 : i64, tpu.core_type = #tpu.core_type<sc_vector_subcore>, window_params = [{transform_indices = #map}, {transform_indices = #map}, {transform_indices = #map1}]} {
    %mul3A = arith.constant 2 : i32
    %mul3A_0 = arith.muli %arg1, %mul3A : i32
    %add3A = arith.addi %mul3A_0, %arg0 : i32
    %mul3A_1 = arith.constant 128 : i32
    %mul3A_2 = arith.muli %add3A, %mul3A_1 : i32
    %iota3A = tpu.iota {dimensions = array<i32: 0>} : vector<16xi32>
    %add3A_3 = arith.constant 0 : i32
    %add3A_4 = vector.broadcast %add3A_3 : i32 to vector<16xi32>
    %add3A_5 = arith.addi %iota3A, %add3A_4 : vector<16xi32>
    %iota3A_6 = tpu.iota {dimensions = array<i32: 0>} : vector<16xi32>
    %add3A_7 = arith.constant 16 : i32
    %add3A_8 = vector.broadcast %add3A_7 : i32 to vector<16xi32>
    %add3A_9 = arith.addi %iota3A_6, %add3A_8 : vector<16xi32>
    %iota3A_10 = tpu.iota {dimensions = array<i32: 0>} : vector<16xi32>
    %add3A_11 = arith.constant 32 : i32
    %add3A_12 = vector.broadcast %add3A_11 : i32 to vector<16xi32>
    %add3A_13 = arith.addi %iota3A_10, %add3A_12 : vector<16xi32>
    %iota3A_14 = tpu.iota {dimensions = array<i32: 0>} : vector<16xi32>
    %add3A_15 = arith.constant 48 : i32
    %add3A_16 = vector.broadcast %add3A_15 : i32 to vector<16xi32>
    %add3A_17 = arith.addi %iota3A_14, %add3A_16 : vector<16xi32>
    %iota3A_18 = tpu.iota {dimensions = array<i32: 0>} : vector<16xi32>
    %add3A_19 = arith.constant 64 : i32
    %add3A_20 = vector.broadcast %add3A_19 : i32 to vector<16xi32>
    %add3A_21 = arith.addi %iota3A_18, %add3A_20 : vector<16xi32>
    %iota3A_22 = tpu.iota {dimensions = array<i32: 0>} : vector<16xi32>
    %add3A_23 = arith.constant 80 : i32
    %add3A_24 = vector.broadcast %add3A_23 : i32 to vector<16xi32>
    %add3A_25 = arith.addi %iota3A_22, %add3A_24 : vector<16xi32>
    %iota3A_26 = tpu.iota {dimensions = array<i32: 0>} : vector<16xi32>
    %add3A_27 = arith.constant 96 : i32
    %add3A_28 = vector.broadcast %add3A_27 : i32 to vector<16xi32>
    %add3A_29 = arith.addi %iota3A_26, %add3A_28 : vector<16xi32>
    %iota3A_30 = tpu.iota {dimensions = array<i32: 0>} : vector<16xi32>
    %add3A_31 = arith.constant 112 : i32
    %add3A_32 = vector.broadcast %add3A_31 : i32 to vector<16xi32>
    %add3A_33 = arith.addi %iota3A_30, %add3A_32 : vector<16xi32>
    "tpu.region"() ({
      %run_scoped3A = tpu.sem_alloc : memref<!tpu.dma_semaphore, #tpu.memory_space<semaphore_mem>>
      %dma_start3A_147 = arith.constant 0 : i32
      %dma_start3A_148 = tpu.memref_slice %arg3[%dma_start3A_147, %mul3A_2] : memref<200x4096xi32, #tpu.memory_space<hbm>> -> memref<200x128xi32, #tpu.memory_space<hbm>>
      %dma_start3A_149 = arith.constant 0 : i32
      %dma_start3A_150 = tpu.memref_slice %arg3[%dma_start3A_149, %mul3A_2] : memref<200x4096xi32, #tpu.memory_space<hbm>> -> memref<200x128xi32, #tpu.memory_space<hbm>>
      tpu.enqueue_dma source(%dma_start3A_150 : memref<200x128xi32, #tpu.memory_space<hbm>>) target(%arg5 : memref<200x128xi32, #tpu.memory_space<vmem>>) target_semaphore(%run_scoped3A : memref<!tpu.dma_semaphore, #tpu.memory_space<semaphore_mem>>)
      %dma_wait3A_151 = arith.constant 0 : i32
      %dma_wait3A_152 = tpu.memref_slice %arg3[%dma_wait3A_151, %mul3A_2] : memref<200x4096xi32, #tpu.memory_space<hbm>> -> memref<200x128xi32, #tpu.memory_space<hbm>>
      %dma_wait3A_153 = arith.constant 0 : i32
      %dma_wait3A_154 = tpu.memref_slice %arg3[%dma_wait3A_153, %mul3A_2] : memref<200x4096xi32, #tpu.memory_space<hbm>> -> memref<200x128xi32, #tpu.memory_space<hbm>>
      tpu.wait_dma2 semaphore(%run_scoped3A : memref<!tpu.dma_semaphore, #tpu.memory_space<semaphore_mem>>) src(%dma_wait3A_154 : memref<200x128xi32, #tpu.memory_space<hbm>>) dst(%arg5 : memref<200x128xi32, #tpu.memory_space<vmem>>)
      tpu.yield
    }) : () -> ()
    %dma_start3A = arith.constant 0 : i32
    %dma_start3A_34 = arith.constant 0 : i32
    %dma_start3A_35 = arith.constant 0 : i32
    %dma_start3A_36 = arith.constant 0 : i32
    %dma_start3A_37 = arith.constant 0 : i32
    %dma_start3A_38 = tpu.memref_slice %arg6[%dma_start3A_34, %dma_start3A_36, %dma_start3A_37] : memref<4x128x128xf32, #tpu.memory_space<vmem>> -> memref<1x128x128xf32, #tpu.memory_space<vmem>>
    %dma_start3A_39 = tpu.memref_squeeze %dma_start3A_38 : memref<1x128x128xf32, #tpu.memory_space<vmem>> -> memref<128x128xf32, #tpu.memory_space<vmem>>
    %dma_start3A_40 = arith.constant 0 : i32
    %dma_start3A_41 = tpu.memref_slice %arg5[%dma_start3A, %dma_start3A_40] : memref<200x128xi32, #tpu.memory_space<vmem>> -> memref<1x128xi32, #tpu.memory_space<vmem>>
    %dma_start3A_42 = tpu.memref_squeeze %dma_start3A_41 : memref<1x128xi32, #tpu.memory_space<vmem>> -> memref<128xi32, #tpu.memory_space<vmem>>
    %dma_start3A_43 = arith.constant 0 : i32
    %dma_start3A_44 = arith.constant 0 : i32
    %dma_start3A_45 = tpu.memref_slice %arg2[%dma_start3A_43, %dma_start3A_44] : memref<1000000x128xf32, #tpu.memory_space<hbm>> -> memref<1000000x128xf32, #tpu.memory_space<hbm>>
    %dma_start3A_46 = tpu.memref_slice %arg8[%dma_start3A_35] : memref<4x!tpu.dma_semaphore, #tpu.memory_space<semaphore_mem>> -> memref<1x!tpu.dma_semaphore, #tpu.memory_space<semaphore_mem>>
    %dma_start3A_47 = tpu.memref_squeeze %dma_start3A_46 : memref<1x!tpu.dma_semaphore, #tpu.memory_space<semaphore_mem>> -> memref<!tpu.dma_semaphore, #tpu.memory_space<semaphore_mem>>
    tpu.enqueue_indirect_dma source(%dma_start3A_45 : memref<1000000x128xf32, #tpu.memory_space<hbm>>) target(%dma_start3A_39 : memref<128x128xf32, #tpu.memory_space<vmem>>) offsets(%dma_start3A_42 : memref<128xi32, #tpu.memory_space<vmem>>) semaphore(%dma_start3A_47 : memref<!tpu.dma_semaphore, #tpu.memory_space<semaphore_mem>>)
    %dma_start3A_48 = arith.constant 1 : i32
    %dma_start3A_49 = arith.constant 1 : i32
    %dma_start3A_50 = arith.constant 1 : i32
    %dma_start3A_51 = arith.constant 0 : i32
    %dma_start3A_52 = arith.constant 0 : i32
    %dma_start3A_53 = tpu.memref_slice %arg6[%dma_start3A_49, %dma_start3A_51, %dma_start3A_52] : memref<4x128x128xf32, #tpu.memory_space<vmem>> -> memref<1x128x128xf32, #tpu.memory_space<vmem>>
    %dma_start3A_54 = tpu.memref_squeeze %dma_start3A_53 : memref<1x128x128xf32, #tpu.memory_space<vmem>> -> memref<128x128xf32, #tpu.memory_space<vmem>>
    %dma_start3A_55 = arith.constant 0 : i32
    %dma_start3A_56 = tpu.memref_slice %arg5[%dma_start3A_48, %dma_start3A_55] : memref<200x128xi32, #tpu.memory_space<vmem>> -> memref<1x128xi32, #tpu.memory_space<vmem>>
    %dma_start3A_57 = tpu.memref_squeeze %dma_start3A_56 : memref<1x128xi32, #tpu.memory_space<vmem>> -> memref<128xi32, #tpu.memory_space<vmem>>
    %dma_start3A_58 = arith.constant 0 : i32
    %dma_start3A_59 = arith.constant 0 : i32
    %dma_start3A_60 = tpu.memref_slice %arg2[%dma_start3A_58, %dma_start3A_59] : memref<1000000x128xf32, #tpu.memory_space<hbm>> -> memref<1000000x128xf32, #tpu.memory_space<hbm>>
    %dma_start3A_61 = tpu.memref_slice %arg8[%dma_start3A_50] : memref<4x!tpu.dma_semaphore, #tpu.memory_space<semaphore_mem>> -> memref<1x!tpu.dma_semaphore, #tpu.memory_space<semaphore_mem>>
    %dma_start3A_62 = tpu.memref_squeeze %dma_start3A_61 : memref<1x!tpu.dma_semaphore, #tpu.memory_space<semaphore_mem>> -> memref<!tpu.dma_semaphore, #tpu.memory_space<semaphore_mem>>
    tpu.enqueue_indirect_dma source(%dma_start3A_60 : memref<1000000x128xf32, #tpu.memory_space<hbm>>) target(%dma_start3A_54 : memref<128x128xf32, #tpu.memory_space<vmem>>) offsets(%dma_start3A_57 : memref<128xi32, #tpu.memory_space<vmem>>) semaphore(%dma_start3A_62 : memref<!tpu.dma_semaphore, #tpu.memory_space<semaphore_mem>>)
    %dma_start3A_63 = arith.constant 2 : i32
    %dma_start3A_64 = arith.constant 2 : i32
    %dma_start3A_65 = arith.constant 2 : i32
    %dma_start3A_66 = arith.constant 0 : i32
    %dma_start3A_67 = arith.constant 0 : i32
    %dma_start3A_68 = tpu.memref_slice %arg6[%dma_start3A_64, %dma_start3A_66, %dma_start3A_67] : memref<4x128x128xf32, #tpu.memory_space<vmem>> -> memref<1x128x128xf32, #tpu.memory_space<vmem>>
    %dma_start3A_69 = tpu.memref_squeeze %dma_start3A_68 : memref<1x128x128xf32, #tpu.memory_space<vmem>> -> memref<128x128xf32, #tpu.memory_space<vmem>>
    %dma_start3A_70 = arith.constant 0 : i32
    %dma_start3A_71 = tpu.memref_slice %arg5[%dma_start3A_63, %dma_start3A_70] : memref<200x128xi32, #tpu.memory_space<vmem>> -> memref<1x128xi32, #tpu.memory_space<vmem>>
    %dma_start3A_72 = tpu.memref_squeeze %dma_start3A_71 : memref<1x128xi32, #tpu.memory_space<vmem>> -> memref<128xi32, #tpu.memory_space<vmem>>
    %dma_start3A_73 = arith.constant 0 : i32
    %dma_start3A_74 = arith.constant 0 : i32
    %dma_start3A_75 = tpu.memref_slice %arg2[%dma_start3A_73, %dma_start3A_74] : memref<1000000x128xf32, #tpu.memory_space<hbm>> -> memref<1000000x128xf32, #tpu.memory_space<hbm>>
    %dma_start3A_76 = tpu.memref_slice %arg8[%dma_start3A_65] : memref<4x!tpu.dma_semaphore, #tpu.memory_space<semaphore_mem>> -> memref<1x!tpu.dma_semaphore, #tpu.memory_space<semaphore_mem>>
    %dma_start3A_77 = tpu.memref_squeeze %dma_start3A_76 : memref<1x!tpu.dma_semaphore, #tpu.memory_space<semaphore_mem>> -> memref<!tpu.dma_semaphore, #tpu.memory_space<semaphore_mem>>
    tpu.enqueue_indirect_dma source(%dma_start3A_75 : memref<1000000x128xf32, #tpu.memory_space<hbm>>) target(%dma_start3A_69 : memref<128x128xf32, #tpu.memory_space<vmem>>) offsets(%dma_start3A_72 : memref<128xi32, #tpu.memory_space<vmem>>) semaphore(%dma_start3A_77 : memref<!tpu.dma_semaphore, #tpu.memory_space<semaphore_mem>>)
    %dma_start3A_78 = arith.constant 3 : i32
    %dma_start3A_79 = arith.constant 3 : i32
    %dma_start3A_80 = arith.constant 3 : i32
    %dma_start3A_81 = arith.constant 0 : i32
    %dma_start3A_82 = arith.constant 0 : i32
    %dma_start3A_83 = tpu.memref_slice %arg6[%dma_start3A_79, %dma_start3A_81, %dma_start3A_82] : memref<4x128x128xf32, #tpu.memory_space<vmem>> -> memref<1x128x128xf32, #tpu.memory_space<vmem>>
    %dma_start3A_84 = tpu.memref_squeeze %dma_start3A_83 : memref<1x128x128xf32, #tpu.memory_space<vmem>> -> memref<128x128xf32, #tpu.memory_space<vmem>>
    %dma_start3A_85 = arith.constant 0 : i32
    %dma_start3A_86 = tpu.memref_slice %arg5[%dma_start3A_78, %dma_start3A_85] : memref<200x128xi32, #tpu.memory_space<vmem>> -> memref<1x128xi32, #tpu.memory_space<vmem>>
    %dma_start3A_87 = tpu.memref_squeeze %dma_start3A_86 : memref<1x128xi32, #tpu.memory_space<vmem>> -> memref<128xi32, #tpu.memory_space<vmem>>
    %dma_start3A_88 = arith.constant 0 : i32
    %dma_start3A_89 = arith.constant 0 : i32
    %dma_start3A_90 = tpu.memref_slice %arg2[%dma_start3A_88, %dma_start3A_89] : memref<1000000x128xf32, #tpu.memory_space<hbm>> -> memref<1000000x128xf32, #tpu.memory_space<hbm>>
    %dma_start3A_91 = tpu.memref_slice %arg8[%dma_start3A_80] : memref<4x!tpu.dma_semaphore, #tpu.memory_space<semaphore_mem>> -> memref<1x!tpu.dma_semaphore, #tpu.memory_space<semaphore_mem>>
    %dma_start3A_92 = tpu.memref_squeeze %dma_start3A_91 : memref<1x!tpu.dma_semaphore, #tpu.memory_space<semaphore_mem>> -> memref<!tpu.dma_semaphore, #tpu.memory_space<semaphore_mem>>
    tpu.enqueue_indirect_dma source(%dma_start3A_90 : memref<1000000x128xf32, #tpu.memory_space<hbm>>) target(%dma_start3A_84 : memref<128x128xf32, #tpu.memory_space<vmem>>) offsets(%dma_start3A_87 : memref<128xi32, #tpu.memory_space<vmem>>) semaphore(%dma_start3A_92 : memref<!tpu.dma_semaphore, #tpu.memory_space<semaphore_mem>>)
    %scan3A = arith.constant 0 : i32
    %scan3A_93 = arith.constant 0 : i32
    %scan3A_94 = arith.constant 50 : i32
    %scan3A_95 = arith.addi %scan3A_93, %scan3A_94 : i32
    %scan3A_96 = arith.constant 1 : i32
    scf.for %scan3A_147 = %scan3A_93 to %scan3A_95 step %scan3A_96  : i32 {
      %mul3A_148 = arith.constant 4 : i32
      %mul3A_149 = arith.muli %mul3A_148, %scan3A_147 : i32
      %add3A_150 = arith.constant 0 : i32
      %add3A_151 = arith.addi %mul3A_149, %add3A_150 : i32
      %dma_wait3A_152 = arith.constant 0 : i32
      %dma_wait3A_153 = arith.constant 0 : i32
      %dma_wait3A_154 = arith.constant 0 : i32
      %dma_wait3A_155 = arith.constant 0 : i32
      %dma_wait3A_156 = tpu.memref_slice %arg6[%dma_wait3A_152, %dma_wait3A_154, %dma_wait3A_155] : memref<4x128x128xf32, #tpu.memory_space<vmem>> -> memref<1x128x128xf32, #tpu.memory_space<vmem>>
      %dma_wait3A_157 = tpu.memref_squeeze %dma_wait3A_156 : memref<1x128x128xf32, #tpu.memory_space<vmem>> -> memref<128x128xf32, #tpu.memory_space<vmem>>
      %dma_wait3A_158 = arith.constant 0 : i32
      %dma_wait3A_159 = tpu.memref_slice %arg5[%add3A_151, %dma_wait3A_158] : memref<200x128xi32, #tpu.memory_space<vmem>> -> memref<1x128xi32, #tpu.memory_space<vmem>>
      %dma_wait3A_160 = tpu.memref_squeeze %dma_wait3A_159 : memref<1x128xi32, #tpu.memory_space<vmem>> -> memref<128xi32, #tpu.memory_space<vmem>>
      %dma_wait3A_161 = arith.constant 0 : i32
      %dma_wait3A_162 = arith.constant 0 : i32
      %dma_wait3A_163 = tpu.memref_slice %arg2[%dma_wait3A_161, %dma_wait3A_162] : memref<1000000x128xf32, #tpu.memory_space<hbm>> -> memref<1000000x128xf32, #tpu.memory_space<hbm>>
      %dma_wait3A_164 = tpu.memref_slice %arg8[%dma_wait3A_153] : memref<4x!tpu.dma_semaphore, #tpu.memory_space<semaphore_mem>> -> memref<1x!tpu.dma_semaphore, #tpu.memory_space<semaphore_mem>>
      %dma_wait3A_165 = tpu.memref_squeeze %dma_wait3A_164 : memref<1x!tpu.dma_semaphore, #tpu.memory_space<semaphore_mem>> -> memref<!tpu.dma_semaphore, #tpu.memory_space<semaphore_mem>>
      tpu.wait_indirect_dma semaphore(%dma_wait3A_165 : memref<!tpu.dma_semaphore, #tpu.memory_space<semaphore_mem>>) src(%dma_wait3A_163 : memref<1000000x128xf32, #tpu.memory_space<hbm>>) dst(%dma_wait3A_157 : memref<128x128xf32, #tpu.memory_space<vmem>>)
      %ge3A = arith.constant 2 : i32
      %ge3A_166 = arith.cmpi sge, %add3A_151, %ge3A : i32
      %convert_element_type3A = arith.extui %ge3A_166 : i1 to i32
      %cond3A = arith.constant 0 : i32
      %cond3A_167 = arith.cmpi ne, %convert_element_type3A, %cond3A : i32
      scf.if %cond3A_167 {
        %sub3A = arith.constant 2 : i32
        %sub3A_384 = arith.subi %add3A_151, %sub3A : i32
        %dma_wait3A_385 = arith.constant 0 : i32
        %dma_wait3A_386 = arith.constant 0 : i32
        %dma_wait3A_387 = arith.constant 0 : i32
        %dma_wait3A_388 = arith.constant 0 : i32
        %dma_wait3A_389 = tpu.memref_slice %arg7[%dma_wait3A_385, %dma_wait3A_387, %dma_wait3A_388] : memref<2x64x128xf32, #tpu.memory_space<vmem>> -> memref<1x64x128xf32, #tpu.memory_space<vmem>>
        %dma_wait3A_390 = tpu.memref_squeeze %dma_wait3A_389 : memref<1x64x128xf32, #tpu.memory_space<vmem>> -> memref<64x128xf32, #tpu.memory_space<vmem>>
        %dma_wait3A_391 = arith.constant 0 : i32
        %dma_wait3A_392 = arith.constant 0 : i32
        %dma_wait3A_393 = tpu.memref_slice %arg4[%sub3A_384, %dma_wait3A_391, %dma_wait3A_392] : memref<200x64x4096xf32, #tpu.memory_space<hbm>> -> memref<1x64x4096xf32, #tpu.memory_space<hbm>>
        %dma_wait3A_394 = tpu.memref_squeeze %dma_wait3A_393 : memref<1x64x4096xf32, #tpu.memory_space<hbm>> -> memref<64x4096xf32, #tpu.memory_space<hbm>>
        %dma_wait3A_395 = arith.constant 0 : i32
        %dma_wait3A_396 = tpu.memref_slice %dma_wait3A_394[%dma_wait3A_395, %mul3A_2] : memref<64x4096xf32, #tpu.memory_space<hbm>> -> memref<64x128xf32, #tpu.memory_space<hbm>>
        %dma_wait3A_397 = tpu.memref_slice %arg9[%dma_wait3A_386] : memref<2x!tpu.dma_semaphore, #tpu.memory_space<semaphore_mem>> -> memref<1x!tpu.dma_semaphore, #tpu.memory_space<semaphore_mem>>
        %dma_wait3A_398 = tpu.memref_squeeze %dma_wait3A_397 : memref<1x!tpu.dma_semaphore, #tpu.memory_space<semaphore_mem>> -> memref<!tpu.dma_semaphore, #tpu.memory_space<semaphore_mem>>
        %dma_wait3A_399 = arith.constant 0 : i32
        %dma_wait3A_400 = arith.constant 0 : i32
        %dma_wait3A_401 = tpu.memref_slice %arg4[%sub3A_384, %dma_wait3A_399, %dma_wait3A_400] : memref<200x64x4096xf32, #tpu.memory_space<hbm>> -> memref<1x64x4096xf32, #tpu.memory_space<hbm>>
        %dma_wait3A_402 = tpu.memref_squeeze %dma_wait3A_401 : memref<1x64x4096xf32, #tpu.memory_space<hbm>> -> memref<64x4096xf32, #tpu.memory_space<hbm>>
        %dma_wait3A_403 = arith.constant 0 : i32
        %dma_wait3A_404 = tpu.memref_slice %dma_wait3A_402[%dma_wait3A_403, %mul3A_2] : memref<64x4096xf32, #tpu.memory_space<hbm>> -> memref<64x128xf32, #tpu.memory_space<hbm>>
        %dma_wait3A_405 = arith.constant 0 : i32
        %dma_wait3A_406 = arith.constant 0 : i32
        %dma_wait3A_407 = tpu.memref_slice %arg7[%dma_wait3A_385, %dma_wait3A_405, %dma_wait3A_406] : memref<2x64x128xf32, #tpu.memory_space<vmem>> -> memref<1x64x128xf32, #tpu.memory_space<vmem>>
        %dma_wait3A_408 = tpu.memref_squeeze %dma_wait3A_407 : memref<1x64x128xf32, #tpu.memory_space<vmem>> -> memref<64x128xf32, #tpu.memory_space<vmem>>
        tpu.wait_dma2 semaphore(%dma_wait3A_398 : memref<!tpu.dma_semaphore, #tpu.memory_space<semaphore_mem>>) src(%dma_wait3A_408 : memref<64x128xf32, #tpu.memory_space<vmem>>) dst(%dma_wait3A_404 : memref<64x128xf32, #tpu.memory_space<hbm>>)
      } else {
      }
      %scan3A_168 = arith.constant 0 : i32
      %scan3A_169 = arith.constant 0 : i32
      %scan3A_170 = arith.constant 64 : i32
      %scan3A_171 = arith.addi %scan3A_169, %scan3A_170 : i32
      %scan3A_172 = arith.constant 1 : i32
      scf.for %scan3A_384 = %scan3A_169 to %scan3A_171 step %scan3A_172  : i32 {
        %broadcast_in_dim3A = vector.broadcast %scan3A_384 : i32 to vector<16xi32>
        %gather3A = arith.constant 0 : i32
        %gather3A_385 = arith.constant 0 : i32
        %gather3A_386 = arith.constant 0 : i32
        %gather3A_387 = tpu.memref_slice %arg6[%gather3A, %gather3A_385, %gather3A_386] : memref<4x128x128xf32, #tpu.memory_space<vmem>> -> memref<1x128x128xf32, #tpu.memory_space<vmem>>
        %gather3A_388 = tpu.memref_squeeze %gather3A_387 : memref<1x128x128xf32, #tpu.memory_space<vmem>> -> memref<128x128xf32, #tpu.memory_space<vmem>>
        %gather3A_389 = tpu.vector_load_idx %gather3A_388[%add3A_5, %broadcast_in_dim3A] : memref<128x128xf32, #tpu.memory_space<vmem>>[vector<16xi32>, vector<16xi32>], vector<16xf32>,
        %swap3A = arith.constant 0 : i32
        %swap3A_390 = arith.index_cast %swap3A : i32 to index
        %swap3A_391 = arith.index_cast %scan3A_384 : i32 to index
        %swap3A_392 = arith.constant 0 : index
        %swap3A_393 = tpu.vector_load %arg7[%swap3A_390, %swap3A_391, %swap3A_392] {strides = array<i32>} : memref<2x64x128xf32, #tpu.memory_space<vmem>>, vector<16xf32>,
        tpu.vector_store %arg7[%swap3A_390, %swap3A_391, %swap3A_392], %gather3A_389 {strides = array<i32>} : memref<2x64x128xf32, #tpu.memory_space<vmem>>, vector<16xf32>,
        %gather3A_394 = arith.constant 0 : i32
        %gather3A_395 = arith.constant 0 : i32
        %gather3A_396 = arith.constant 0 : i32
        %gather3A_397 = tpu.memref_slice %arg6[%gather3A_394, %gather3A_395, %gather3A_396] : memref<4x128x128xf32, #tpu.memory_space<vmem>> -> memref<1x128x128xf32, #tpu.memory_space<vmem>>
        %gather3A_398 = tpu.memref_squeeze %gather3A_397 : memref<1x128x128xf32, #tpu.memory_space<vmem>> -> memref<128x128xf32, #tpu.memory_space<vmem>>
        %gather3A_399 = tpu.vector_load_idx %gather3A_398[%add3A_9, %broadcast_in_dim3A] : memref<128x128xf32, #tpu.memory_space<vmem>>[vector<16xi32>, vector<16xi32>], vector<16xf32>,
        %swap3A_400 = arith.constant 0 : i32
        %swap3A_401 = arith.index_cast %swap3A_400 : i32 to index
        %swap3A_402 = arith.index_cast %scan3A_384 : i32 to index
        %swap3A_403 = arith.constant 16 : index
        %swap3A_404 = tpu.vector_load %arg7[%swap3A_401, %swap3A_402, %swap3A_403] {strides = array<i32>} : memref<2x64x128xf32, #tpu.memory_space<vmem>>, vector<16xf32>,
        tpu.vector_store %arg7[%swap3A_401, %swap3A_402, %swap3A_403], %gather3A_399 {strides = array<i32>} : memref<2x64x128xf32, #tpu.memory_space<vmem>>, vector<16xf32>,
        %gather3A_405 = arith.constant 0 : i32
        %gather3A_406 = arith.constant 0 : i32
        %gather3A_407 = arith.constant 0 : i32
        %gather3A_408 = tpu.memref_slice %arg6[%gather3A_405, %gather3A_406, %gather3A_407] : memref<4x128x128xf32, #tpu.memory_space<vmem>> -> memref<1x128x128xf32, #tpu.memory_space<vmem>>
        %gather3A_409 = tpu.memref_squeeze %gather3A_408 : memref<1x128x128xf32, #tpu.memory_space<vmem>> -> memref<128x128xf32, #tpu.memory_space<vmem>>
        %gather3A_410 = tpu.vector_load_idx %gather3A_409[%add3A_13, %broadcast_in_dim3A] : memref<128x128xf32, #tpu.memory_space<vmem>>[vector<16xi32>, vector<16xi32>], vector<16xf32>,
        %swap3A_411 = arith.constant 0 : i32
        %swap3A_412 = arith.index_cast %swap3A_411 : i32 to index
        %swap3A_413 = arith.index_cast %scan3A_384 : i32 to index
        %swap3A_414 = arith.constant 32 : index
        %swap3A_415 = tpu.vector_load %arg7[%swap3A_412, %swap3A_413, %swap3A_414] {strides = array<i32>} : memref<2x64x128xf32, #tpu.memory_space<vmem>>, vector<16xf32>,
        tpu.vector_store %arg7[%swap3A_412, %swap3A_413, %swap3A_414], %gather3A_410 {strides = array<i32>} : memref<2x64x128xf32, #tpu.memory_space<vmem>>, vector<16xf32>,
        %gather3A_416 = arith.constant 0 : i32
        %gather3A_417 = arith.constant 0 : i32
        %gather3A_418 = arith.constant 0 : i32
        %gather3A_419 = tpu.memref_slice %arg6[%gather3A_416, %gather3A_417, %gather3A_418] : memref<4x128x128xf32, #tpu.memory_space<vmem>> -> memref<1x128x128xf32, #tpu.memory_space<vmem>>
        %gather3A_420 = tpu.memref_squeeze %gather3A_419 : memref<1x128x128xf32, #tpu.memory_space<vmem>> -> memref<128x128xf32, #tpu.memory_space<vmem>>
        %gather3A_421 = tpu.vector_load_idx %gather3A_420[%add3A_17, %broadcast_in_dim3A] : memref<128x128xf32, #tpu.memory_space<vmem>>[vector<16xi32>, vector<16xi32>], vector<16xf32>,
        %swap3A_422 = arith.constant 0 : i32
        %swap3A_423 = arith.index_cast %swap3A_422 : i32 to index
        %swap3A_424 = arith.index_cast %scan3A_384 : i32 to index
        %swap3A_425 = arith.constant 48 : index
        %swap3A_426 = tpu.vector_load %arg7[%swap3A_423, %swap3A_424, %swap3A_425] {strides = array<i32>} : memref<2x64x128xf32, #tpu.memory_space<vmem>>, vector<16xf32>,
        tpu.vector_store %arg7[%swap3A_423, %swap3A_424, %swap3A_425], %gather3A_421 {strides = array<i32>} : memref<2x64x128xf32, #tpu.memory_space<vmem>>, vector<16xf32>,
        %gather3A_427 = arith.constant 0 : i32
        %gather3A_428 = arith.constant 0 : i32
        %gather3A_429 = arith.constant 0 : i32
        %gather3A_430 = tpu.memref_slice %arg6[%gather3A_427, %gather3A_428, %gather3A_429] : memref<4x128x128xf32, #tpu.memory_space<vmem>> -> memref<1x128x128xf32, #tpu.memory_space<vmem>>
        %gather3A_431 = tpu.memref_squeeze %gather3A_430 : memref<1x128x128xf32, #tpu.memory_space<vmem>> -> memref<128x128xf32, #tpu.memory_space<vmem>>
        %gather3A_432 = tpu.vector_load_idx %gather3A_431[%add3A_21, %broadcast_in_dim3A] : memref<128x128xf32, #tpu.memory_space<vmem>>[vector<16xi32>, vector<16xi32>], vector<16xf32>,
        %swap3A_433 = arith.constant 0 : i32
        %swap3A_434 = arith.index_cast %swap3A_433 : i32 to index
        %swap3A_435 = arith.index_cast %scan3A_384 : i32 to index
        %swap3A_436 = arith.constant 64 : index
        %swap3A_437 = tpu.vector_load %arg7[%swap3A_434, %swap3A_435, %swap3A_436] {strides = array<i32>} : memref<2x64x128xf32, #tpu.memory_space<vmem>>, vector<16xf32>,
        tpu.vector_store %arg7[%swap3A_434, %swap3A_435, %swap3A_436], %gather3A_432 {strides = array<i32>} : memref<2x64x128xf32, #tpu.memory_space<vmem>>, vector<16xf32>,
        %gather3A_438 = arith.constant 0 : i32
        %gather3A_439 = arith.constant 0 : i32
        %gather3A_440 = arith.constant 0 : i32
        %gather3A_441 = tpu.memref_slice %arg6[%gather3A_438, %gather3A_439, %gather3A_440] : memref<4x128x128xf32, #tpu.memory_space<vmem>> -> memref<1x128x128xf32, #tpu.memory_space<vmem>>
        %gather3A_442 = tpu.memref_squeeze %gather3A_441 : memref<1x128x128xf32, #tpu.memory_space<vmem>> -> memref<128x128xf32, #tpu.memory_space<vmem>>
        %gather3A_443 = tpu.vector_load_idx %gather3A_442[%add3A_25, %broadcast_in_dim3A] : memref<128x128xf32, #tpu.memory_space<vmem>>[vector<16xi32>, vector<16xi32>], vector<16xf32>,
        %swap3A_444 = arith.constant 0 : i32
        %swap3A_445 = arith.index_cast %swap3A_444 : i32 to index
        %swap3A_446 = arith.index_cast %scan3A_384 : i32 to index
        %swap3A_447 = arith.constant 80 : index
        %swap3A_448 = tpu.vector_load %arg7[%swap3A_445, %swap3A_446, %swap3A_447] {strides = array<i32>} : memref<2x64x128xf32, #tpu.memory_space<vmem>>, vector<16xf32>,
        tpu.vector_store %arg7[%swap3A_445, %swap3A_446, %swap3A_447], %gather3A_443 {strides = array<i32>} : memref<2x64x128xf32, #tpu.memory_space<vmem>>, vector<16xf32>,
        %gather3A_449 = arith.constant 0 : i32
        %gather3A_450 = arith.constant 0 : i32
        %gather3A_451 = arith.constant 0 : i32
        %gather3A_452 = tpu.memref_slice %arg6[%gather3A_449, %gather3A_450, %gather3A_451] : memref<4x128x128xf32, #tpu.memory_space<vmem>> -> memref<1x128x128xf32, #tpu.memory_space<vmem>>
        %gather3A_453 = tpu.memref_squeeze %gather3A_452 : memref<1x128x128xf32, #tpu.memory_space<vmem>> -> memref<128x128xf32, #tpu.memory_space<vmem>>
        %gather3A_454 = tpu.vector_load_idx %gather3A_453[%add3A_29, %broadcast_in_dim3A] : memref<128x128xf32, #tpu.memory_space<vmem>>[vector<16xi32>, vector<16xi32>], vector<16xf32>,
        %swap3A_455 = arith.constant 0 : i32
        %swap3A_456 = arith.index_cast %swap3A_455 : i32 to index
        %swap3A_457 = arith.index_cast %scan3A_384 : i32 to index
        %swap3A_458 = arith.constant 96 : index
        %swap3A_459 = tpu.vector_load %arg7[%swap3A_456, %swap3A_457, %swap3A_458] {strides = array<i32>} : memref<2x64x128xf32, #tpu.memory_space<vmem>>, vector<16xf32>,
        tpu.vector_store %arg7[%swap3A_456, %swap3A_457, %swap3A_458], %gather3A_454 {strides = array<i32>} : memref<2x64x128xf32, #tpu.memory_space<vmem>>, vector<16xf32>,
        %gather3A_460 = arith.constant 0 : i32
        %gather3A_461 = arith.constant 0 : i32
        %gather3A_462 = arith.constant 0 : i32
        %gather3A_463 = tpu.memref_slice %arg6[%gather3A_460, %gather3A_461, %gather3A_462] : memref<4x128x128xf32, #tpu.memory_space<vmem>> -> memref<1x128x128xf32, #tpu.memory_space<vmem>>
        %gather3A_464 = tpu.memref_squeeze %gather3A_463 : memref<1x128x128xf32, #tpu.memory_space<vmem>> -> memref<128x128xf32, #tpu.memory_space<vmem>>
        %gather3A_465 = tpu.vector_load_idx %gather3A_464[%add3A_33, %broadcast_in_dim3A] : memref<128x128xf32, #tpu.memory_space<vmem>>[vector<16xi32>, vector<16xi32>], vector<16xf32>,
        %swap3A_466 = arith.constant 0 : i32
        %swap3A_467 = arith.index_cast %swap3A_466 : i32 to index
        %swap3A_468 = arith.index_cast %scan3A_384 : i32 to index
        %swap3A_469 = arith.constant 112 : index
        %swap3A_470 = tpu.vector_load %arg7[%swap3A_467, %swap3A_468, %swap3A_469] {strides = array<i32>} : memref<2x64x128xf32, #tpu.memory_space<vmem>>, vector<16xf32>,
        tpu.vector_store %arg7[%swap3A_467, %swap3A_468, %swap3A_469], %gather3A_465 {strides = array<i32>} : memref<2x64x128xf32, #tpu.memory_space<vmem>>, vector<16xf32>,
      }
      %scan3A_173 = arith.constant 64 : i32
      %dma_start3A_174 = arith.constant 0 : i32
      %dma_start3A_175 = arith.constant 0 : i32
      %dma_start3A_176 = arith.constant 0 : i32
      %dma_start3A_177 = arith.constant 0 : i32
      %dma_start3A_178 = tpu.memref_slice %arg7[%dma_start3A_174, %dma_start3A_176, %dma_start3A_177] : memref<2x64x128xf32, #tpu.memory_space<vmem>> -> memref<1x64x128xf32, #tpu.memory_space<vmem>>
      %dma_start3A_179 = tpu.memref_squeeze %dma_start3A_178 : memref<1x64x128xf32, #tpu.memory_space<vmem>> -> memref<64x128xf32, #tpu.memory_space<vmem>>
      %dma_start3A_180 = arith.constant 0 : i32
      %dma_start3A_181 = arith.constant 0 : i32
      %dma_start3A_182 = tpu.memref_slice %arg4[%add3A_151, %dma_start3A_180, %dma_start3A_181] : memref<200x64x4096xf32, #tpu.memory_space<hbm>> -> memref<1x64x4096xf32, #tpu.memory_space<hbm>>
      %dma_start3A_183 = tpu.memref_squeeze %dma_start3A_182 : memref<1x64x4096xf32, #tpu.memory_space<hbm>> -> memref<64x4096xf32, #tpu.memory_space<hbm>>
      %dma_start3A_184 = arith.constant 0 : i32
      %dma_start3A_185 = tpu.memref_slice %dma_start3A_183[%dma_start3A_184, %mul3A_2] : memref<64x4096xf32, #tpu.memory_space<hbm>> -> memref<64x128xf32, #tpu.memory_space<hbm>>
      %dma_start3A_186 = tpu.memref_slice %arg9[%dma_start3A_175] : memref<2x!tpu.dma_semaphore, #tpu.memory_space<semaphore_mem>> -> memref<1x!tpu.dma_semaphore, #tpu.memory_space<semaphore_mem>>
      %dma_start3A_187 = tpu.memref_squeeze %dma_start3A_186 : memref<1x!tpu.dma_semaphore, #tpu.memory_space<semaphore_mem>> -> memref<!tpu.dma_semaphore, #tpu.memory_space<semaphore_mem>>
      %dma_start3A_188 = arith.constant 0 : i32
      %dma_start3A_189 = arith.constant 0 : i32
      %dma_start3A_190 = tpu.memref_slice %arg4[%add3A_151, %dma_start3A_188, %dma_start3A_189] : memref<200x64x4096xf32, #tpu.memory_space<hbm>> -> memref<1x64x4096xf32, #tpu.memory_space<hbm>>
      %dma_start3A_191 = tpu.memref_squeeze %dma_start3A_190 : memref<1x64x4096xf32, #tpu.memory_space<hbm>> -> memref<64x4096xf32, #tpu.memory_space<hbm>>
      %dma_start3A_192 = arith.constant 0 : i32
      %dma_start3A_193 = tpu.memref_slice %dma_start3A_191[%dma_start3A_192, %mul3A_2] : memref<64x4096xf32, #tpu.memory_space<hbm>> -> memref<64x128xf32, #tpu.memory_space<hbm>>
      %dma_start3A_194 = arith.constant 0 : i32
      %dma_start3A_195 = arith.constant 0 : i32
      %dma_start3A_196 = tpu.memref_slice %arg7[%dma_start3A_174, %dma_start3A_194, %dma_start3A_195] : memref<2x64x128xf32, #tpu.memory_space<vmem>> -> memref<1x64x128xf32, #tpu.memory_space<vmem>>
      %dma_start3A_197 = tpu.memref_squeeze %dma_start3A_196 : memref<1x64x128xf32, #tpu.memory_space<vmem>> -> memref<64x128xf32, #tpu.memory_space<vmem>>
      tpu.enqueue_dma source(%dma_start3A_197 : memref<64x128xf32, #tpu.memory_space<vmem>>) target(%dma_start3A_193 : memref<64x128xf32, #tpu.memory_space<hbm>>) target_semaphore(%dma_start3A_187 : memref<!tpu.dma_semaphore, #tpu.memory_space<semaphore_mem>>)
      %add3A_198 = arith.constant 4 : i32
      %add3A_199 = arith.addi %add3A_151, %add3A_198 : i32
      %lt3A = arith.constant 200 : i32
      %lt3A_200 = arith.cmpi slt, %add3A_199, %lt3A : i32
      %convert_element_type3A_201 = arith.extui %lt3A_200 : i1 to i32
      %cond3A_202 = arith.constant 0 : i32
      %cond3A_203 = arith.cmpi ne, %convert_element_type3A_201, %cond3A_202 : i32
      scf.if %cond3A_203 {
        %add3A_384 = arith.constant 4 : i32
        %add3A_385 = arith.addi %add3A_151, %add3A_384 : i32
        %dma_start3A_386 = arith.constant 0 : i32
        %dma_start3A_387 = arith.constant 0 : i32
        %dma_start3A_388 = arith.constant 0 : i32
        %dma_start3A_389 = arith.constant 0 : i32
        %dma_start3A_390 = tpu.memref_slice %arg6[%dma_start3A_386, %dma_start3A_388, %dma_start3A_389] : memref<4x128x128xf32, #tpu.memory_space<vmem>> -> memref<1x128x128xf32, #tpu.memory_space<vmem>>
        %dma_start3A_391 = tpu.memref_squeeze %dma_start3A_390 : memref<1x128x128xf32, #tpu.memory_space<vmem>> -> memref<128x128xf32, #tpu.memory_space<vmem>>
        %dma_start3A_392 = arith.constant 0 : i32
        %dma_start3A_393 = tpu.memref_slice %arg5[%add3A_385, %dma_start3A_392] : memref<200x128xi32, #tpu.memory_space<vmem>> -> memref<1x128xi32, #tpu.memory_space<vmem>>
        %dma_start3A_394 = tpu.memref_squeeze %dma_start3A_393 : memref<1x128xi32, #tpu.memory_space<vmem>> -> memref<128xi32, #tpu.memory_space<vmem>>
        %dma_start3A_395 = arith.constant 0 : i32
        %dma_start3A_396 = arith.constant 0 : i32
        %dma_start3A_397 = tpu.memref_slice %arg2[%dma_start3A_395, %dma_start3A_396] : memref<1000000x128xf32, #tpu.memory_space<hbm>> -> memref<1000000x128xf32, #tpu.memory_space<hbm>>
        %dma_start3A_398 = tpu.memref_slice %arg8[%dma_start3A_387] : memref<4x!tpu.dma_semaphore, #tpu.memory_space<semaphore_mem>> -> memref<1x!tpu.dma_semaphore, #tpu.memory_space<semaphore_mem>>
        %dma_start3A_399 = tpu.memref_squeeze %dma_start3A_398 : memref<1x!tpu.dma_semaphore, #tpu.memory_space<semaphore_mem>> -> memref<!tpu.dma_semaphore, #tpu.memory_space<semaphore_mem>>
        tpu.enqueue_indirect_dma source(%dma_start3A_397 : memref<1000000x128xf32, #tpu.memory_space<hbm>>) target(%dma_start3A_391 : memref<128x128xf32, #tpu.memory_space<vmem>>) offsets(%dma_start3A_394 : memref<128xi32, #tpu.memory_space<vmem>>) semaphore(%dma_start3A_399 : memref<!tpu.dma_semaphore, #tpu.memory_space<semaphore_mem>>)
      } else {
      }
      %mul3A_204 = arith.constant 4 : i32
      %mul3A_205 = arith.muli %mul3A_204, %scan3A_147 : i32
      %add3A_206 = arith.constant 1 : i32
      %add3A_207 = arith.addi %mul3A_205, %add3A_206 : i32
      %dma_wait3A_208 = arith.constant 1 : i32
      %dma_wait3A_209 = arith.constant 1 : i32
      %dma_wait3A_210 = arith.constant 0 : i32
      %dma_wait3A_211 = arith.constant 0 : i32
      %dma_wait3A_212 = tpu.memref_slice %arg6[%dma_wait3A_208, %dma_wait3A_210, %dma_wait3A_211] : memref<4x128x128xf32, #tpu.memory_space<vmem>> -> memref<1x128x128xf32, #tpu.memory_space<vmem>>
      %dma_wait3A_213 = tpu.memref_squeeze %dma_wait3A_212 : memref<1x128x128xf32, #tpu.memory_space<vmem>> -> memref<128x128xf32, #tpu.memory_space<vmem>>
      %dma_wait3A_214 = arith.constant 0 : i32
      %dma_wait3A_215 = tpu.memref_slice %arg5[%add3A_207, %dma_wait3A_214] : memref<200x128xi32, #tpu.memory_space<vmem>> -> memref<1x128xi32, #tpu.memory_space<vmem>>
      %dma_wait3A_216 = tpu.memref_squeeze %dma_wait3A_215 : memref<1x128xi32, #tpu.memory_space<vmem>> -> memref<128xi32, #tpu.memory_space<vmem>>
      %dma_wait3A_217 = arith.constant 0 : i32
      %dma_wait3A_218 = arith.constant 0 : i32
      %dma_wait3A_219 = tpu.memref_slice %arg2[%dma_wait3A_217, %dma_wait3A_218] : memref<1000000x128xf32, #tpu.memory_space<hbm>> -> memref<1000000x128xf32, #tpu.memory_space<hbm>>
      %dma_wait3A_220 = tpu.memref_slice %arg8[%dma_wait3A_209] : memref<4x!tpu.dma_semaphore, #tpu.memory_space<semaphore_mem>> -> memref<1x!tpu.dma_semaphore, #tpu.memory_space<semaphore_mem>>
      %dma_wait3A_221 = tpu.memref_squeeze %dma_wait3A_220 : memref<1x!tpu.dma_semaphore, #tpu.memory_space<semaphore_mem>> -> memref<!tpu.dma_semaphore, #tpu.memory_space<semaphore_mem>>
      tpu.wait_indirect_dma semaphore(%dma_wait3A_221 : memref<!tpu.dma_semaphore, #tpu.memory_space<semaphore_mem>>) src(%dma_wait3A_219 : memref<1000000x128xf32, #tpu.memory_space<hbm>>) dst(%dma_wait3A_213 : memref<128x128xf32, #tpu.memory_space<vmem>>)
      %ge3A_222 = arith.constant 2 : i32
      %ge3A_223 = arith.cmpi sge, %add3A_207, %ge3A_222 : i32
      %convert_element_type3A_224 = arith.extui %ge3A_223 : i1 to i32
      %cond3A_225 = arith.constant 0 : i32
      %cond3A_226 = arith.cmpi ne, %convert_element_type3A_224, %cond3A_225 : i32
      scf.if %cond3A_226 {
        %sub3A = arith.constant 2 : i32
        %sub3A_384 = arith.subi %add3A_207, %sub3A : i32
        %dma_wait3A_385 = arith.constant 1 : i32
        %dma_wait3A_386 = arith.constant 1 : i32
        %dma_wait3A_387 = arith.constant 0 : i32
        %dma_wait3A_388 = arith.constant 0 : i32
        %dma_wait3A_389 = tpu.memref_slice %arg7[%dma_wait3A_385, %dma_wait3A_387, %dma_wait3A_388] : memref<2x64x128xf32, #tpu.memory_space<vmem>> -> memref<1x64x128xf32, #tpu.memory_space<vmem>>
        %dma_wait3A_390 = tpu.memref_squeeze %dma_wait3A_389 : memref<1x64x128xf32, #tpu.memory_space<vmem>> -> memref<64x128xf32, #tpu.memory_space<vmem>>
        %dma_wait3A_391 = arith.constant 0 : i32
        %dma_wait3A_392 = arith.constant 0 : i32
        %dma_wait3A_393 = tpu.memref_slice %arg4[%sub3A_384, %dma_wait3A_391, %dma_wait3A_392] : memref<200x64x4096xf32, #tpu.memory_space<hbm>> -> memref<1x64x4096xf32, #tpu.memory_space<hbm>>
        %dma_wait3A_394 = tpu.memref_squeeze %dma_wait3A_393 : memref<1x64x4096xf32, #tpu.memory_space<hbm>> -> memref<64x4096xf32, #tpu.memory_space<hbm>>
        %dma_wait3A_395 = arith.constant 0 : i32
        %dma_wait3A_396 = tpu.memref_slice %dma_wait3A_394[%dma_wait3A_395, %mul3A_2] : memref<64x4096xf32, #tpu.memory_space<hbm>> -> memref<64x128xf32, #tpu.memory_space<hbm>>
        %dma_wait3A_397 = tpu.memref_slice %arg9[%dma_wait3A_386] : memref<2x!tpu.dma_semaphore, #tpu.memory_space<semaphore_mem>> -> memref<1x!tpu.dma_semaphore, #tpu.memory_space<semaphore_mem>>
        %dma_wait3A_398 = tpu.memref_squeeze %dma_wait3A_397 : memref<1x!tpu.dma_semaphore, #tpu.memory_space<semaphore_mem>> -> memref<!tpu.dma_semaphore, #tpu.memory_space<semaphore_mem>>
        %dma_wait3A_399 = arith.constant 0 : i32
        %dma_wait3A_400 = arith.constant 0 : i32
        %dma_wait3A_401 = tpu.memref_slice %arg4[%sub3A_384, %dma_wait3A_399, %dma_wait3A_400] : memref<200x64x4096xf32, #tpu.memory_space<hbm>> -> memref<1x64x4096xf32, #tpu.memory_space<hbm>>
        %dma_wait3A_402 = tpu.memref_squeeze %dma_wait3A_401 : memref<1x64x4096xf32, #tpu.memory_space<hbm>> -> memref<64x4096xf32, #tpu.memory_space<hbm>>
        %dma_wait3A_403 = arith.constant 0 : i32
        %dma_wait3A_404 = tpu.memref_slice %dma_wait3A_402[%dma_wait3A_403, %mul3A_2] : memref<64x4096xf32, #tpu.memory_space<hbm>> -> memref<64x128xf32, #tpu.memory_space<hbm>>
        %dma_wait3A_405 = arith.constant 0 : i32
        %dma_wait3A_406 = arith.constant 0 : i32
        %dma_wait3A_407 = tpu.memref_slice %arg7[%dma_wait3A_385, %dma_wait3A_405, %dma_wait3A_406] : memref<2x64x128xf32, #tpu.memory_space<vmem>> -> memref<1x64x128xf32, #tpu.memory_space<vmem>>
        %dma_wait3A_408 = tpu.memref_squeeze %dma_wait3A_407 : memref<1x64x128xf32, #tpu.memory_space<vmem>> -> memref<64x128xf32, #tpu.memory_space<vmem>>
        tpu.wait_dma2 semaphore(%dma_wait3A_398 : memref<!tpu.dma_semaphore, #tpu.memory_space<semaphore_mem>>) src(%dma_wait3A_408 : memref<64x128xf32, #tpu.memory_space<vmem>>) dst(%dma_wait3A_404 : memref<64x128xf32, #tpu.memory_space<hbm>>)
      } else {
      }
      %scan3A_227 = arith.constant 0 : i32
      %scan3A_228 = arith.constant 0 : i32
      %scan3A_229 = arith.constant 64 : i32
      %scan3A_230 = arith.addi %scan3A_228, %scan3A_229 : i32
      %scan3A_231 = arith.constant 1 : i32
      scf.for %scan3A_384 = %scan3A_228 to %scan3A_230 step %scan3A_231  : i32 {
        %broadcast_in_dim3A = vector.broadcast %scan3A_384 : i32 to vector<16xi32>
        %gather3A = arith.constant 1 : i32
        %gather3A_385 = arith.constant 0 : i32
        %gather3A_386 = arith.constant 0 : i32
        %gather3A_387 = tpu.memref_slice %arg6[%gather3A, %gather3A_385, %gather3A_386] : memref<4x128x128xf32, #tpu.memory_space<vmem>> -> memref<1x128x128xf32, #tpu.memory_space<vmem>>
        %gather3A_388 = tpu.memref_squeeze %gather3A_387 : memref<1x128x128xf32, #tpu.memory_space<vmem>> -> memref<128x128xf32, #tpu.memory_space<vmem>>
        %gather3A_389 = tpu.vector_load_idx %gather3A_388[%add3A_5, %broadcast_in_dim3A] : memref<128x128xf32, #tpu.memory_space<vmem>>[vector<16xi32>, vector<16xi32>], vector<16xf32>,
        %swap3A = arith.constant 1 : i32
        %swap3A_390 = arith.index_cast %swap3A : i32 to index
        %swap3A_391 = arith.index_cast %scan3A_384 : i32 to index
        %swap3A_392 = arith.constant 0 : index
        %swap3A_393 = tpu.vector_load %arg7[%swap3A_390, %swap3A_391, %swap3A_392] {strides = array<i32>} : memref<2x64x128xf32, #tpu.memory_space<vmem>>, vector<16xf32>,
        tpu.vector_store %arg7[%swap3A_390, %swap3A_391, %swap3A_392], %gather3A_389 {strides = array<i32>} : memref<2x64x128xf32, #tpu.memory_space<vmem>>, vector<16xf32>,
        %gather3A_394 = arith.constant 1 : i32
        %gather3A_395 = arith.constant 0 : i32
        %gather3A_396 = arith.constant 0 : i32
        %gather3A_397 = tpu.memref_slice %arg6[%gather3A_394, %gather3A_395, %gather3A_396] : memref<4x128x128xf32, #tpu.memory_space<vmem>> -> memref<1x128x128xf32, #tpu.memory_space<vmem>>
        %gather3A_398 = tpu.memref_squeeze %gather3A_397 : memref<1x128x128xf32, #tpu.memory_space<vmem>> -> memref<128x128xf32, #tpu.memory_space<vmem>>
        %gather3A_399 = tpu.vector_load_idx %gather3A_398[%add3A_9, %broadcast_in_dim3A] : memref<128x128xf32, #tpu.memory_space<vmem>>[vector<16xi32>, vector<16xi32>], vector<16xf32>,
        %swap3A_400 = arith.constant 1 : i32
        %swap3A_401 = arith.index_cast %swap3A_400 : i32 to index
        %swap3A_402 = arith.index_cast %scan3A_384 : i32 to index
        %swap3A_403 = arith.constant 16 : index
        %swap3A_404 = tpu.vector_load %arg7[%swap3A_401, %swap3A_402, %swap3A_403] {strides = array<i32>} : memref<2x64x128xf32, #tpu.memory_space<vmem>>, vector<16xf32>,
        tpu.vector_store %arg7[%swap3A_401, %swap3A_402, %swap3A_403], %gather3A_399 {strides = array<i32>} : memref<2x64x128xf32, #tpu.memory_space<vmem>>, vector<16xf32>,
        %gather3A_405 = arith.constant 1 : i32
        %gather3A_406 = arith.constant 0 : i32
        %gather3A_407 = arith.constant 0 : i32
        %gather3A_408 = tpu.memref_slice %arg6[%gather3A_405, %gather3A_406, %gather3A_407] : memref<4x128x128xf32, #tpu.memory_space<vmem>> -> memref<1x128x128xf32, #tpu.memory_space<vmem>>
        %gather3A_409 = tpu.memref_squeeze %gather3A_408 : memref<1x128x128xf32, #tpu.memory_space<vmem>> -> memref<128x128xf32, #tpu.memory_space<vmem>>
        %gather3A_410 = tpu.vector_load_idx %gather3A_409[%add3A_13, %broadcast_in_dim3A] : memref<128x128xf32, #tpu.memory_space<vmem>>[vector<16xi32>, vector<16xi32>], vector<16xf32>,
        %swap3A_411 = arith.constant 1 : i32
        %swap3A_412 = arith.index_cast %swap3A_411 : i32 to index
        %swap3A_413 = arith.index_cast %scan3A_384 : i32 to index
        %swap3A_414 = arith.constant 32 : index
        %swap3A_415 = tpu.vector_load %arg7[%swap3A_412, %swap3A_413, %swap3A_414] {strides = array<i32>} : memref<2x64x128xf32, #tpu.memory_space<vmem>>, vector<16xf32>,
        tpu.vector_store %arg7[%swap3A_412, %swap3A_413, %swap3A_414], %gather3A_410 {strides = array<i32>} : memref<2x64x128xf32, #tpu.memory_space<vmem>>, vector<16xf32>,
        %gather3A_416 = arith.constant 1 : i32
        %gather3A_417 = arith.constant 0 : i32
        %gather3A_418 = arith.constant 0 : i32
        %gather3A_419 = tpu.memref_slice %arg6[%gather3A_416, %gather3A_417, %gather3A_418] : memref<4x128x128xf32, #tpu.memory_space<vmem>> -> memref<1x128x128xf32, #tpu.memory_space<vmem>>
        %gather3A_420 = tpu.memref_squeeze %gather3A_419 : memref<1x128x128xf32, #tpu.memory_space<vmem>> -> memref<128x128xf32, #tpu.memory_space<vmem>>
        %gather3A_421 = tpu.vector_load_idx %gather3A_420[%add3A_17, %broadcast_in_dim3A] : memref<128x128xf32, #tpu.memory_space<vmem>>[vector<16xi32>, vector<16xi32>], vector<16xf32>,
        %swap3A_422 = arith.constant 1 : i32
        %swap3A_423 = arith.index_cast %swap3A_422 : i32 to index
        %swap3A_424 = arith.index_cast %scan3A_384 : i32 to index
        %swap3A_425 = arith.constant 48 : index
        %swap3A_426 = tpu.vector_load %arg7[%swap3A_423, %swap3A_424, %swap3A_425] {strides = array<i32>} : memref<2x64x128xf32, #tpu.memory_space<vmem>>, vector<16xf32>,
        tpu.vector_store %arg7[%swap3A_423, %swap3A_424, %swap3A_425], %gather3A_421 {strides = array<i32>} : memref<2x64x128xf32, #tpu.memory_space<vmem>>, vector<16xf32>,
        %gather3A_427 = arith.constant 1 : i32
        %gather3A_428 = arith.constant 0 : i32
        %gather3A_429 = arith.constant 0 : i32
        %gather3A_430 = tpu.memref_slice %arg6[%gather3A_427, %gather3A_428, %gather3A_429] : memref<4x128x128xf32, #tpu.memory_space<vmem>> -> memref<1x128x128xf32, #tpu.memory_space<vmem>>
        %gather3A_431 = tpu.memref_squeeze %gather3A_430 : memref<1x128x128xf32, #tpu.memory_space<vmem>> -> memref<128x128xf32, #tpu.memory_space<vmem>>
        %gather3A_432 = tpu.vector_load_idx %gather3A_431[%add3A_21, %broadcast_in_dim3A] : memref<128x128xf32, #tpu.memory_space<vmem>>[vector<16xi32>, vector<16xi32>], vector<16xf32>,
        %swap3A_433 = arith.constant 1 : i32
        %swap3A_434 = arith.index_cast %swap3A_433 : i32 to index
        %swap3A_435 = arith.index_cast %scan3A_384 : i32 to index
        %swap3A_436 = arith.constant 64 : index
        %swap3A_437 = tpu.vector_load %arg7[%swap3A_434, %swap3A_435, %swap3A_436] {strides = array<i32>} : memref<2x64x128xf32, #tpu.memory_space<vmem>>, vector<16xf32>,
        tpu.vector_store %arg7[%swap3A_434, %swap3A_435, %swap3A_436], %gather3A_432 {strides = array<i32>} : memref<2x64x128xf32, #tpu.memory_space<vmem>>, vector<16xf32>,
        %gather3A_438 = arith.constant 1 : i32
        %gather3A_439 = arith.constant 0 : i32
        %gather3A_440 = arith.constant 0 : i32
        %gather3A_441 = tpu.memref_slice %arg6[%gather3A_438, %gather3A_439, %gather3A_440] : memref<4x128x128xf32, #tpu.memory_space<vmem>> -> memref<1x128x128xf32, #tpu.memory_space<vmem>>
        %gather3A_442 = tpu.memref_squeeze %gather3A_441 : memref<1x128x128xf32, #tpu.memory_space<vmem>> -> memref<128x128xf32, #tpu.memory_space<vmem>>
        %gather3A_443 = tpu.vector_load_idx %gather3A_442[%add3A_25, %broadcast_in_dim3A] : memref<128x128xf32, #tpu.memory_space<vmem>>[vector<16xi32>, vector<16xi32>], vector<16xf32>,
        %swap3A_444 = arith.constant 1 : i32
        %swap3A_445 = arith.index_cast %swap3A_444 : i32 to index
        %swap3A_446 = arith.index_cast %scan3A_384 : i32 to index
        %swap3A_447 = arith.constant 80 : index
        %swap3A_448 = tpu.vector_load %arg7[%swap3A_445, %swap3A_446, %swap3A_447] {strides = array<i32>} : memref<2x64x128xf32, #tpu.memory_space<vmem>>, vector<16xf32>,
        tpu.vector_store %arg7[%swap3A_445, %swap3A_446, %swap3A_447], %gather3A_443 {strides = array<i32>} : memref<2x64x128xf32, #tpu.memory_space<vmem>>, vector<16xf32>,
        %gather3A_449 = arith.constant 1 : i32
        %gather3A_450 = arith.constant 0 : i32
        %gather3A_451 = arith.constant 0 : i32
        %gather3A_452 = tpu.memref_slice %arg6[%gather3A_449, %gather3A_450, %gather3A_451] : memref<4x128x128xf32, #tpu.memory_space<vmem>> -> memref<1x128x128xf32, #tpu.memory_space<vmem>>
        %gather3A_453 = tpu.memref_squeeze %gather3A_452 : memref<1x128x128xf32, #tpu.memory_space<vmem>> -> memref<128x128xf32, #tpu.memory_space<vmem>>
        %gather3A_454 = tpu.vector_load_idx %gather3A_453[%add3A_29, %broadcast_in_dim3A] : memref<128x128xf32, #tpu.memory_space<vmem>>[vector<16xi32>, vector<16xi32>], vector<16xf32>,
        %swap3A_455 = arith.constant 1 : i32
        %swap3A_456 = arith.index_cast %swap3A_455 : i32 to index
        %swap3A_457 = arith.index_cast %scan3A_384 : i32 to index
        %swap3A_458 = arith.constant 96 : index
        %swap3A_459 = tpu.vector_load %arg7[%swap3A_456, %swap3A_457, %swap3A_458] {strides = array<i32>} : memref<2x64x128xf32, #tpu.memory_space<vmem>>, vector<16xf32>,
        tpu.vector_store %arg7[%swap3A_456, %swap3A_457, %swap3A_458], %gather3A_454 {strides = array<i32>} : memref<2x64x128xf32, #tpu.memory_space<vmem>>, vector<16xf32>,
        %gather3A_460 = arith.constant 1 : i32
        %gather3A_461 = arith.constant 0 : i32
        %gather3A_462 = arith.constant 0 : i32
        %gather3A_463 = tpu.memref_slice %arg6[%gather3A_460, %gather3A_461, %gather3A_462] : memref<4x128x128xf32, #tpu.memory_space<vmem>> -> memref<1x128x128xf32, #tpu.memory_space<vmem>>
        %gather3A_464 = tpu.memref_squeeze %gather3A_463 : memref<1x128x128xf32, #tpu.memory_space<vmem>> -> memref<128x128xf32, #tpu.memory_space<vmem>>
        %gather3A_465 = tpu.vector_load_idx %gather3A_464[%add3A_33, %broadcast_in_dim3A] : memref<128x128xf32, #tpu.memory_space<vmem>>[vector<16xi32>, vector<16xi32>], vector<16xf32>,
        %swap3A_466 = arith.constant 1 : i32
        %swap3A_467 = arith.index_cast %swap3A_466 : i32 to index
        %swap3A_468 = arith.index_cast %scan3A_384 : i32 to index
        %swap3A_469 = arith.constant 112 : index
        %swap3A_470 = tpu.vector_load %arg7[%swap3A_467, %swap3A_468, %swap3A_469] {strides = array<i32>} : memref<2x64x128xf32, #tpu.memory_space<vmem>>, vector<16xf32>,
        tpu.vector_store %arg7[%swap3A_467, %swap3A_468, %swap3A_469], %gather3A_465 {strides = array<i32>} : memref<2x64x128xf32, #tpu.memory_space<vmem>>, vector<16xf32>,
      }
      %scan3A_232 = arith.constant 64 : i32
      %dma_start3A_233 = arith.constant 1 : i32
      %dma_start3A_234 = arith.constant 1 : i32
      %dma_start3A_235 = arith.constant 0 : i32
      %dma_start3A_236 = arith.constant 0 : i32
      %dma_start3A_237 = tpu.memref_slice %arg7[%dma_start3A_233, %dma_start3A_235, %dma_start3A_236] : memref<2x64x128xf32, #tpu.memory_space<vmem>> -> memref<1x64x128xf32, #tpu.memory_space<vmem>>
      %dma_start3A_238 = tpu.memref_squeeze %dma_start3A_237 : memref<1x64x128xf32, #tpu.memory_space<vmem>> -> memref<64x128xf32, #tpu.memory_space<vmem>>
      %dma_start3A_239 = arith.constant 0 : i32
      %dma_start3A_240 = arith.constant 0 : i32
      %dma_start3A_241 = tpu.memref_slice %arg4[%add3A_207, %dma_start3A_239, %dma_start3A_240] : memref<200x64x4096xf32, #tpu.memory_space<hbm>> -> memref<1x64x4096xf32, #tpu.memory_space<hbm>>
      %dma_start3A_242 = tpu.memref_squeeze %dma_start3A_241 : memref<1x64x4096xf32, #tpu.memory_space<hbm>> -> memref<64x4096xf32, #tpu.memory_space<hbm>>
      %dma_start3A_243 = arith.constant 0 : i32
      %dma_start3A_244 = tpu.memref_slice %dma_start3A_242[%dma_start3A_243, %mul3A_2] : memref<64x4096xf32, #tpu.memory_space<hbm>> -> memref<64x128xf32, #tpu.memory_space<hbm>>
      %dma_start3A_245 = tpu.memref_slice %arg9[%dma_start3A_234] : memref<2x!tpu.dma_semaphore, #tpu.memory_space<semaphore_mem>> -> memref<1x!tpu.dma_semaphore, #tpu.memory_space<semaphore_mem>>
      %dma_start3A_246 = tpu.memref_squeeze %dma_start3A_245 : memref<1x!tpu.dma_semaphore, #tpu.memory_space<semaphore_mem>> -> memref<!tpu.dma_semaphore, #tpu.memory_space<semaphore_mem>>
      %dma_start3A_247 = arith.constant 0 : i32
      %dma_start3A_248 = arith.constant 0 : i32
      %dma_start3A_249 = tpu.memref_slice %arg4[%add3A_207, %dma_start3A_247, %dma_start3A_248] : memref<200x64x4096xf32, #tpu.memory_space<hbm>> -> memref<1x64x4096xf32, #tpu.memory_space<hbm>>
      %dma_start3A_250 = tpu.memref_squeeze %dma_start3A_249 : memref<1x64x4096xf32, #tpu.memory_space<hbm>> -> memref<64x4096xf32, #tpu.memory_space<hbm>>
      %dma_start3A_251 = arith.constant 0 : i32
      %dma_start3A_252 = tpu.memref_slice %dma_start3A_250[%dma_start3A_251, %mul3A_2] : memref<64x4096xf32, #tpu.memory_space<hbm>> -> memref<64x128xf32, #tpu.memory_space<hbm>>
      %dma_start3A_253 = arith.constant 0 : i32
      %dma_start3A_254 = arith.constant 0 : i32
      %dma_start3A_255 = tpu.memref_slice %arg7[%dma_start3A_233, %dma_start3A_253, %dma_start3A_254] : memref<2x64x128xf32, #tpu.memory_space<vmem>> -> memref<1x64x128xf32, #tpu.memory_space<vmem>>
      %dma_start3A_256 = tpu.memref_squeeze %dma_start3A_255 : memref<1x64x128xf32, #tpu.memory_space<vmem>> -> memref<64x128xf32, #tpu.memory_space<vmem>>
      tpu.enqueue_dma source(%dma_start3A_256 : memref<64x128xf32, #tpu.memory_space<vmem>>) target(%dma_start3A_252 : memref<64x128xf32, #tpu.memory_space<hbm>>) target_semaphore(%dma_start3A_246 : memref<!tpu.dma_semaphore, #tpu.memory_space<semaphore_mem>>)
      %add3A_257 = arith.constant 4 : i32
      %add3A_258 = arith.addi %add3A_207, %add3A_257 : i32
      %lt3A_259 = arith.constant 200 : i32
      %lt3A_260 = arith.cmpi slt, %add3A_258, %lt3A_259 : i32
      %convert_element_type3A_261 = arith.extui %lt3A_260 : i1 to i32
      %cond3A_262 = arith.constant 0 : i32
      %cond3A_263 = arith.cmpi ne, %convert_element_type3A_261, %cond3A_262 : i32
      scf.if %cond3A_263 {
        %add3A_384 = arith.constant 4 : i32
        %add3A_385 = arith.addi %add3A_207, %add3A_384 : i32
        %dma_start3A_386 = arith.constant 1 : i32
        %dma_start3A_387 = arith.constant 1 : i32
        %dma_start3A_388 = arith.constant 0 : i32
        %dma_start3A_389 = arith.constant 0 : i32
        %dma_start3A_390 = tpu.memref_slice %arg6[%dma_start3A_386, %dma_start3A_388, %dma_start3A_389] : memref<4x128x128xf32, #tpu.memory_space<vmem>> -> memref<1x128x128xf32, #tpu.memory_space<vmem>>
        %dma_start3A_391 = tpu.memref_squeeze %dma_start3A_390 : memref<1x128x128xf32, #tpu.memory_space<vmem>> -> memref<128x128xf32, #tpu.memory_space<vmem>>
        %dma_start3A_392 = arith.constant 0 : i32
        %dma_start3A_393 = tpu.memref_slice %arg5[%add3A_385, %dma_start3A_392] : memref<200x128xi32, #tpu.memory_space<vmem>> -> memref<1x128xi32, #tpu.memory_space<vmem>>
        %dma_start3A_394 = tpu.memref_squeeze %dma_start3A_393 : memref<1x128xi32, #tpu.memory_space<vmem>> -> memref<128xi32, #tpu.memory_space<vmem>>
        %dma_start3A_395 = arith.constant 0 : i32
        %dma_start3A_396 = arith.constant 0 : i32
        %dma_start3A_397 = tpu.memref_slice %arg2[%dma_start3A_395, %dma_start3A_396] : memref<1000000x128xf32, #tpu.memory_space<hbm>> -> memref<1000000x128xf32, #tpu.memory_space<hbm>>
        %dma_start3A_398 = tpu.memref_slice %arg8[%dma_start3A_387] : memref<4x!tpu.dma_semaphore, #tpu.memory_space<semaphore_mem>> -> memref<1x!tpu.dma_semaphore, #tpu.memory_space<semaphore_mem>>
        %dma_start3A_399 = tpu.memref_squeeze %dma_start3A_398 : memref<1x!tpu.dma_semaphore, #tpu.memory_space<semaphore_mem>> -> memref<!tpu.dma_semaphore, #tpu.memory_space<semaphore_mem>>
        tpu.enqueue_indirect_dma source(%dma_start3A_397 : memref<1000000x128xf32, #tpu.memory_space<hbm>>) target(%dma_start3A_391 : memref<128x128xf32, #tpu.memory_space<vmem>>) offsets(%dma_start3A_394 : memref<128xi32, #tpu.memory_space<vmem>>) semaphore(%dma_start3A_399 : memref<!tpu.dma_semaphore, #tpu.memory_space<semaphore_mem>>)
      } else {
      }
      %mul3A_264 = arith.constant 4 : i32
      %mul3A_265 = arith.muli %mul3A_264, %scan3A_147 : i32
      %add3A_266 = arith.constant 2 : i32
      %add3A_267 = arith.addi %mul3A_265, %add3A_266 : i32
      %dma_wait3A_268 = arith.constant 2 : i32
      %dma_wait3A_269 = arith.constant 2 : i32
      %dma_wait3A_270 = arith.constant 0 : i32
      %dma_wait3A_271 = arith.constant 0 : i32
      %dma_wait3A_272 = tpu.memref_slice %arg6[%dma_wait3A_268, %dma_wait3A_270, %dma_wait3A_271] : memref<4x128x128xf32, #tpu.memory_space<vmem>> -> memref<1x128x128xf32, #tpu.memory_space<vmem>>
      %dma_wait3A_273 = tpu.memref_squeeze %dma_wait3A_272 : memref<1x128x128xf32, #tpu.memory_space<vmem>> -> memref<128x128xf32, #tpu.memory_space<vmem>>
      %dma_wait3A_274 = arith.constant 0 : i32
      %dma_wait3A_275 = tpu.memref_slice %arg5[%add3A_267, %dma_wait3A_274] : memref<200x128xi32, #tpu.memory_space<vmem>> -> memref<1x128xi32, #tpu.memory_space<vmem>>
      %dma_wait3A_276 = tpu.memref_squeeze %dma_wait3A_275 : memref<1x128xi32, #tpu.memory_space<vmem>> -> memref<128xi32, #tpu.memory_space<vmem>>
      %dma_wait3A_277 = arith.constant 0 : i32
      %dma_wait3A_278 = arith.constant 0 : i32
      %dma_wait3A_279 = tpu.memref_slice %arg2[%dma_wait3A_277, %dma_wait3A_278] : memref<1000000x128xf32, #tpu.memory_space<hbm>> -> memref<1000000x128xf32, #tpu.memory_space<hbm>>
      %dma_wait3A_280 = tpu.memref_slice %arg8[%dma_wait3A_269] : memref<4x!tpu.dma_semaphore, #tpu.memory_space<semaphore_mem>> -> memref<1x!tpu.dma_semaphore, #tpu.memory_space<semaphore_mem>>
      %dma_wait3A_281 = tpu.memref_squeeze %dma_wait3A_280 : memref<1x!tpu.dma_semaphore, #tpu.memory_space<semaphore_mem>> -> memref<!tpu.dma_semaphore, #tpu.memory_space<semaphore_mem>>
      tpu.wait_indirect_dma semaphore(%dma_wait3A_281 : memref<!tpu.dma_semaphore, #tpu.memory_space<semaphore_mem>>) src(%dma_wait3A_279 : memref<1000000x128xf32, #tpu.memory_space<hbm>>) dst(%dma_wait3A_273 : memref<128x128xf32, #tpu.memory_space<vmem>>)
      %ge3A_282 = arith.constant 2 : i32
      %ge3A_283 = arith.cmpi sge, %add3A_267, %ge3A_282 : i32
      %convert_element_type3A_284 = arith.extui %ge3A_283 : i1 to i32
      %cond3A_285 = arith.constant 0 : i32
      %cond3A_286 = arith.cmpi ne, %convert_element_type3A_284, %cond3A_285 : i32
      scf.if %cond3A_286 {
        %sub3A = arith.constant 2 : i32
        %sub3A_384 = arith.subi %add3A_267, %sub3A : i32
        %dma_wait3A_385 = arith.constant 0 : i32
        %dma_wait3A_386 = arith.constant 0 : i32
        %dma_wait3A_387 = arith.constant 0 : i32
        %dma_wait3A_388 = arith.constant 0 : i32
        %dma_wait3A_389 = tpu.memref_slice %arg7[%dma_wait3A_385, %dma_wait3A_387, %dma_wait3A_388] : memref<2x64x128xf32, #tpu.memory_space<vmem>> -> memref<1x64x128xf32, #tpu.memory_space<vmem>>
        %dma_wait3A_390 = tpu.memref_squeeze %dma_wait3A_389 : memref<1x64x128xf32, #tpu.memory_space<vmem>> -> memref<64x128xf32, #tpu.memory_space<vmem>>
        %dma_wait3A_391 = arith.constant 0 : i32
        %dma_wait3A_392 = arith.constant 0 : i32
        %dma_wait3A_393 = tpu.memref_slice %arg4[%sub3A_384, %dma_wait3A_391, %dma_wait3A_392] : memref<200x64x4096xf32, #tpu.memory_space<hbm>> -> memref<1x64x4096xf32, #tpu.memory_space<hbm>>
        %dma_wait3A_394 = tpu.memref_squeeze %dma_wait3A_393 : memref<1x64x4096xf32, #tpu.memory_space<hbm>> -> memref<64x4096xf32, #tpu.memory_space<hbm>>
        %dma_wait3A_395 = arith.constant 0 : i32
        %dma_wait3A_396 = tpu.memref_slice %dma_wait3A_394[%dma_wait3A_395, %mul3A_2] : memref<64x4096xf32, #tpu.memory_space<hbm>> -> memref<64x128xf32, #tpu.memory_space<hbm>>
        %dma_wait3A_397 = tpu.memref_slice %arg9[%dma_wait3A_386] : memref<2x!tpu.dma_semaphore, #tpu.memory_space<semaphore_mem>> -> memref<1x!tpu.dma_semaphore, #tpu.memory_space<semaphore_mem>>
        %dma_wait3A_398 = tpu.memref_squeeze %dma_wait3A_397 : memref<1x!tpu.dma_semaphore, #tpu.memory_space<semaphore_mem>> -> memref<!tpu.dma_semaphore, #tpu.memory_space<semaphore_mem>>
        %dma_wait3A_399 = arith.constant 0 : i32
        %dma_wait3A_400 = arith.constant 0 : i32
        %dma_wait3A_401 = tpu.memref_slice %arg4[%sub3A_384, %dma_wait3A_399, %dma_wait3A_400] : memref<200x64x4096xf32, #tpu.memory_space<hbm>> -> memref<1x64x4096xf32, #tpu.memory_space<hbm>>
        %dma_wait3A_402 = tpu.memref_squeeze %dma_wait3A_401 : memref<1x64x4096xf32, #tpu.memory_space<hbm>> -> memref<64x4096xf32, #tpu.memory_space<hbm>>
        %dma_wait3A_403 = arith.constant 0 : i32
        %dma_wait3A_404 = tpu.memref_slice %dma_wait3A_402[%dma_wait3A_403, %mul3A_2] : memref<64x4096xf32, #tpu.memory_space<hbm>> -> memref<64x128xf32, #tpu.memory_space<hbm>>
        %dma_wait3A_405 = arith.constant 0 : i32
        %dma_wait3A_406 = arith.constant 0 : i32
        %dma_wait3A_407 = tpu.memref_slice %arg7[%dma_wait3A_385, %dma_wait3A_405, %dma_wait3A_406] : memref<2x64x128xf32, #tpu.memory_space<vmem>> -> memref<1x64x128xf32, #tpu.memory_space<vmem>>
        %dma_wait3A_408 = tpu.memref_squeeze %dma_wait3A_407 : memref<1x64x128xf32, #tpu.memory_space<vmem>> -> memref<64x128xf32, #tpu.memory_space<vmem>>
        tpu.wait_dma2 semaphore(%dma_wait3A_398 : memref<!tpu.dma_semaphore, #tpu.memory_space<semaphore_mem>>) src(%dma_wait3A_408 : memref<64x128xf32, #tpu.memory_space<vmem>>) dst(%dma_wait3A_404 : memref<64x128xf32, #tpu.memory_space<hbm>>)
      } else {
      }
      %scan3A_287 = arith.constant 0 : i32
      %scan3A_288 = arith.constant 0 : i32
      %scan3A_289 = arith.constant 64 : i32
      %scan3A_290 = arith.addi %scan3A_288, %scan3A_289 : i32
      %scan3A_291 = arith.constant 1 : i32
      scf.for %scan3A_384 = %scan3A_288 to %scan3A_290 step %scan3A_291  : i32 {
        %broadcast_in_dim3A = vector.broadcast %scan3A_384 : i32 to vector<16xi32>
        %gather3A = arith.constant 2 : i32
        %gather3A_385 = arith.constant 0 : i32
        %gather3A_386 = arith.constant 0 : i32
        %gather3A_387 = tpu.memref_slice %arg6[%gather3A, %gather3A_385, %gather3A_386] : memref<4x128x128xf32, #tpu.memory_space<vmem>> -> memref<1x128x128xf32, #tpu.memory_space<vmem>>
        %gather3A_388 = tpu.memref_squeeze %gather3A_387 : memref<1x128x128xf32, #tpu.memory_space<vmem>> -> memref<128x128xf32, #tpu.memory_space<vmem>>
        %gather3A_389 = tpu.vector_load_idx %gather3A_388[%add3A_5, %broadcast_in_dim3A] : memref<128x128xf32, #tpu.memory_space<vmem>>[vector<16xi32>, vector<16xi32>], vector<16xf32>,
        %swap3A = arith.constant 0 : i32
        %swap3A_390 = arith.index_cast %swap3A : i32 to index
        %swap3A_391 = arith.index_cast %scan3A_384 : i32 to index
        %swap3A_392 = arith.constant 0 : index
        %swap3A_393 = tpu.vector_load %arg7[%swap3A_390, %swap3A_391, %swap3A_392] {strides = array<i32>} : memref<2x64x128xf32, #tpu.memory_space<vmem>>, vector<16xf32>,
        tpu.vector_store %arg7[%swap3A_390, %swap3A_391, %swap3A_392], %gather3A_389 {strides = array<i32>} : memref<2x64x128xf32, #tpu.memory_space<vmem>>, vector<16xf32>,
        %gather3A_394 = arith.constant 2 : i32
        %gather3A_395 = arith.constant 0 : i32
        %gather3A_396 = arith.constant 0 : i32
        %gather3A_397 = tpu.memref_slice %arg6[%gather3A_394, %gather3A_395, %gather3A_396] : memref<4x128x128xf32, #tpu.memory_space<vmem>> -> memref<1x128x128xf32, #tpu.memory_space<vmem>>
        %gather3A_398 = tpu.memref_squeeze %gather3A_397 : memref<1x128x128xf32, #tpu.memory_space<vmem>> -> memref<128x128xf32, #tpu.memory_space<vmem>>
        %gather3A_399 = tpu.vector_load_idx %gather3A_398[%add3A_9, %broadcast_in_dim3A] : memref<128x128xf32, #tpu.memory_space<vmem>>[vector<16xi32>, vector<16xi32>], vector<16xf32>,
        %swap3A_400 = arith.constant 0 : i32
        %swap3A_401 = arith.index_cast %swap3A_400 : i32 to index
        %swap3A_402 = arith.index_cast %scan3A_384 : i32 to index
        %swap3A_403 = arith.constant 16 : index
        %swap3A_404 = tpu.vector_load %arg7[%swap3A_401, %swap3A_402, %swap3A_403] {strides = array<i32>} : memref<2x64x128xf32, #tpu.memory_space<vmem>>, vector<16xf32>,
        tpu.vector_store %arg7[%swap3A_401, %swap3A_402, %swap3A_403], %gather3A_399 {strides = array<i32>} : memref<2x64x128xf32, #tpu.memory_space<vmem>>, vector<16xf32>,
        %gather3A_405 = arith.constant 2 : i32
        %gather3A_406 = arith.constant 0 : i32
        %gather3A_407 = arith.constant 0 : i32
        %gather3A_408 = tpu.memref_slice %arg6[%gather3A_405, %gather3A_406, %gather3A_407] : memref<4x128x128xf32, #tpu.memory_space<vmem>> -> memref<1x128x128xf32, #tpu.memory_space<vmem>>
        %gather3A_409 = tpu.memref_squeeze %gather3A_408 : memref<1x128x128xf32, #tpu.memory_space<vmem>> -> memref<128x128xf32, #tpu.memory_space<vmem>>
        %gather3A_410 = tpu.vector_load_idx %gather3A_409[%add3A_13, %broadcast_in_dim3A] : memref<128x128xf32, #tpu.memory_space<vmem>>[vector<16xi32>, vector<16xi32>], vector<16xf32>,
        %swap3A_411 = arith.constant 0 : i32
        %swap3A_412 = arith.index_cast %swap3A_411 : i32 to index
        %swap3A_413 = arith.index_cast %scan3A_384 : i32 to index
        %swap3A_414 = arith.constant 32 : index
        %swap3A_415 = tpu.vector_load %arg7[%swap3A_412, %swap3A_413, %swap3A_414] {strides = array<i32>} : memref<2x64x128xf32, #tpu.memory_space<vmem>>, vector<16xf32>,
        tpu.vector_store %arg7[%swap3A_412, %swap3A_413, %swap3A_414], %gather3A_410 {strides = array<i32>} : memref<2x64x128xf32, #tpu.memory_space<vmem>>, vector<16xf32>,
        %gather3A_416 = arith.constant 2 : i32
        %gather3A_417 = arith.constant 0 : i32
        %gather3A_418 = arith.constant 0 : i32
        %gather3A_419 = tpu.memref_slice %arg6[%gather3A_416, %gather3A_417, %gather3A_418] : memref<4x128x128xf32, #tpu.memory_space<vmem>> -> memref<1x128x128xf32, #tpu.memory_space<vmem>>
        %gather3A_420 = tpu.memref_squeeze %gather3A_419 : memref<1x128x128xf32, #tpu.memory_space<vmem>> -> memref<128x128xf32, #tpu.memory_space<vmem>>
        %gather3A_421 = tpu.vector_load_idx %gather3A_420[%add3A_17, %broadcast_in_dim3A] : memref<128x128xf32, #tpu.memory_space<vmem>>[vector<16xi32>, vector<16xi32>], vector<16xf32>,
        %swap3A_422 = arith.constant 0 : i32
        %swap3A_423 = arith.index_cast %swap3A_422 : i32 to index
        %swap3A_424 = arith.index_cast %scan3A_384 : i32 to index
        %swap3A_425 = arith.constant 48 : index
        %swap3A_426 = tpu.vector_load %arg7[%swap3A_423, %swap3A_424, %swap3A_425] {strides = array<i32>} : memref<2x64x128xf32, #tpu.memory_space<vmem>>, vector<16xf32>,
        tpu.vector_store %arg7[%swap3A_423, %swap3A_424, %swap3A_425], %gather3A_421 {strides = array<i32>} : memref<2x64x128xf32, #tpu.memory_space<vmem>>, vector<16xf32>,
        %gather3A_427 = arith.constant 2 : i32
        %gather3A_428 = arith.constant 0 : i32
        %gather3A_429 = arith.constant 0 : i32
        %gather3A_430 = tpu.memref_slice %arg6[%gather3A_427, %gather3A_428, %gather3A_429] : memref<4x128x128xf32, #tpu.memory_space<vmem>> -> memref<1x128x128xf32, #tpu.memory_space<vmem>>
        %gather3A_431 = tpu.memref_squeeze %gather3A_430 : memref<1x128x128xf32, #tpu.memory_space<vmem>> -> memref<128x128xf32, #tpu.memory_space<vmem>>
        %gather3A_432 = tpu.vector_load_idx %gather3A_431[%add3A_21, %broadcast_in_dim3A] : memref<128x128xf32, #tpu.memory_space<vmem>>[vector<16xi32>, vector<16xi32>], vector<16xf32>,
        %swap3A_433 = arith.constant 0 : i32
        %swap3A_434 = arith.index_cast %swap3A_433 : i32 to index
        %swap3A_435 = arith.index_cast %scan3A_384 : i32 to index
        %swap3A_436 = arith.constant 64 : index
        %swap3A_437 = tpu.vector_load %arg7[%swap3A_434, %swap3A_435, %swap3A_436] {strides = array<i32>} : memref<2x64x128xf32, #tpu.memory_space<vmem>>, vector<16xf32>,
        tpu.vector_store %arg7[%swap3A_434, %swap3A_435, %swap3A_436], %gather3A_432 {strides = array<i32>} : memref<2x64x128xf32, #tpu.memory_space<vmem>>, vector<16xf32>,
        %gather3A_438 = arith.constant 2 : i32
        %gather3A_439 = arith.constant 0 : i32
        %gather3A_440 = arith.constant 0 : i32
        %gather3A_441 = tpu.memref_slice %arg6[%gather3A_438, %gather3A_439, %gather3A_440] : memref<4x128x128xf32, #tpu.memory_space<vmem>> -> memref<1x128x128xf32, #tpu.memory_space<vmem>>
        %gather3A_442 = tpu.memref_squeeze %gather3A_441 : memref<1x128x128xf32, #tpu.memory_space<vmem>> -> memref<128x128xf32, #tpu.memory_space<vmem>>
        %gather3A_443 = tpu.vector_load_idx %gather3A_442[%add3A_25, %broadcast_in_dim3A] : memref<128x128xf32, #tpu.memory_space<vmem>>[vector<16xi32>, vector<16xi32>], vector<16xf32>,
        %swap3A_444 = arith.constant 0 : i32
        %swap3A_445 = arith.index_cast %swap3A_444 : i32 to index
        %swap3A_446 = arith.index_cast %scan3A_384 : i32 to index
        %swap3A_447 = arith.constant 80 : index
        %swap3A_448 = tpu.vector_load %arg7[%swap3A_445, %swap3A_446, %swap3A_447] {strides = array<i32>} : memref<2x64x128xf32, #tpu.memory_space<vmem>>, vector<16xf32>,
        tpu.vector_store %arg7[%swap3A_445, %swap3A_446, %swap3A_447], %gather3A_443 {strides = array<i32>} : memref<2x64x128xf32, #tpu.memory_space<vmem>>, vector<16xf32>,
        %gather3A_449 = arith.constant 2 : i32
        %gather3A_450 = arith.constant 0 : i32
        %gather3A_451 = arith.constant 0 : i32
        %gather3A_452 = tpu.memref_slice %arg6[%gather3A_449, %gather3A_450, %gather3A_451] : memref<4x128x128xf32, #tpu.memory_space<vmem>> -> memref<1x128x128xf32, #tpu.memory_space<vmem>>
        %gather3A_453 = tpu.memref_squeeze %gather3A_452 : memref<1x128x128xf32, #tpu.memory_space<vmem>> -> memref<128x128xf32, #tpu.memory_space<vmem>>
        %gather3A_454 = tpu.vector_load_idx %gather3A_453[%add3A_29, %broadcast_in_dim3A] : memref<128x128xf32, #tpu.memory_space<vmem>>[vector<16xi32>, vector<16xi32>], vector<16xf32>,
        %swap3A_455 = arith.constant 0 : i32
        %swap3A_456 = arith.index_cast %swap3A_455 : i32 to index
        %swap3A_457 = arith.index_cast %scan3A_384 : i32 to index
        %swap3A_458 = arith.constant 96 : index
        %swap3A_459 = tpu.vector_load %arg7[%swap3A_456, %swap3A_457, %swap3A_458] {strides = array<i32>} : memref<2x64x128xf32, #tpu.memory_space<vmem>>, vector<16xf32>,
        tpu.vector_store %arg7[%swap3A_456, %swap3A_457, %swap3A_458], %gather3A_454 {strides = array<i32>} : memref<2x64x128xf32, #tpu.memory_space<vmem>>, vector<16xf32>,
        %gather3A_460 = arith.constant 2 : i32
        %gather3A_461 = arith.constant 0 : i32
        %gather3A_462 = arith.constant 0 : i32
        %gather3A_463 = tpu.memref_slice %arg6[%gather3A_460, %gather3A_461, %gather3A_462] : memref<4x128x128xf32, #tpu.memory_space<vmem>> -> memref<1x128x128xf32, #tpu.memory_space<vmem>>
        %gather3A_464 = tpu.memref_squeeze %gather3A_463 : memref<1x128x128xf32, #tpu.memory_space<vmem>> -> memref<128x128xf32, #tpu.memory_space<vmem>>
        %gather3A_465 = tpu.vector_load_idx %gather3A_464[%add3A_33, %broadcast_in_dim3A] : memref<128x128xf32, #tpu.memory_space<vmem>>[vector<16xi32>, vector<16xi32>], vector<16xf32>,
        %swap3A_466 = arith.constant 0 : i32
        %swap3A_467 = arith.index_cast %swap3A_466 : i32 to index
        %swap3A_468 = arith.index_cast %scan3A_384 : i32 to index
        %swap3A_469 = arith.constant 112 : index
        %swap3A_470 = tpu.vector_load %arg7[%swap3A_467, %swap3A_468, %swap3A_469] {strides = array<i32>} : memref<2x64x128xf32, #tpu.memory_space<vmem>>, vector<16xf32>,
        tpu.vector_store %arg7[%swap3A_467, %swap3A_468, %swap3A_469], %gather3A_465 {strides = array<i32>} : memref<2x64x128xf32, #tpu.memory_space<vmem>>, vector<16xf32>,
      }
      %scan3A_292 = arith.constant 64 : i32
      %dma_start3A_293 = arith.constant 0 : i32
      %dma_start3A_294 = arith.constant 0 : i32
      %dma_start3A_295 = arith.constant 0 : i32
      %dma_start3A_296 = arith.constant 0 : i32
      %dma_start3A_297 = tpu.memref_slice %arg7[%dma_start3A_293, %dma_start3A_295, %dma_start3A_296] : memref<2x64x128xf32, #tpu.memory_space<vmem>> -> memref<1x64x128xf32, #tpu.memory_space<vmem>>
      %dma_start3A_298 = tpu.memref_squeeze %dma_start3A_297 : memref<1x64x128xf32, #tpu.memory_space<vmem>> -> memref<64x128xf32, #tpu.memory_space<vmem>>
      %dma_start3A_299 = arith.constant 0 : i32
      %dma_start3A_300 = arith.constant 0 : i32
      %dma_start3A_301 = tpu.memref_slice %arg4[%add3A_267, %dma_start3A_299, %dma_start3A_300] : memref<200x64x4096xf32, #tpu.memory_space<hbm>> -> memref<1x64x4096xf32, #tpu.memory_space<hbm>>
      %dma_start3A_302 = tpu.memref_squeeze %dma_start3A_301 : memref<1x64x4096xf32, #tpu.memory_space<hbm>> -> memref<64x4096xf32, #tpu.memory_space<hbm>>
      %dma_start3A_303 = arith.constant 0 : i32
      %dma_start3A_304 = tpu.memref_slice %dma_start3A_302[%dma_start3A_303, %mul3A_2] : memref<64x4096xf32, #tpu.memory_space<hbm>> -> memref<64x128xf32, #tpu.memory_space<hbm>>
      %dma_start3A_305 = tpu.memref_slice %arg9[%dma_start3A_294] : memref<2x!tpu.dma_semaphore, #tpu.memory_space<semaphore_mem>> -> memref<1x!tpu.dma_semaphore, #tpu.memory_space<semaphore_mem>>
      %dma_start3A_306 = tpu.memref_squeeze %dma_start3A_305 : memref<1x!tpu.dma_semaphore, #tpu.memory_space<semaphore_mem>> -> memref<!tpu.dma_semaphore, #tpu.memory_space<semaphore_mem>>
      %dma_start3A_307 = arith.constant 0 : i32
      %dma_start3A_308 = arith.constant 0 : i32
      %dma_start3A_309 = tpu.memref_slice %arg4[%add3A_267, %dma_start3A_307, %dma_start3A_308] : memref<200x64x4096xf32, #tpu.memory_space<hbm>> -> memref<1x64x4096xf32, #tpu.memory_space<hbm>>
      %dma_start3A_310 = tpu.memref_squeeze %dma_start3A_309 : memref<1x64x4096xf32, #tpu.memory_space<hbm>> -> memref<64x4096xf32, #tpu.memory_space<hbm>>
      %dma_start3A_311 = arith.constant 0 : i32
      %dma_start3A_312 = tpu.memref_slice %dma_start3A_310[%dma_start3A_311, %mul3A_2] : memref<64x4096xf32, #tpu.memory_space<hbm>> -> memref<64x128xf32, #tpu.memory_space<hbm>>
      %dma_start3A_313 = arith.constant 0 : i32
      %dma_start3A_314 = arith.constant 0 : i32
      %dma_start3A_315 = tpu.memref_slice %arg7[%dma_start3A_293, %dma_start3A_313, %dma_start3A_314] : memref<2x64x128xf32, #tpu.memory_space<vmem>> -> memref<1x64x128xf32, #tpu.memory_space<vmem>>
      %dma_start3A_316 = tpu.memref_squeeze %dma_start3A_315 : memref<1x64x128xf32, #tpu.memory_space<vmem>> -> memref<64x128xf32, #tpu.memory_space<vmem>>
      tpu.enqueue_dma source(%dma_start3A_316 : memref<64x128xf32, #tpu.memory_space<vmem>>) target(%dma_start3A_312 : memref<64x128xf32, #tpu.memory_space<hbm>>) target_semaphore(%dma_start3A_306 : memref<!tpu.dma_semaphore, #tpu.memory_space<semaphore_mem>>)
      %add3A_317 = arith.constant 4 : i32
      %add3A_318 = arith.addi %add3A_267, %add3A_317 : i32
      %lt3A_319 = arith.constant 200 : i32
      %lt3A_320 = arith.cmpi slt, %add3A_318, %lt3A_319 : i32
      %convert_element_type3A_321 = arith.extui %lt3A_320 : i1 to i32
      %cond3A_322 = arith.constant 0 : i32
      %cond3A_323 = arith.cmpi ne, %convert_element_type3A_321, %cond3A_322 : i32
      scf.if %cond3A_323 {
        %add3A_384 = arith.constant 4 : i32
        %add3A_385 = arith.addi %add3A_267, %add3A_384 : i32
        %dma_start3A_386 = arith.constant 2 : i32
        %dma_start3A_387 = arith.constant 2 : i32
        %dma_start3A_388 = arith.constant 0 : i32
        %dma_start3A_389 = arith.constant 0 : i32
        %dma_start3A_390 = tpu.memref_slice %arg6[%dma_start3A_386, %dma_start3A_388, %dma_start3A_389] : memref<4x128x128xf32, #tpu.memory_space<vmem>> -> memref<1x128x128xf32, #tpu.memory_space<vmem>>
        %dma_start3A_391 = tpu.memref_squeeze %dma_start3A_390 : memref<1x128x128xf32, #tpu.memory_space<vmem>> -> memref<128x128xf32, #tpu.memory_space<vmem>>
        %dma_start3A_392 = arith.constant 0 : i32
        %dma_start3A_393 = tpu.memref_slice %arg5[%add3A_385, %dma_start3A_392] : memref<200x128xi32, #tpu.memory_space<vmem>> -> memref<1x128xi32, #tpu.memory_space<vmem>>
        %dma_start3A_394 = tpu.memref_squeeze %dma_start3A_393 : memref<1x128xi32, #tpu.memory_space<vmem>> -> memref<128xi32, #tpu.memory_space<vmem>>
        %dma_start3A_395 = arith.constant 0 : i32
        %dma_start3A_396 = arith.constant 0 : i32
        %dma_start3A_397 = tpu.memref_slice %arg2[%dma_start3A_395, %dma_start3A_396] : memref<1000000x128xf32, #tpu.memory_space<hbm>> -> memref<1000000x128xf32, #tpu.memory_space<hbm>>
        %dma_start3A_398 = tpu.memref_slice %arg8[%dma_start3A_387] : memref<4x!tpu.dma_semaphore, #tpu.memory_space<semaphore_mem>> -> memref<1x!tpu.dma_semaphore, #tpu.memory_space<semaphore_mem>>
        %dma_start3A_399 = tpu.memref_squeeze %dma_start3A_398 : memref<1x!tpu.dma_semaphore, #tpu.memory_space<semaphore_mem>> -> memref<!tpu.dma_semaphore, #tpu.memory_space<semaphore_mem>>
        tpu.enqueue_indirect_dma source(%dma_start3A_397 : memref<1000000x128xf32, #tpu.memory_space<hbm>>) target(%dma_start3A_391 : memref<128x128xf32, #tpu.memory_space<vmem>>) offsets(%dma_start3A_394 : memref<128xi32, #tpu.memory_space<vmem>>) semaphore(%dma_start3A_399 : memref<!tpu.dma_semaphore, #tpu.memory_space<semaphore_mem>>)
      } else {
      }
      %mul3A_324 = arith.constant 4 : i32
      %mul3A_325 = arith.muli %mul3A_324, %scan3A_147 : i32
      %add3A_326 = arith.constant 3 : i32
      %add3A_327 = arith.addi %mul3A_325, %add3A_326 : i32
      %dma_wait3A_328 = arith.constant 3 : i32
      %dma_wait3A_329 = arith.constant 3 : i32
      %dma_wait3A_330 = arith.constant 0 : i32
      %dma_wait3A_331 = arith.constant 0 : i32
      %dma_wait3A_332 = tpu.memref_slice %arg6[%dma_wait3A_328, %dma_wait3A_330, %dma_wait3A_331] : memref<4x128x128xf32, #tpu.memory_space<vmem>> -> memref<1x128x128xf32, #tpu.memory_space<vmem>>
      %dma_wait3A_333 = tpu.memref_squeeze %dma_wait3A_332 : memref<1x128x128xf32, #tpu.memory_space<vmem>> -> memref<128x128xf32, #tpu.memory_space<vmem>>
      %dma_wait3A_334 = arith.constant 0 : i32
      %dma_wait3A_335 = tpu.memref_slice %arg5[%add3A_327, %dma_wait3A_334] : memref<200x128xi32, #tpu.memory_space<vmem>> -> memref<1x128xi32, #tpu.memory_space<vmem>>
      %dma_wait3A_336 = tpu.memref_squeeze %dma_wait3A_335 : memref<1x128xi32, #tpu.memory_space<vmem>> -> memref<128xi32, #tpu.memory_space<vmem>>
      %dma_wait3A_337 = arith.constant 0 : i32
      %dma_wait3A_338 = arith.constant 0 : i32
      %dma_wait3A_339 = tpu.memref_slice %arg2[%dma_wait3A_337, %dma_wait3A_338] : memref<1000000x128xf32, #tpu.memory_space<hbm>> -> memref<1000000x128xf32, #tpu.memory_space<hbm>>
      %dma_wait3A_340 = tpu.memref_slice %arg8[%dma_wait3A_329] : memref<4x!tpu.dma_semaphore, #tpu.memory_space<semaphore_mem>> -> memref<1x!tpu.dma_semaphore, #tpu.memory_space<semaphore_mem>>
      %dma_wait3A_341 = tpu.memref_squeeze %dma_wait3A_340 : memref<1x!tpu.dma_semaphore, #tpu.memory_space<semaphore_mem>> -> memref<!tpu.dma_semaphore, #tpu.memory_space<semaphore_mem>>
      tpu.wait_indirect_dma semaphore(%dma_wait3A_341 : memref<!tpu.dma_semaphore, #tpu.memory_space<semaphore_mem>>) src(%dma_wait3A_339 : memref<1000000x128xf32, #tpu.memory_space<hbm>>) dst(%dma_wait3A_333 : memref<128x128xf32, #tpu.memory_space<vmem>>)
      %ge3A_342 = arith.constant 2 : i32
      %ge3A_343 = arith.cmpi sge, %add3A_327, %ge3A_342 : i32
      %convert_element_type3A_344 = arith.extui %ge3A_343 : i1 to i32
      %cond3A_345 = arith.constant 0 : i32
      %cond3A_346 = arith.cmpi ne, %convert_element_type3A_344, %cond3A_345 : i32
      scf.if %cond3A_346 {
        %sub3A = arith.constant 2 : i32
        %sub3A_384 = arith.subi %add3A_327, %sub3A : i32
        %dma_wait3A_385 = arith.constant 1 : i32
        %dma_wait3A_386 = arith.constant 1 : i32
        %dma_wait3A_387 = arith.constant 0 : i32
        %dma_wait3A_388 = arith.constant 0 : i32
        %dma_wait3A_389 = tpu.memref_slice %arg7[%dma_wait3A_385, %dma_wait3A_387, %dma_wait3A_388] : memref<2x64x128xf32, #tpu.memory_space<vmem>> -> memref<1x64x128xf32, #tpu.memory_space<vmem>>
        %dma_wait3A_390 = tpu.memref_squeeze %dma_wait3A_389 : memref<1x64x128xf32, #tpu.memory_space<vmem>> -> memref<64x128xf32, #tpu.memory_space<vmem>>
        %dma_wait3A_391 = arith.constant 0 : i32
        %dma_wait3A_392 = arith.constant 0 : i32
        %dma_wait3A_393 = tpu.memref_slice %arg4[%sub3A_384, %dma_wait3A_391, %dma_wait3A_392] : memref<200x64x4096xf32, #tpu.memory_space<hbm>> -> memref<1x64x4096xf32, #tpu.memory_space<hbm>>
        %dma_wait3A_394 = tpu.memref_squeeze %dma_wait3A_393 : memref<1x64x4096xf32, #tpu.memory_space<hbm>> -> memref<64x4096xf32, #tpu.memory_space<hbm>>
        %dma_wait3A_395 = arith.constant 0 : i32
        %dma_wait3A_396 = tpu.memref_slice %dma_wait3A_394[%dma_wait3A_395, %mul3A_2] : memref<64x4096xf32, #tpu.memory_space<hbm>> -> memref<64x128xf32, #tpu.memory_space<hbm>>
        %dma_wait3A_397 = tpu.memref_slice %arg9[%dma_wait3A_386] : memref<2x!tpu.dma_semaphore, #tpu.memory_space<semaphore_mem>> -> memref<1x!tpu.dma_semaphore, #tpu.memory_space<semaphore_mem>>
        %dma_wait3A_398 = tpu.memref_squeeze %dma_wait3A_397 : memref<1x!tpu.dma_semaphore, #tpu.memory_space<semaphore_mem>> -> memref<!tpu.dma_semaphore, #tpu.memory_space<semaphore_mem>>
        %dma_wait3A_399 = arith.constant 0 : i32
        %dma_wait3A_400 = arith.constant 0 : i32
        %dma_wait3A_401 = tpu.memref_slice %arg4[%sub3A_384, %dma_wait3A_399, %dma_wait3A_400] : memref<200x64x4096xf32, #tpu.memory_space<hbm>> -> memref<1x64x4096xf32, #tpu.memory_space<hbm>>
        %dma_wait3A_402 = tpu.memref_squeeze %dma_wait3A_401 : memref<1x64x4096xf32, #tpu.memory_space<hbm>> -> memref<64x4096xf32, #tpu.memory_space<hbm>>
        %dma_wait3A_403 = arith.constant 0 : i32
        %dma_wait3A_404 = tpu.memref_slice %dma_wait3A_402[%dma_wait3A_403, %mul3A_2] : memref<64x4096xf32, #tpu.memory_space<hbm>> -> memref<64x128xf32, #tpu.memory_space<hbm>>
        %dma_wait3A_405 = arith.constant 0 : i32
        %dma_wait3A_406 = arith.constant 0 : i32
        %dma_wait3A_407 = tpu.memref_slice %arg7[%dma_wait3A_385, %dma_wait3A_405, %dma_wait3A_406] : memref<2x64x128xf32, #tpu.memory_space<vmem>> -> memref<1x64x128xf32, #tpu.memory_space<vmem>>
        %dma_wait3A_408 = tpu.memref_squeeze %dma_wait3A_407 : memref<1x64x128xf32, #tpu.memory_space<vmem>> -> memref<64x128xf32, #tpu.memory_space<vmem>>
        tpu.wait_dma2 semaphore(%dma_wait3A_398 : memref<!tpu.dma_semaphore, #tpu.memory_space<semaphore_mem>>) src(%dma_wait3A_408 : memref<64x128xf32, #tpu.memory_space<vmem>>) dst(%dma_wait3A_404 : memref<64x128xf32, #tpu.memory_space<hbm>>)
      } else {
      }
      %scan3A_347 = arith.constant 0 : i32
      %scan3A_348 = arith.constant 0 : i32
      %scan3A_349 = arith.constant 64 : i32
      %scan3A_350 = arith.addi %scan3A_348, %scan3A_349 : i32
      %scan3A_351 = arith.constant 1 : i32
      scf.for %scan3A_384 = %scan3A_348 to %scan3A_350 step %scan3A_351  : i32 {
        %broadcast_in_dim3A = vector.broadcast %scan3A_384 : i32 to vector<16xi32>
        %gather3A = arith.constant 3 : i32
        %gather3A_385 = arith.constant 0 : i32
        %gather3A_386 = arith.constant 0 : i32
        %gather3A_387 = tpu.memref_slice %arg6[%gather3A, %gather3A_385, %gather3A_386] : memref<4x128x128xf32, #tpu.memory_space<vmem>> -> memref<1x128x128xf32, #tpu.memory_space<vmem>>
        %gather3A_388 = tpu.memref_squeeze %gather3A_387 : memref<1x128x128xf32, #tpu.memory_space<vmem>> -> memref<128x128xf32, #tpu.memory_space<vmem>>
        %gather3A_389 = tpu.vector_load_idx %gather3A_388[%add3A_5, %broadcast_in_dim3A] : memref<128x128xf32, #tpu.memory_space<vmem>>[vector<16xi32>, vector<16xi32>], vector<16xf32>,
        %swap3A = arith.constant 1 : i32
        %swap3A_390 = arith.index_cast %swap3A : i32 to index
        %swap3A_391 = arith.index_cast %scan3A_384 : i32 to index
        %swap3A_392 = arith.constant 0 : index
        %swap3A_393 = tpu.vector_load %arg7[%swap3A_390, %swap3A_391, %swap3A_392] {strides = array<i32>} : memref<2x64x128xf32, #tpu.memory_space<vmem>>, vector<16xf32>,
        tpu.vector_store %arg7[%swap3A_390, %swap3A_391, %swap3A_392], %gather3A_389 {strides = array<i32>} : memref<2x64x128xf32, #tpu.memory_space<vmem>>, vector<16xf32>,
        %gather3A_394 = arith.constant 3 : i32
        %gather3A_395 = arith.constant 0 : i32
        %gather3A_396 = arith.constant 0 : i32
        %gather3A_397 = tpu.memref_slice %arg6[%gather3A_394, %gather3A_395, %gather3A_396] : memref<4x128x128xf32, #tpu.memory_space<vmem>> -> memref<1x128x128xf32, #tpu.memory_space<vmem>>
        %gather3A_398 = tpu.memref_squeeze %gather3A_397 : memref<1x128x128xf32, #tpu.memory_space<vmem>> -> memref<128x128xf32, #tpu.memory_space<vmem>>
        %gather3A_399 = tpu.vector_load_idx %gather3A_398[%add3A_9, %broadcast_in_dim3A] : memref<128x128xf32, #tpu.memory_space<vmem>>[vector<16xi32>, vector<16xi32>], vector<16xf32>,
        %swap3A_400 = arith.constant 1 : i32
        %swap3A_401 = arith.index_cast %swap3A_400 : i32 to index
        %swap3A_402 = arith.index_cast %scan3A_384 : i32 to index
        %swap3A_403 = arith.constant 16 : index
        %swap3A_404 = tpu.vector_load %arg7[%swap3A_401, %swap3A_402, %swap3A_403] {strides = array<i32>} : memref<2x64x128xf32, #tpu.memory_space<vmem>>, vector<16xf32>,
        tpu.vector_store %arg7[%swap3A_401, %swap3A_402, %swap3A_403], %gather3A_399 {strides = array<i32>} : memref<2x64x128xf32, #tpu.memory_space<vmem>>, vector<16xf32>,
        %gather3A_405 = arith.constant 3 : i32
        %gather3A_406 = arith.constant 0 : i32
        %gather3A_407 = arith.constant 0 : i32
        %gather3A_408 = tpu.memref_slice %arg6[%gather3A_405, %gather3A_406, %gather3A_407] : memref<4x128x128xf32, #tpu.memory_space<vmem>> -> memref<1x128x128xf32, #tpu.memory_space<vmem>>
        %gather3A_409 = tpu.memref_squeeze %gather3A_408 : memref<1x128x128xf32, #tpu.memory_space<vmem>> -> memref<128x128xf32, #tpu.memory_space<vmem>>
        %gather3A_410 = tpu.vector_load_idx %gather3A_409[%add3A_13, %broadcast_in_dim3A] : memref<128x128xf32, #tpu.memory_space<vmem>>[vector<16xi32>, vector<16xi32>], vector<16xf32>,
        %swap3A_411 = arith.constant 1 : i32
        %swap3A_412 = arith.index_cast %swap3A_411 : i32 to index
        %swap3A_413 = arith.index_cast %scan3A_384 : i32 to index
        %swap3A_414 = arith.constant 32 : index
        %swap3A_415 = tpu.vector_load %arg7[%swap3A_412, %swap3A_413, %swap3A_414] {strides = array<i32>} : memref<2x64x128xf32, #tpu.memory_space<vmem>>, vector<16xf32>,
        tpu.vector_store %arg7[%swap3A_412, %swap3A_413, %swap3A_414], %gather3A_410 {strides = array<i32>} : memref<2x64x128xf32, #tpu.memory_space<vmem>>, vector<16xf32>,
        %gather3A_416 = arith.constant 3 : i32
        %gather3A_417 = arith.constant 0 : i32
        %gather3A_418 = arith.constant 0 : i32
        %gather3A_419 = tpu.memref_slice %arg6[%gather3A_416, %gather3A_417, %gather3A_418] : memref<4x128x128xf32, #tpu.memory_space<vmem>> -> memref<1x128x128xf32, #tpu.memory_space<vmem>>
        %gather3A_420 = tpu.memref_squeeze %gather3A_419 : memref<1x128x128xf32, #tpu.memory_space<vmem>> -> memref<128x128xf32, #tpu.memory_space<vmem>>
        %gather3A_421 = tpu.vector_load_idx %gather3A_420[%add3A_17, %broadcast_in_dim3A] : memref<128x128xf32, #tpu.memory_space<vmem>>[vector<16xi32>, vector<16xi32>], vector<16xf32>,
        %swap3A_422 = arith.constant 1 : i32
        %swap3A_423 = arith.index_cast %swap3A_422 : i32 to index
        %swap3A_424 = arith.index_cast %scan3A_384 : i32 to index
        %swap3A_425 = arith.constant 48 : index
        %swap3A_426 = tpu.vector_load %arg7[%swap3A_423, %swap3A_424, %swap3A_425] {strides = array<i32>} : memref<2x64x128xf32, #tpu.memory_space<vmem>>, vector<16xf32>,
        tpu.vector_store %arg7[%swap3A_423, %swap3A_424, %swap3A_425], %gather3A_421 {strides = array<i32>} : memref<2x64x128xf32, #tpu.memory_space<vmem>>, vector<16xf32>,
        %gather3A_427 = arith.constant 3 : i32
        %gather3A_428 = arith.constant 0 : i32
        %gather3A_429 = arith.constant 0 : i32
        %gather3A_430 = tpu.memref_slice %arg6[%gather3A_427, %gather3A_428, %gather3A_429] : memref<4x128x128xf32, #tpu.memory_space<vmem>> -> memref<1x128x128xf32, #tpu.memory_space<vmem>>
        %gather3A_431 = tpu.memref_squeeze %gather3A_430 : memref<1x128x128xf32, #tpu.memory_space<vmem>> -> memref<128x128xf32, #tpu.memory_space<vmem>>
        %gather3A_432 = tpu.vector_load_idx %gather3A_431[%add3A_21, %broadcast_in_dim3A] : memref<128x128xf32, #tpu.memory_space<vmem>>[vector<16xi32>, vector<16xi32>], vector<16xf32>,
        %swap3A_433 = arith.constant 1 : i32
        %swap3A_434 = arith.index_cast %swap3A_433 : i32 to index
        %swap3A_435 = arith.index_cast %scan3A_384 : i32 to index
        %swap3A_436 = arith.constant 64 : index
        %swap3A_437 = tpu.vector_load %arg7[%swap3A_434, %swap3A_435, %swap3A_436] {strides = array<i32>} : memref<2x64x128xf32, #tpu.memory_space<vmem>>, vector<16xf32>,
        tpu.vector_store %arg7[%swap3A_434, %swap3A_435, %swap3A_436], %gather3A_432 {strides = array<i32>} : memref<2x64x128xf32, #tpu.memory_space<vmem>>, vector<16xf32>,
        %gather3A_438 = arith.constant 3 : i32
        %gather3A_439 = arith.constant 0 : i32
        %gather3A_440 = arith.constant 0 : i32
        %gather3A_441 = tpu.memref_slice %arg6[%gather3A_438, %gather3A_439, %gather3A_440] : memref<4x128x128xf32, #tpu.memory_space<vmem>> -> memref<1x128x128xf32, #tpu.memory_space<vmem>>
        %gather3A_442 = tpu.memref_squeeze %gather3A_441 : memref<1x128x128xf32, #tpu.memory_space<vmem>> -> memref<128x128xf32, #tpu.memory_space<vmem>>
        %gather3A_443 = tpu.vector_load_idx %gather3A_442[%add3A_25, %broadcast_in_dim3A] : memref<128x128xf32, #tpu.memory_space<vmem>>[vector<16xi32>, vector<16xi32>], vector<16xf32>,
        %swap3A_444 = arith.constant 1 : i32
        %swap3A_445 = arith.index_cast %swap3A_444 : i32 to index
        %swap3A_446 = arith.index_cast %scan3A_384 : i32 to index
        %swap3A_447 = arith.constant 80 : index
        %swap3A_448 = tpu.vector_load %arg7[%swap3A_445, %swap3A_446, %swap3A_447] {strides = array<i32>} : memref<2x64x128xf32, #tpu.memory_space<vmem>>, vector<16xf32>,
        tpu.vector_store %arg7[%swap3A_445, %swap3A_446, %swap3A_447], %gather3A_443 {strides = array<i32>} : memref<2x64x128xf32, #tpu.memory_space<vmem>>, vector<16xf32>,
        %gather3A_449 = arith.constant 3 : i32
        %gather3A_450 = arith.constant 0 : i32
        %gather3A_451 = arith.constant 0 : i32
        %gather3A_452 = tpu.memref_slice %arg6[%gather3A_449, %gather3A_450, %gather3A_451] : memref<4x128x128xf32, #tpu.memory_space<vmem>> -> memref<1x128x128xf32, #tpu.memory_space<vmem>>
        %gather3A_453 = tpu.memref_squeeze %gather3A_452 : memref<1x128x128xf32, #tpu.memory_space<vmem>> -> memref<128x128xf32, #tpu.memory_space<vmem>>
        %gather3A_454 = tpu.vector_load_idx %gather3A_453[%add3A_29, %broadcast_in_dim3A] : memref<128x128xf32, #tpu.memory_space<vmem>>[vector<16xi32>, vector<16xi32>], vector<16xf32>,
        %swap3A_455 = arith.constant 1 : i32
        %swap3A_456 = arith.index_cast %swap3A_455 : i32 to index
        %swap3A_457 = arith.index_cast %scan3A_384 : i32 to index
        %swap3A_458 = arith.constant 96 : index
        %swap3A_459 = tpu.vector_load %arg7[%swap3A_456, %swap3A_457, %swap3A_458] {strides = array<i32>} : memref<2x64x128xf32, #tpu.memory_space<vmem>>, vector<16xf32>,
        tpu.vector_store %arg7[%swap3A_456, %swap3A_457, %swap3A_458], %gather3A_454 {strides = array<i32>} : memref<2x64x128xf32, #tpu.memory_space<vmem>>, vector<16xf32>,
        %gather3A_460 = arith.constant 3 : i32
        %gather3A_461 = arith.constant 0 : i32
        %gather3A_462 = arith.constant 0 : i32
        %gather3A_463 = tpu.memref_slice %arg6[%gather3A_460, %gather3A_461, %gather3A_462] : memref<4x128x128xf32, #tpu.memory_space<vmem>> -> memref<1x128x128xf32, #tpu.memory_space<vmem>>
        %gather3A_464 = tpu.memref_squeeze %gather3A_463 : memref<1x128x128xf32, #tpu.memory_space<vmem>> -> memref<128x128xf32, #tpu.memory_space<vmem>>
        %gather3A_465 = tpu.vector_load_idx %gather3A_464[%add3A_33, %broadcast_in_dim3A] : memref<128x128xf32, #tpu.memory_space<vmem>>[vector<16xi32>, vector<16xi32>], vector<16xf32>,
        %swap3A_466 = arith.constant 1 : i32
        %swap3A_467 = arith.index_cast %swap3A_466 : i32 to index
        %swap3A_468 = arith.index_cast %scan3A_384 : i32 to index
        %swap3A_469 = arith.constant 112 : index
        %swap3A_470 = tpu.vector_load %arg7[%swap3A_467, %swap3A_468, %swap3A_469] {strides = array<i32>} : memref<2x64x128xf32, #tpu.memory_space<vmem>>, vector<16xf32>,
        tpu.vector_store %arg7[%swap3A_467, %swap3A_468, %swap3A_469], %gather3A_465 {strides = array<i32>} : memref<2x64x128xf32, #tpu.memory_space<vmem>>, vector<16xf32>,
      }
      %scan3A_352 = arith.constant 64 : i32
      %dma_start3A_353 = arith.constant 1 : i32
      %dma_start3A_354 = arith.constant 1 : i32
      %dma_start3A_355 = arith.constant 0 : i32
      %dma_start3A_356 = arith.constant 0 : i32
      %dma_start3A_357 = tpu.memref_slice %arg7[%dma_start3A_353, %dma_start3A_355, %dma_start3A_356] : memref<2x64x128xf32, #tpu.memory_space<vmem>> -> memref<1x64x128xf32, #tpu.memory_space<vmem>>
      %dma_start3A_358 = tpu.memref_squeeze %dma_start3A_357 : memref<1x64x128xf32, #tpu.memory_space<vmem>> -> memref<64x128xf32, #tpu.memory_space<vmem>>
      %dma_start3A_359 = arith.constant 0 : i32
      %dma_start3A_360 = arith.constant 0 : i32
      %dma_start3A_361 = tpu.memref_slice %arg4[%add3A_327, %dma_start3A_359, %dma_start3A_360] : memref<200x64x4096xf32, #tpu.memory_space<hbm>> -> memref<1x64x4096xf32, #tpu.memory_space<hbm>>
      %dma_start3A_362 = tpu.memref_squeeze %dma_start3A_361 : memref<1x64x4096xf32, #tpu.memory_space<hbm>> -> memref<64x4096xf32, #tpu.memory_space<hbm>>
      %dma_start3A_363 = arith.constant 0 : i32
      %dma_start3A_364 = tpu.memref_slice %dma_start3A_362[%dma_start3A_363, %mul3A_2] : memref<64x4096xf32, #tpu.memory_space<hbm>> -> memref<64x128xf32, #tpu.memory_space<hbm>>
      %dma_start3A_365 = tpu.memref_slice %arg9[%dma_start3A_354] : memref<2x!tpu.dma_semaphore, #tpu.memory_space<semaphore_mem>> -> memref<1x!tpu.dma_semaphore, #tpu.memory_space<semaphore_mem>>
      %dma_start3A_366 = tpu.memref_squeeze %dma_start3A_365 : memref<1x!tpu.dma_semaphore, #tpu.memory_space<semaphore_mem>> -> memref<!tpu.dma_semaphore, #tpu.memory_space<semaphore_mem>>
      %dma_start3A_367 = arith.constant 0 : i32
      %dma_start3A_368 = arith.constant 0 : i32
      %dma_start3A_369 = tpu.memref_slice %arg4[%add3A_327, %dma_start3A_367, %dma_start3A_368] : memref<200x64x4096xf32, #tpu.memory_space<hbm>> -> memref<1x64x4096xf32, #tpu.memory_space<hbm>>
      %dma_start3A_370 = tpu.memref_squeeze %dma_start3A_369 : memref<1x64x4096xf32, #tpu.memory_space<hbm>> -> memref<64x4096xf32, #tpu.memory_space<hbm>>
      %dma_start3A_371 = arith.constant 0 : i32
      %dma_start3A_372 = tpu.memref_slice %dma_start3A_370[%dma_start3A_371, %mul3A_2] : memref<64x4096xf32, #tpu.memory_space<hbm>> -> memref<64x128xf32, #tpu.memory_space<hbm>>
      %dma_start3A_373 = arith.constant 0 : i32
      %dma_start3A_374 = arith.constant 0 : i32
      %dma_start3A_375 = tpu.memref_slice %arg7[%dma_start3A_353, %dma_start3A_373, %dma_start3A_374] : memref<2x64x128xf32, #tpu.memory_space<vmem>> -> memref<1x64x128xf32, #tpu.memory_space<vmem>>
      %dma_start3A_376 = tpu.memref_squeeze %dma_start3A_375 : memref<1x64x128xf32, #tpu.memory_space<vmem>> -> memref<64x128xf32, #tpu.memory_space<vmem>>
      tpu.enqueue_dma source(%dma_start3A_376 : memref<64x128xf32, #tpu.memory_space<vmem>>) target(%dma_start3A_372 : memref<64x128xf32, #tpu.memory_space<hbm>>) target_semaphore(%dma_start3A_366 : memref<!tpu.dma_semaphore, #tpu.memory_space<semaphore_mem>>)
      %add3A_377 = arith.constant 4 : i32
      %add3A_378 = arith.addi %add3A_327, %add3A_377 : i32
      %lt3A_379 = arith.constant 200 : i32
      %lt3A_380 = arith.cmpi slt, %add3A_378, %lt3A_379 : i32
      %convert_element_type3A_381 = arith.extui %lt3A_380 : i1 to i32
      %cond3A_382 = arith.constant 0 : i32
      %cond3A_383 = arith.cmpi ne, %convert_element_type3A_381, %cond3A_382 : i32
      scf.if %cond3A_383 {
        %add3A_384 = arith.constant 4 : i32
        %add3A_385 = arith.addi %add3A_327, %add3A_384 : i32
        %dma_start3A_386 = arith.constant 3 : i32
        %dma_start3A_387 = arith.constant 3 : i32
        %dma_start3A_388 = arith.constant 0 : i32
        %dma_start3A_389 = arith.constant 0 : i32
        %dma_start3A_390 = tpu.memref_slice %arg6[%dma_start3A_386, %dma_start3A_388, %dma_start3A_389] : memref<4x128x128xf32, #tpu.memory_space<vmem>> -> memref<1x128x128xf32, #tpu.memory_space<vmem>>
        %dma_start3A_391 = tpu.memref_squeeze %dma_start3A_390 : memref<1x128x128xf32, #tpu.memory_space<vmem>> -> memref<128x128xf32, #tpu.memory_space<vmem>>
        %dma_start3A_392 = arith.constant 0 : i32
        %dma_start3A_393 = tpu.memref_slice %arg5[%add3A_385, %dma_start3A_392] : memref<200x128xi32, #tpu.memory_space<vmem>> -> memref<1x128xi32, #tpu.memory_space<vmem>>
        %dma_start3A_394 = tpu.memref_squeeze %dma_start3A_393 : memref<1x128xi32, #tpu.memory_space<vmem>> -> memref<128xi32, #tpu.memory_space<vmem>>
        %dma_start3A_395 = arith.constant 0 : i32
        %dma_start3A_396 = arith.constant 0 : i32
        %dma_start3A_397 = tpu.memref_slice %arg2[%dma_start3A_395, %dma_start3A_396] : memref<1000000x128xf32, #tpu.memory_space<hbm>> -> memref<1000000x128xf32, #tpu.memory_space<hbm>>
        %dma_start3A_398 = tpu.memref_slice %arg8[%dma_start3A_387] : memref<4x!tpu.dma_semaphore, #tpu.memory_space<semaphore_mem>> -> memref<1x!tpu.dma_semaphore, #tpu.memory_space<semaphore_mem>>
        %dma_start3A_399 = tpu.memref_squeeze %dma_start3A_398 : memref<1x!tpu.dma_semaphore, #tpu.memory_space<semaphore_mem>> -> memref<!tpu.dma_semaphore, #tpu.memory_space<semaphore_mem>>
        tpu.enqueue_indirect_dma source(%dma_start3A_397 : memref<1000000x128xf32, #tpu.memory_space<hbm>>) target(%dma_start3A_391 : memref<128x128xf32, #tpu.memory_space<vmem>>) offsets(%dma_start3A_394 : memref<128xi32, #tpu.memory_space<vmem>>) semaphore(%dma_start3A_399 : memref<!tpu.dma_semaphore, #tpu.memory_space<semaphore_mem>>)
      } else {
      }
    }
    %scan3A_97 = arith.constant 50 : i32
    %dma_wait3A = arith.constant 0 : i32
    %dma_wait3A_98 = arith.constant 198 : i32
    %dma_wait3A_99 = arith.constant 0 : i32
    %dma_wait3A_100 = arith.constant 0 : i32
    %dma_wait3A_101 = arith.constant 0 : i32
    %dma_wait3A_102 = tpu.memref_slice %arg7[%dma_wait3A, %dma_wait3A_100, %dma_wait3A_101] : memref<2x64x128xf32, #tpu.memory_space<vmem>> -> memref<1x64x128xf32, #tpu.memory_space<vmem>>
    %dma_wait3A_103 = tpu.memref_squeeze %dma_wait3A_102 : memref<1x64x128xf32, #tpu.memory_space<vmem>> -> memref<64x128xf32, #tpu.memory_space<vmem>>
    %dma_wait3A_104 = arith.constant 0 : i32
    %dma_wait3A_105 = arith.constant 0 : i32
    %dma_wait3A_106 = tpu.memref_slice %arg4[%dma_wait3A_98, %dma_wait3A_104, %dma_wait3A_105] : memref<200x64x4096xf32, #tpu.memory_space<hbm>> -> memref<1x64x4096xf32, #tpu.memory_space<hbm>>
    %dma_wait3A_107 = tpu.memref_squeeze %dma_wait3A_106 : memref<1x64x4096xf32, #tpu.memory_space<hbm>> -> memref<64x4096xf32, #tpu.memory_space<hbm>>
    %dma_wait3A_108 = arith.constant 0 : i32
    %dma_wait3A_109 = tpu.memref_slice %dma_wait3A_107[%dma_wait3A_108, %mul3A_2] : memref<64x4096xf32, #tpu.memory_space<hbm>> -> memref<64x128xf32, #tpu.memory_space<hbm>>
    %dma_wait3A_110 = tpu.memref_slice %arg9[%dma_wait3A_99] : memref<2x!tpu.dma_semaphore, #tpu.memory_space<semaphore_mem>> -> memref<1x!tpu.dma_semaphore, #tpu.memory_space<semaphore_mem>>
    %dma_wait3A_111 = tpu.memref_squeeze %dma_wait3A_110 : memref<1x!tpu.dma_semaphore, #tpu.memory_space<semaphore_mem>> -> memref<!tpu.dma_semaphore, #tpu.memory_space<semaphore_mem>>
    %dma_wait3A_112 = arith.constant 0 : i32
    %dma_wait3A_113 = arith.constant 0 : i32
    %dma_wait3A_114 = tpu.memref_slice %arg4[%dma_wait3A_98, %dma_wait3A_112, %dma_wait3A_113] : memref<200x64x4096xf32, #tpu.memory_space<hbm>> -> memref<1x64x4096xf32, #tpu.memory_space<hbm>>
    %dma_wait3A_115 = tpu.memref_squeeze %dma_wait3A_114 : memref<1x64x4096xf32, #tpu.memory_space<hbm>> -> memref<64x4096xf32, #tpu.memory_space<hbm>>
    %dma_wait3A_116 = arith.constant 0 : i32
    %dma_wait3A_117 = tpu.memref_slice %dma_wait3A_115[%dma_wait3A_116, %mul3A_2] : memref<64x4096xf32, #tpu.memory_space<hbm>> -> memref<64x128xf32, #tpu.memory_space<hbm>>
    %dma_wait3A_118 = arith.constant 0 : i32
    %dma_wait3A_119 = arith.constant 0 : i32
    %dma_wait3A_120 = tpu.memref_slice %arg7[%dma_wait3A, %dma_wait3A_118, %dma_wait3A_119] : memref<2x64x128xf32, #tpu.memory_space<vmem>> -> memref<1x64x128xf32, #tpu.memory_space<vmem>>
    %dma_wait3A_121 = tpu.memref_squeeze %dma_wait3A_120 : memref<1x64x128xf32, #tpu.memory_space<vmem>> -> memref<64x128xf32, #tpu.memory_space<vmem>>
    tpu.wait_dma2 semaphore(%dma_wait3A_111 : memref<!tpu.dma_semaphore, #tpu.memory_space<semaphore_mem>>) src(%dma_wait3A_121 : memref<64x128xf32, #tpu.memory_space<vmem>>) dst(%dma_wait3A_117 : memref<64x128xf32, #tpu.memory_space<hbm>>)
    %dma_wait3A_122 = arith.constant 1 : i32
    %dma_wait3A_123 = arith.constant 199 : i32
    %dma_wait3A_124 = arith.constant 1 : i32
    %dma_wait3A_125 = arith.constant 0 : i32
    %dma_wait3A_126 = arith.constant 0 : i32
    %dma_wait3A_127 = tpu.memref_slice %arg7[%dma_wait3A_122, %dma_wait3A_125, %dma_wait3A_126] : memref<2x64x128xf32, #tpu.memory_space<vmem>> -> memref<1x64x128xf32, #tpu.memory_space<vmem>>
    %dma_wait3A_128 = tpu.memref_squeeze %dma_wait3A_127 : memref<1x64x128xf32, #tpu.memory_space<vmem>> -> memref<64x128xf32, #tpu.memory_space<vmem>>
    %dma_wait3A_129 = arith.constant 0 : i32
    %dma_wait3A_130 = arith.constant 0 : i32
    %dma_wait3A_131 = tpu.memref_slice %arg4[%dma_wait3A_123, %dma_wait3A_129, %dma_wait3A_130] : memref<200x64x4096xf32, #tpu.memory_space<hbm>> -> memref<1x64x4096xf32, #tpu.memory_space<hbm>>
    %dma_wait3A_132 = tpu.memref_squeeze %dma_wait3A_131 : memref<1x64x4096xf32, #tpu.memory_space<hbm>> -> memref<64x4096xf32, #tpu.memory_space<hbm>>
    %dma_wait3A_133 = arith.constant 0 : i32
    %dma_wait3A_134 = tpu.memref_slice %dma_wait3A_132[%dma_wait3A_133, %mul3A_2] : memref<64x4096xf32, #tpu.memory_space<hbm>> -> memref<64x128xf32, #tpu.memory_space<hbm>>
    %dma_wait3A_135 = tpu.memref_slice %arg9[%dma_wait3A_124] : memref<2x!tpu.dma_semaphore, #tpu.memory_space<semaphore_mem>> -> memref<1x!tpu.dma_semaphore, #tpu.memory_space<semaphore_mem>>
    %dma_wait3A_136 = tpu.memref_squeeze %dma_wait3A_135 : memref<1x!tpu.dma_semaphore, #tpu.memory_space<semaphore_mem>> -> memref<!tpu.dma_semaphore, #tpu.memory_space<semaphore_mem>>
    %dma_wait3A_137 = arith.constant 0 : i32
    %dma_wait3A_138 = arith.constant 0 : i32
    %dma_wait3A_139 = tpu.memref_slice %arg4[%dma_wait3A_123, %dma_wait3A_137, %dma_wait3A_138] : memref<200x64x4096xf32, #tpu.memory_space<hbm>> -> memref<1x64x4096xf32, #tpu.memory_space<hbm>>
    %dma_wait3A_140 = tpu.memref_squeeze %dma_wait3A_139 : memref<1x64x4096xf32, #tpu.memory_space<hbm>> -> memref<64x4096xf32, #tpu.memory_space<hbm>>
    %dma_wait3A_141 = arith.constant 0 : i32
    %dma_wait3A_142 = tpu.memref_slice %dma_wait3A_140[%dma_wait3A_141, %mul3A_2] : memref<64x4096xf32, #tpu.memory_space<hbm>> -> memref<64x128xf32, #tpu.memory_space<hbm>>
    %dma_wait3A_143 = arith.constant 0 : i32
    %dma_wait3A_144 = arith.constant 0 : i32
    %dma_wait3A_145 = tpu.memref_slice %arg7[%dma_wait3A_122, %dma_wait3A_143, %dma_wait3A_144] : memref<2x64x128xf32, #tpu.memory_space<vmem>> -> memref<1x64x128xf32, #tpu.memory_space<vmem>>
    %dma_wait3A_146 = tpu.memref_squeeze %dma_wait3A_145 : memref<1x64x128xf32, #tpu.memory_space<vmem>> -> memref<64x128xf32, #tpu.memory_space<vmem>>
    tpu.wait_dma2 semaphore(%dma_wait3A_136 : memref<!tpu.dma_semaphore, #tpu.memory_space<semaphore_mem>>) src(%dma_wait3A_146 : memref<64x128xf32, #tpu.memory_space<vmem>>) dst(%dma_wait3A_142 : memref<64x128xf32, #tpu.memory_space<hbm>>)
    return
  }
}

#map = affine_map<(d0, d1) -> (0, 0)>
module attributes {stable_mosaic.version = 14 : i64} {
  func.func @transpose_kernel(%arg0: i32, %arg1: i32, %arg2: memref<64x1000000xf32, #tpu.memory_space<hbm>>, %arg3: memref<1000000x128xf32, #tpu.memory_space<hbm>>, %arg4: memref<2x64x128xf32, #tpu.memory_space<vmem>>, %arg5: memref<2x128x128xf32, #tpu.memory_space<vmem>>, %arg6: memref<64x64xf32, #tpu.memory_space<vmem>>, %arg7: memref<2x!tpu.dma_semaphore, #tpu.memory_space<semaphore_mem>>, %arg8: memref<2x!tpu.dma_semaphore, #tpu.memory_space<semaphore_mem>>) attributes {dimension_semantics = [#tpu.dimension_semantics<core_parallel>, #tpu.dimension_semantics<subcore_parallel>], iteration_bounds = array<i64: 2, 16>, scalar_prefetch = 0 : i64, scratch_operands = 5 : i64, tpu.core_type = #tpu.core_type<sc_vector_subcore>, window_params = [{transform_indices = #map}, {transform_indices = #map}]} {
    %mul3A = arith.constant 2 : i32
    %mul3A_0 = arith.muli %arg1, %mul3A : i32
    %add3A = arith.addi %mul3A_0, %arg0 : i32
    %iota3A = tpu.iota {dimensions = array<i32: 0>} : vector<16xi32>
    %add3A_1 = arith.constant 0 : i32
    %add3A_2 = vector.broadcast %add3A_1 : i32 to vector<16xi32>
    %add3A_3 = arith.addi %iota3A, %add3A_2 : vector<16xi32>
    %iota3A_4 = tpu.iota {dimensions = array<i32: 0>} : vector<16xi32>
    %add3A_5 = arith.constant 16 : i32
    %add3A_6 = vector.broadcast %add3A_5 : i32 to vector<16xi32>
    %add3A_7 = arith.addi %iota3A_4, %add3A_6 : vector<16xi32>
    %iota3A_8 = tpu.iota {dimensions = array<i32: 0>} : vector<16xi32>
    %add3A_9 = arith.constant 32 : i32
    %add3A_10 = vector.broadcast %add3A_9 : i32 to vector<16xi32>
    %add3A_11 = arith.addi %iota3A_8, %add3A_10 : vector<16xi32>
    %iota3A_12 = tpu.iota {dimensions = array<i32: 0>} : vector<16xi32>
    %add3A_13 = arith.constant 48 : i32
    %add3A_14 = vector.broadcast %add3A_13 : i32 to vector<16xi32>
    %add3A_15 = arith.addi %iota3A_12, %add3A_14 : vector<16xi32>
    %iota3A_16 = tpu.iota {dimensions = array<i32: 0>} : vector<16xi32>
    %add3A_17 = arith.constant 64 : i32
    %add3A_18 = vector.broadcast %add3A_17 : i32 to vector<16xi32>
    %add3A_19 = arith.addi %iota3A_16, %add3A_18 : vector<16xi32>
    %iota3A_20 = tpu.iota {dimensions = array<i32: 0>} : vector<16xi32>
    %add3A_21 = arith.constant 80 : i32
    %add3A_22 = vector.broadcast %add3A_21 : i32 to vector<16xi32>
    %add3A_23 = arith.addi %iota3A_20, %add3A_22 : vector<16xi32>
    %iota3A_24 = tpu.iota {dimensions = array<i32: 0>} : vector<16xi32>
    %add3A_25 = arith.constant 96 : i32
    %add3A_26 = vector.broadcast %add3A_25 : i32 to vector<16xi32>
    %add3A_27 = arith.addi %iota3A_24, %add3A_26 : vector<16xi32>
    %iota3A_28 = tpu.iota {dimensions = array<i32: 0>} : vector<16xi32>
    %add3A_29 = arith.constant 112 : i32
    %add3A_30 = vector.broadcast %add3A_29 : i32 to vector<16xi32>
    %add3A_31 = arith.addi %iota3A_28, %add3A_30 : vector<16xi32>
    %add3A_32 = arith.constant 0 : i32
    %add3A_33 = arith.addi %add3A_32, %add3A : i32
    %mul3A_34 = arith.constant 128 : i32
    %mul3A_35 = arith.muli %add3A_33, %mul3A_34 : i32
    %dma_start3A = arith.constant 0 : i32
    %dma_start3A_36 = arith.constant 0 : i32
    %dma_start3A_37 = arith.constant 0 : i32
    %dma_start3A_38 = arith.constant 0 : i32
    %dma_start3A_39 = tpu.memref_slice %arg4[%dma_start3A, %dma_start3A_37, %dma_start3A_38] : memref<2x64x128xf32, #tpu.memory_space<vmem>> -> memref<1x64x128xf32, #tpu.memory_space<vmem>>
    %dma_start3A_40 = tpu.memref_squeeze %dma_start3A_39 : memref<1x64x128xf32, #tpu.memory_space<vmem>> -> memref<64x128xf32, #tpu.memory_space<vmem>>
    %dma_start3A_41 = arith.constant 0 : i32
    %dma_start3A_42 = tpu.memref_slice %arg2[%dma_start3A_41, %mul3A_35] : memref<64x1000000xf32, #tpu.memory_space<hbm>> -> memref<64x128xf32, #tpu.memory_space<hbm>>
    %dma_start3A_43 = tpu.memref_slice %arg7[%dma_start3A_36] : memref<2x!tpu.dma_semaphore, #tpu.memory_space<semaphore_mem>> -> memref<1x!tpu.dma_semaphore, #tpu.memory_space<semaphore_mem>>
    %dma_start3A_44 = tpu.memref_squeeze %dma_start3A_43 : memref<1x!tpu.dma_semaphore, #tpu.memory_space<semaphore_mem>> -> memref<!tpu.dma_semaphore, #tpu.memory_space<semaphore_mem>>
    %dma_start3A_45 = arith.constant 0 : i32
    %dma_start3A_46 = arith.constant 0 : i32
    %dma_start3A_47 = tpu.memref_slice %arg4[%dma_start3A, %dma_start3A_45, %dma_start3A_46] : memref<2x64x128xf32, #tpu.memory_space<vmem>> -> memref<1x64x128xf32, #tpu.memory_space<vmem>>
    %dma_start3A_48 = tpu.memref_squeeze %dma_start3A_47 : memref<1x64x128xf32, #tpu.memory_space<vmem>> -> memref<64x128xf32, #tpu.memory_space<vmem>>
    %dma_start3A_49 = arith.constant 0 : i32
    %dma_start3A_50 = tpu.memref_slice %arg2[%dma_start3A_49, %mul3A_35] : memref<64x1000000xf32, #tpu.memory_space<hbm>> -> memref<64x128xf32, #tpu.memory_space<hbm>>
    tpu.enqueue_dma source(%dma_start3A_50 : memref<64x128xf32, #tpu.memory_space<hbm>>) target(%dma_start3A_48 : memref<64x128xf32, #tpu.memory_space<vmem>>) target_semaphore(%dma_start3A_44 : memref<!tpu.dma_semaphore, #tpu.memory_space<semaphore_mem>>)
    %add3A_51 = arith.constant 32 : i32
    %add3A_52 = arith.addi %add3A_51, %add3A : i32
    %mul3A_53 = arith.constant 128 : i32
    %mul3A_54 = arith.muli %add3A_52, %mul3A_53 : i32
    %dma_start3A_55 = arith.constant 1 : i32
    %dma_start3A_56 = arith.constant 1 : i32
    %dma_start3A_57 = arith.constant 0 : i32
    %dma_start3A_58 = arith.constant 0 : i32
    %dma_start3A_59 = tpu.memref_slice %arg4[%dma_start3A_55, %dma_start3A_57, %dma_start3A_58] : memref<2x64x128xf32, #tpu.memory_space<vmem>> -> memref<1x64x128xf32, #tpu.memory_space<vmem>>
    %dma_start3A_60 = tpu.memref_squeeze %dma_start3A_59 : memref<1x64x128xf32, #tpu.memory_space<vmem>> -> memref<64x128xf32, #tpu.memory_space<vmem>>
    %dma_start3A_61 = arith.constant 0 : i32
    %dma_start3A_62 = tpu.memref_slice %arg2[%dma_start3A_61, %mul3A_54] : memref<64x1000000xf32, #tpu.memory_space<hbm>> -> memref<64x128xf32, #tpu.memory_space<hbm>>
    %dma_start3A_63 = tpu.memref_slice %arg7[%dma_start3A_56] : memref<2x!tpu.dma_semaphore, #tpu.memory_space<semaphore_mem>> -> memref<1x!tpu.dma_semaphore, #tpu.memory_space<semaphore_mem>>
    %dma_start3A_64 = tpu.memref_squeeze %dma_start3A_63 : memref<1x!tpu.dma_semaphore, #tpu.memory_space<semaphore_mem>> -> memref<!tpu.dma_semaphore, #tpu.memory_space<semaphore_mem>>
    %dma_start3A_65 = arith.constant 0 : i32
    %dma_start3A_66 = arith.constant 0 : i32
    %dma_start3A_67 = tpu.memref_slice %arg4[%dma_start3A_55, %dma_start3A_65, %dma_start3A_66] : memref<2x64x128xf32, #tpu.memory_space<vmem>> -> memref<1x64x128xf32, #tpu.memory_space<vmem>>
    %dma_start3A_68 = tpu.memref_squeeze %dma_start3A_67 : memref<1x64x128xf32, #tpu.memory_space<vmem>> -> memref<64x128xf32, #tpu.memory_space<vmem>>
    %dma_start3A_69 = arith.constant 0 : i32
    %dma_start3A_70 = tpu.memref_slice %arg2[%dma_start3A_69, %mul3A_54] : memref<64x1000000xf32, #tpu.memory_space<hbm>> -> memref<64x128xf32, #tpu.memory_space<hbm>>
    tpu.enqueue_dma source(%dma_start3A_70 : memref<64x128xf32, #tpu.memory_space<hbm>>) target(%dma_start3A_68 : memref<64x128xf32, #tpu.memory_space<vmem>>) target_semaphore(%dma_start3A_64 : memref<!tpu.dma_semaphore, #tpu.memory_space<semaphore_mem>>)
    %scan3A = arith.constant 0 : i32
    %scan3A_71 = arith.constant 0 : i32
    %scan3A_72 = arith.constant 122 : i32
    %scan3A_73 = arith.addi %scan3A_71, %scan3A_72 : i32
    %scan3A_74 = arith.constant 1 : i32
    scf.for %scan3A_121 = %scan3A_71 to %scan3A_73 step %scan3A_74  : i32 {
      %mul3A_122 = arith.constant 2 : i32
      %mul3A_123 = arith.muli %mul3A_122, %scan3A_121 : i32
      %add3A_124 = arith.constant 0 : i32
      %add3A_125 = arith.addi %mul3A_123, %add3A_124 : i32
      %mul3A_126 = arith.constant 32 : i32
      %mul3A_127 = arith.muli %add3A_125, %mul3A_126 : i32
      %add3A_128 = arith.addi %mul3A_127, %add3A : i32
      %mul3A_129 = arith.constant 128 : i32
      %mul3A_130 = arith.muli %add3A_128, %mul3A_129 : i32
      %dma_wait3A_131 = arith.constant 0 : i32
      %dma_wait3A_132 = arith.constant 0 : i32
      %dma_wait3A_133 = arith.constant 0 : i32
      %dma_wait3A_134 = arith.constant 0 : i32
      %dma_wait3A_135 = tpu.memref_slice %arg4[%dma_wait3A_131, %dma_wait3A_133, %dma_wait3A_134] : memref<2x64x128xf32, #tpu.memory_space<vmem>> -> memref<1x64x128xf32, #tpu.memory_space<vmem>>
      %dma_wait3A_136 = tpu.memref_squeeze %dma_wait3A_135 : memref<1x64x128xf32, #tpu.memory_space<vmem>> -> memref<64x128xf32, #tpu.memory_space<vmem>>
      %dma_wait3A_137 = arith.constant 0 : i32
      %dma_wait3A_138 = tpu.memref_slice %arg2[%dma_wait3A_137, %mul3A_130] : memref<64x1000000xf32, #tpu.memory_space<hbm>> -> memref<64x128xf32, #tpu.memory_space<hbm>>
      %dma_wait3A_139 = tpu.memref_slice %arg7[%dma_wait3A_132] : memref<2x!tpu.dma_semaphore, #tpu.memory_space<semaphore_mem>> -> memref<1x!tpu.dma_semaphore, #tpu.memory_space<semaphore_mem>>
      %dma_wait3A_140 = tpu.memref_squeeze %dma_wait3A_139 : memref<1x!tpu.dma_semaphore, #tpu.memory_space<semaphore_mem>> -> memref<!tpu.dma_semaphore, #tpu.memory_space<semaphore_mem>>
      %dma_wait3A_141 = arith.constant 0 : i32
      %dma_wait3A_142 = arith.constant 0 : i32
      %dma_wait3A_143 = tpu.memref_slice %arg4[%dma_wait3A_131, %dma_wait3A_141, %dma_wait3A_142] : memref<2x64x128xf32, #tpu.memory_space<vmem>> -> memref<1x64x128xf32, #tpu.memory_space<vmem>>
      %dma_wait3A_144 = tpu.memref_squeeze %dma_wait3A_143 : memref<1x64x128xf32, #tpu.memory_space<vmem>> -> memref<64x128xf32, #tpu.memory_space<vmem>>
      %dma_wait3A_145 = arith.constant 0 : i32
      %dma_wait3A_146 = tpu.memref_slice %arg2[%dma_wait3A_145, %mul3A_130] : memref<64x1000000xf32, #tpu.memory_space<hbm>> -> memref<64x128xf32, #tpu.memory_space<hbm>>
      tpu.wait_dma2 semaphore(%dma_wait3A_140 : memref<!tpu.dma_semaphore, #tpu.memory_space<semaphore_mem>>) src(%dma_wait3A_146 : memref<64x128xf32, #tpu.memory_space<hbm>>) dst(%dma_wait3A_144 : memref<64x128xf32, #tpu.memory_space<vmem>>)
      %ge3A = arith.constant 2 : i32
      %ge3A_147 = arith.cmpi sge, %add3A_125, %ge3A : i32
      %convert_element_type3A_148 = arith.extui %ge3A_147 : i1 to i32
      %cond3A_149 = arith.constant 0 : i32
      %cond3A_150 = arith.cmpi ne, %convert_element_type3A_148, %cond3A_149 : i32
      scf.if %cond3A_150 {
        %sub3A = arith.constant 2 : i32
        %sub3A_249 = arith.subi %add3A_125, %sub3A : i32
        %mul3A_250 = arith.constant 32 : i32
        %mul3A_251 = arith.muli %sub3A_249, %mul3A_250 : i32
        %add3A_252 = arith.addi %mul3A_251, %add3A : i32
        %mul3A_253 = arith.constant 128 : i32
        %mul3A_254 = arith.muli %add3A_252, %mul3A_253 : i32
        %dma_wait3A_255 = arith.constant 0 : i32
        %dma_wait3A_256 = arith.constant 0 : i32
        %dma_wait3A_257 = arith.constant 0 : i32
        %dma_wait3A_258 = arith.constant 0 : i32
        %dma_wait3A_259 = tpu.memref_slice %arg5[%dma_wait3A_255, %dma_wait3A_257, %dma_wait3A_258] : memref<2x128x128xf32, #tpu.memory_space<vmem>> -> memref<1x128x128xf32, #tpu.memory_space<vmem>>
        %dma_wait3A_260 = tpu.memref_squeeze %dma_wait3A_259 : memref<1x128x128xf32, #tpu.memory_space<vmem>> -> memref<128x128xf32, #tpu.memory_space<vmem>>
        %dma_wait3A_261 = arith.constant 0 : i32
        %dma_wait3A_262 = tpu.memref_slice %arg3[%mul3A_254, %dma_wait3A_261] : memref<1000000x128xf32, #tpu.memory_space<hbm>> -> memref<128x128xf32, #tpu.memory_space<hbm>>
        %dma_wait3A_263 = tpu.memref_slice %arg8[%dma_wait3A_256] : memref<2x!tpu.dma_semaphore, #tpu.memory_space<semaphore_mem>> -> memref<1x!tpu.dma_semaphore, #tpu.memory_space<semaphore_mem>>
        %dma_wait3A_264 = tpu.memref_squeeze %dma_wait3A_263 : memref<1x!tpu.dma_semaphore, #tpu.memory_space<semaphore_mem>> -> memref<!tpu.dma_semaphore, #tpu.memory_space<semaphore_mem>>
        %dma_wait3A_265 = arith.constant 0 : i32
        %dma_wait3A_266 = tpu.memref_slice %arg3[%mul3A_254, %dma_wait3A_265] : memref<1000000x128xf32, #tpu.memory_space<hbm>> -> memref<128x128xf32, #tpu.memory_space<hbm>>
        %dma_wait3A_267 = arith.constant 0 : i32
        %dma_wait3A_268 = arith.constant 0 : i32
        %dma_wait3A_269 = tpu.memref_slice %arg5[%dma_wait3A_255, %dma_wait3A_267, %dma_wait3A_268] : memref<2x128x128xf32, #tpu.memory_space<vmem>> -> memref<1x128x128xf32, #tpu.memory_space<vmem>>
        %dma_wait3A_270 = tpu.memref_squeeze %dma_wait3A_269 : memref<1x128x128xf32, #tpu.memory_space<vmem>> -> memref<128x128xf32, #tpu.memory_space<vmem>>
        tpu.wait_dma2 semaphore(%dma_wait3A_264 : memref<!tpu.dma_semaphore, #tpu.memory_space<semaphore_mem>>) src(%dma_wait3A_270 : memref<128x128xf32, #tpu.memory_space<vmem>>) dst(%dma_wait3A_266 : memref<128x128xf32, #tpu.memory_space<hbm>>)
      } else {
      }
      %scan3A_151 = arith.constant 0 : i32
      %scan3A_152 = arith.constant 0 : i32
      %scan3A_153 = arith.constant 128 : i32
      %scan3A_154 = arith.addi %scan3A_152, %scan3A_153 : i32
      %scan3A_155 = arith.constant 1 : i32
      scf.for %scan3A_249 = %scan3A_152 to %scan3A_154 step %scan3A_155  : i32 {
        %broadcast_in_dim3A = vector.broadcast %scan3A_249 : i32 to vector<16xi32>
        %gather3A = arith.constant 0 : i32
        %gather3A_250 = arith.constant 0 : i32
        %gather3A_251 = arith.constant 0 : i32
        %gather3A_252 = tpu.memref_slice %arg4[%gather3A, %gather3A_250, %gather3A_251] : memref<2x64x128xf32, #tpu.memory_space<vmem>> -> memref<1x64x128xf32, #tpu.memory_space<vmem>>
        %gather3A_253 = tpu.memref_squeeze %gather3A_252 : memref<1x64x128xf32, #tpu.memory_space<vmem>> -> memref<64x128xf32, #tpu.memory_space<vmem>>
        %gather3A_254 = tpu.vector_load_idx %gather3A_253[%add3A_3, %broadcast_in_dim3A] : memref<64x128xf32, #tpu.memory_space<vmem>>[vector<16xi32>, vector<16xi32>], vector<16xf32>,
        %swap3A = arith.constant 0 : i32
        %swap3A_255 = arith.index_cast %swap3A : i32 to index
        %swap3A_256 = arith.index_cast %scan3A_249 : i32 to index
        %swap3A_257 = arith.constant 0 : index
        %swap3A_258 = tpu.vector_load %arg5[%swap3A_255, %swap3A_256, %swap3A_257] {strides = array<i32>} : memref<2x128x128xf32, #tpu.memory_space<vmem>>, vector<16xf32>,
        tpu.vector_store %arg5[%swap3A_255, %swap3A_256, %swap3A_257], %gather3A_254 {strides = array<i32>} : memref<2x128x128xf32, #tpu.memory_space<vmem>>, vector<16xf32>,
        %gather3A_259 = arith.constant 0 : i32
        %gather3A_260 = arith.constant 0 : i32
        %gather3A_261 = arith.constant 0 : i32
        %gather3A_262 = tpu.memref_slice %arg4[%gather3A_259, %gather3A_260, %gather3A_261] : memref<2x64x128xf32, #tpu.memory_space<vmem>> -> memref<1x64x128xf32, #tpu.memory_space<vmem>>
        %gather3A_263 = tpu.memref_squeeze %gather3A_262 : memref<1x64x128xf32, #tpu.memory_space<vmem>> -> memref<64x128xf32, #tpu.memory_space<vmem>>
        %gather3A_264 = tpu.vector_load_idx %gather3A_263[%add3A_7, %broadcast_in_dim3A] : memref<64x128xf32, #tpu.memory_space<vmem>>[vector<16xi32>, vector<16xi32>], vector<16xf32>,
        %swap3A_265 = arith.constant 0 : i32
        %swap3A_266 = arith.index_cast %swap3A_265 : i32 to index
        %swap3A_267 = arith.index_cast %scan3A_249 : i32 to index
        %swap3A_268 = arith.constant 16 : index
        %swap3A_269 = tpu.vector_load %arg5[%swap3A_266, %swap3A_267, %swap3A_268] {strides = array<i32>} : memref<2x128x128xf32, #tpu.memory_space<vmem>>, vector<16xf32>,
        tpu.vector_store %arg5[%swap3A_266, %swap3A_267, %swap3A_268], %gather3A_264 {strides = array<i32>} : memref<2x128x128xf32, #tpu.memory_space<vmem>>, vector<16xf32>,
        %gather3A_270 = arith.constant 0 : i32
        %gather3A_271 = arith.constant 0 : i32
        %gather3A_272 = arith.constant 0 : i32
        %gather3A_273 = tpu.memref_slice %arg4[%gather3A_270, %gather3A_271, %gather3A_272] : memref<2x64x128xf32, #tpu.memory_space<vmem>> -> memref<1x64x128xf32, #tpu.memory_space<vmem>>
        %gather3A_274 = tpu.memref_squeeze %gather3A_273 : memref<1x64x128xf32, #tpu.memory_space<vmem>> -> memref<64x128xf32, #tpu.memory_space<vmem>>
        %gather3A_275 = tpu.vector_load_idx %gather3A_274[%add3A_11, %broadcast_in_dim3A] : memref<64x128xf32, #tpu.memory_space<vmem>>[vector<16xi32>, vector<16xi32>], vector<16xf32>,
        %swap3A_276 = arith.constant 0 : i32
        %swap3A_277 = arith.index_cast %swap3A_276 : i32 to index
        %swap3A_278 = arith.index_cast %scan3A_249 : i32 to index
        %swap3A_279 = arith.constant 32 : index
        %swap3A_280 = tpu.vector_load %arg5[%swap3A_277, %swap3A_278, %swap3A_279] {strides = array<i32>} : memref<2x128x128xf32, #tpu.memory_space<vmem>>, vector<16xf32>,
        tpu.vector_store %arg5[%swap3A_277, %swap3A_278, %swap3A_279], %gather3A_275 {strides = array<i32>} : memref<2x128x128xf32, #tpu.memory_space<vmem>>, vector<16xf32>,
        %gather3A_281 = arith.constant 0 : i32
        %gather3A_282 = arith.constant 0 : i32
        %gather3A_283 = arith.constant 0 : i32
        %gather3A_284 = tpu.memref_slice %arg4[%gather3A_281, %gather3A_282, %gather3A_283] : memref<2x64x128xf32, #tpu.memory_space<vmem>> -> memref<1x64x128xf32, #tpu.memory_space<vmem>>
        %gather3A_285 = tpu.memref_squeeze %gather3A_284 : memref<1x64x128xf32, #tpu.memory_space<vmem>> -> memref<64x128xf32, #tpu.memory_space<vmem>>
        %gather3A_286 = tpu.vector_load_idx %gather3A_285[%add3A_15, %broadcast_in_dim3A] : memref<64x128xf32, #tpu.memory_space<vmem>>[vector<16xi32>, vector<16xi32>], vector<16xf32>,
        %swap3A_287 = arith.constant 0 : i32
        %swap3A_288 = arith.index_cast %swap3A_287 : i32 to index
        %swap3A_289 = arith.index_cast %scan3A_249 : i32 to index
        %swap3A_290 = arith.constant 48 : index
        %swap3A_291 = tpu.vector_load %arg5[%swap3A_288, %swap3A_289, %swap3A_290] {strides = array<i32>} : memref<2x128x128xf32, #tpu.memory_space<vmem>>, vector<16xf32>,
        tpu.vector_store %arg5[%swap3A_288, %swap3A_289, %swap3A_290], %gather3A_286 {strides = array<i32>} : memref<2x128x128xf32, #tpu.memory_space<vmem>>, vector<16xf32>,
      }
      %scan3A_156 = arith.constant 128 : i32
      %mul3A_157 = arith.constant 32 : i32
      %mul3A_158 = arith.muli %add3A_125, %mul3A_157 : i32
      %add3A_159 = arith.addi %mul3A_158, %add3A : i32
      %mul3A_160 = arith.constant 128 : i32
      %mul3A_161 = arith.muli %add3A_159, %mul3A_160 : i32
      %dma_start3A_162 = arith.constant 0 : i32
      %dma_start3A_163 = arith.constant 0 : i32
      %dma_start3A_164 = arith.constant 0 : i32
      %dma_start3A_165 = arith.constant 0 : i32
      %dma_start3A_166 = tpu.memref_slice %arg5[%dma_start3A_162, %dma_start3A_164, %dma_start3A_165] : memref<2x128x128xf32, #tpu.memory_space<vmem>> -> memref<1x128x128xf32, #tpu.memory_space<vmem>>
      %dma_start3A_167 = tpu.memref_squeeze %dma_start3A_166 : memref<1x128x128xf32, #tpu.memory_space<vmem>> -> memref<128x128xf32, #tpu.memory_space<vmem>>
      %dma_start3A_168 = arith.constant 0 : i32
      %dma_start3A_169 = tpu.memref_slice %arg3[%mul3A_161, %dma_start3A_168] : memref<1000000x128xf32, #tpu.memory_space<hbm>> -> memref<128x128xf32, #tpu.memory_space<hbm>>
      %dma_start3A_170 = tpu.memref_slice %arg8[%dma_start3A_163] : memref<2x!tpu.dma_semaphore, #tpu.memory_space<semaphore_mem>> -> memref<1x!tpu.dma_semaphore, #tpu.memory_space<semaphore_mem>>
      %dma_start3A_171 = tpu.memref_squeeze %dma_start3A_170 : memref<1x!tpu.dma_semaphore, #tpu.memory_space<semaphore_mem>> -> memref<!tpu.dma_semaphore, #tpu.memory_space<semaphore_mem>>
      %dma_start3A_172 = arith.constant 0 : i32
      %dma_start3A_173 = tpu.memref_slice %arg3[%mul3A_161, %dma_start3A_172] : memref<1000000x128xf32, #tpu.memory_space<hbm>> -> memref<128x128xf32, #tpu.memory_space<hbm>>
      %dma_start3A_174 = arith.constant 0 : i32
      %dma_start3A_175 = arith.constant 0 : i32
      %dma_start3A_176 = tpu.memref_slice %arg5[%dma_start3A_162, %dma_start3A_174, %dma_start3A_175] : memref<2x128x128xf32, #tpu.memory_space<vmem>> -> memref<1x128x128xf32, #tpu.memory_space<vmem>>
      %dma_start3A_177 = tpu.memref_squeeze %dma_start3A_176 : memref<1x128x128xf32, #tpu.memory_space<vmem>> -> memref<128x128xf32, #tpu.memory_space<vmem>>
      tpu.enqueue_dma source(%dma_start3A_177 : memref<128x128xf32, #tpu.memory_space<vmem>>) target(%dma_start3A_173 : memref<128x128xf32, #tpu.memory_space<hbm>>) target_semaphore(%dma_start3A_171 : memref<!tpu.dma_semaphore, #tpu.memory_space<semaphore_mem>>)
      %add3A_178 = arith.constant 2 : i32
      %add3A_179 = arith.addi %add3A_125, %add3A_178 : i32
      %lt3A_180 = arith.constant 244 : i32
      %lt3A_181 = arith.cmpi slt, %add3A_179, %lt3A_180 : i32
      %convert_element_type3A_182 = arith.extui %lt3A_181 : i1 to i32
      %cond3A_183 = arith.constant 0 : i32
      %cond3A_184 = arith.cmpi ne, %convert_element_type3A_182, %cond3A_183 : i32
      scf.if %cond3A_184 {
        %add3A_249 = arith.constant 2 : i32
        %add3A_250 = arith.addi %add3A_125, %add3A_249 : i32
        %mul3A_251 = arith.constant 32 : i32
        %mul3A_252 = arith.muli %add3A_250, %mul3A_251 : i32
        %add3A_253 = arith.addi %mul3A_252, %add3A : i32
        %mul3A_254 = arith.constant 128 : i32
        %mul3A_255 = arith.muli %add3A_253, %mul3A_254 : i32
        %dma_start3A_256 = arith.constant 0 : i32
        %dma_start3A_257 = arith.constant 0 : i32
        %dma_start3A_258 = arith.constant 0 : i32
        %dma_start3A_259 = arith.constant 0 : i32
        %dma_start3A_260 = tpu.memref_slice %arg4[%dma_start3A_256, %dma_start3A_258, %dma_start3A_259] : memref<2x64x128xf32, #tpu.memory_space<vmem>> -> memref<1x64x128xf32, #tpu.memory_space<vmem>>
        %dma_start3A_261 = tpu.memref_squeeze %dma_start3A_260 : memref<1x64x128xf32, #tpu.memory_space<vmem>> -> memref<64x128xf32, #tpu.memory_space<vmem>>
        %dma_start3A_262 = arith.constant 0 : i32
        %dma_start3A_263 = tpu.memref_slice %arg2[%dma_start3A_262, %mul3A_255] : memref<64x1000000xf32, #tpu.memory_space<hbm>> -> memref<64x128xf32, #tpu.memory_space<hbm>>
        %dma_start3A_264 = tpu.memref_slice %arg7[%dma_start3A_257] : memref<2x!tpu.dma_semaphore, #tpu.memory_space<semaphore_mem>> -> memref<1x!tpu.dma_semaphore, #tpu.memory_space<semaphore_mem>>
        %dma_start3A_265 = tpu.memref_squeeze %dma_start3A_264 : memref<1x!tpu.dma_semaphore, #tpu.memory_space<semaphore_mem>> -> memref<!tpu.dma_semaphore, #tpu.memory_space<semaphore_mem>>
        %dma_start3A_266 = arith.constant 0 : i32
        %dma_start3A_267 = arith.constant 0 : i32
        %dma_start3A_268 = tpu.memref_slice %arg4[%dma_start3A_256, %dma_start3A_266, %dma_start3A_267] : memref<2x64x128xf32, #tpu.memory_space<vmem>> -> memref<1x64x128xf32, #tpu.memory_space<vmem>>
        %dma_start3A_269 = tpu.memref_squeeze %dma_start3A_268 : memref<1x64x128xf32, #tpu.memory_space<vmem>> -> memref<64x128xf32, #tpu.memory_space<vmem>>
        %dma_start3A_270 = arith.constant 0 : i32
        %dma_start3A_271 = tpu.memref_slice %arg2[%dma_start3A_270, %mul3A_255] : memref<64x1000000xf32, #tpu.memory_space<hbm>> -> memref<64x128xf32, #tpu.memory_space<hbm>>
        tpu.enqueue_dma source(%dma_start3A_271 : memref<64x128xf32, #tpu.memory_space<hbm>>) target(%dma_start3A_269 : memref<64x128xf32, #tpu.memory_space<vmem>>) target_semaphore(%dma_start3A_265 : memref<!tpu.dma_semaphore, #tpu.memory_space<semaphore_mem>>)
      } else {
      }
      %mul3A_185 = arith.constant 2 : i32
      %mul3A_186 = arith.muli %mul3A_185, %scan3A_121 : i32
      %add3A_187 = arith.constant 1 : i32
      %add3A_188 = arith.addi %mul3A_186, %add3A_187 : i32
      %mul3A_189 = arith.constant 32 : i32
      %mul3A_190 = arith.muli %add3A_188, %mul3A_189 : i32
      %add3A_191 = arith.addi %mul3A_190, %add3A : i32
      %mul3A_192 = arith.constant 128 : i32
      %mul3A_193 = arith.muli %add3A_191, %mul3A_192 : i32
      %dma_wait3A_194 = arith.constant 1 : i32
      %dma_wait3A_195 = arith.constant 1 : i32
      %dma_wait3A_196 = arith.constant 0 : i32
      %dma_wait3A_197 = arith.constant 0 : i32
      %dma_wait3A_198 = tpu.memref_slice %arg4[%dma_wait3A_194, %dma_wait3A_196, %dma_wait3A_197] : memref<2x64x128xf32, #tpu.memory_space<vmem>> -> memref<1x64x128xf32, #tpu.memory_space<vmem>>
      %dma_wait3A_199 = tpu.memref_squeeze %dma_wait3A_198 : memref<1x64x128xf32, #tpu.memory_space<vmem>> -> memref<64x128xf32, #tpu.memory_space<vmem>>
      %dma_wait3A_200 = arith.constant 0 : i32
      %dma_wait3A_201 = tpu.memref_slice %arg2[%dma_wait3A_200, %mul3A_193] : memref<64x1000000xf32, #tpu.memory_space<hbm>> -> memref<64x128xf32, #tpu.memory_space<hbm>>
      %dma_wait3A_202 = tpu.memref_slice %arg7[%dma_wait3A_195] : memref<2x!tpu.dma_semaphore, #tpu.memory_space<semaphore_mem>> -> memref<1x!tpu.dma_semaphore, #tpu.memory_space<semaphore_mem>>
      %dma_wait3A_203 = tpu.memref_squeeze %dma_wait3A_202 : memref<1x!tpu.dma_semaphore, #tpu.memory_space<semaphore_mem>> -> memref<!tpu.dma_semaphore, #tpu.memory_space<semaphore_mem>>
      %dma_wait3A_204 = arith.constant 0 : i32
      %dma_wait3A_205 = arith.constant 0 : i32
      %dma_wait3A_206 = tpu.memref_slice %arg4[%dma_wait3A_194, %dma_wait3A_204, %dma_wait3A_205] : memref<2x64x128xf32, #tpu.memory_space<vmem>> -> memref<1x64x128xf32, #tpu.memory_space<vmem>>
      %dma_wait3A_207 = tpu.memref_squeeze %dma_wait3A_206 : memref<1x64x128xf32, #tpu.memory_space<vmem>> -> memref<64x128xf32, #tpu.memory_space<vmem>>
      %dma_wait3A_208 = arith.constant 0 : i32
      %dma_wait3A_209 = tpu.memref_slice %arg2[%dma_wait3A_208, %mul3A_193] : memref<64x1000000xf32, #tpu.memory_space<hbm>> -> memref<64x128xf32, #tpu.memory_space<hbm>>
      tpu.wait_dma2 semaphore(%dma_wait3A_203 : memref<!tpu.dma_semaphore, #tpu.memory_space<semaphore_mem>>) src(%dma_wait3A_209 : memref<64x128xf32, #tpu.memory_space<hbm>>) dst(%dma_wait3A_207 : memref<64x128xf32, #tpu.memory_space<vmem>>)
      %ge3A_210 = arith.constant 2 : i32
      %ge3A_211 = arith.cmpi sge, %add3A_188, %ge3A_210 : i32
      %convert_element_type3A_212 = arith.extui %ge3A_211 : i1 to i32
      %cond3A_213 = arith.constant 0 : i32
      %cond3A_214 = arith.cmpi ne, %convert_element_type3A_212, %cond3A_213 : i32
      scf.if %cond3A_214 {
        %sub3A = arith.constant 2 : i32
        %sub3A_249 = arith.subi %add3A_188, %sub3A : i32
        %mul3A_250 = arith.constant 32 : i32
        %mul3A_251 = arith.muli %sub3A_249, %mul3A_250 : i32
        %add3A_252 = arith.addi %mul3A_251, %add3A : i32
        %mul3A_253 = arith.constant 128 : i32
        %mul3A_254 = arith.muli %add3A_252, %mul3A_253 : i32
        %dma_wait3A_255 = arith.constant 1 : i32
        %dma_wait3A_256 = arith.constant 1 : i32
        %dma_wait3A_257 = arith.constant 0 : i32
        %dma_wait3A_258 = arith.constant 0 : i32
        %dma_wait3A_259 = tpu.memref_slice %arg5[%dma_wait3A_255, %dma_wait3A_257, %dma_wait3A_258] : memref<2x128x128xf32, #tpu.memory_space<vmem>> -> memref<1x128x128xf32, #tpu.memory_space<vmem>>
        %dma_wait3A_260 = tpu.memref_squeeze %dma_wait3A_259 : memref<1x128x128xf32, #tpu.memory_space<vmem>> -> memref<128x128xf32, #tpu.memory_space<vmem>>
        %dma_wait3A_261 = arith.constant 0 : i32
        %dma_wait3A_262 = tpu.memref_slice %arg3[%mul3A_254, %dma_wait3A_261] : memref<1000000x128xf32, #tpu.memory_space<hbm>> -> memref<128x128xf32, #tpu.memory_space<hbm>>
        %dma_wait3A_263 = tpu.memref_slice %arg8[%dma_wait3A_256] : memref<2x!tpu.dma_semaphore, #tpu.memory_space<semaphore_mem>> -> memref<1x!tpu.dma_semaphore, #tpu.memory_space<semaphore_mem>>
        %dma_wait3A_264 = tpu.memref_squeeze %dma_wait3A_263 : memref<1x!tpu.dma_semaphore, #tpu.memory_space<semaphore_mem>> -> memref<!tpu.dma_semaphore, #tpu.memory_space<semaphore_mem>>
        %dma_wait3A_265 = arith.constant 0 : i32
        %dma_wait3A_266 = tpu.memref_slice %arg3[%mul3A_254, %dma_wait3A_265] : memref<1000000x128xf32, #tpu.memory_space<hbm>> -> memref<128x128xf32, #tpu.memory_space<hbm>>
        %dma_wait3A_267 = arith.constant 0 : i32
        %dma_wait3A_268 = arith.constant 0 : i32
        %dma_wait3A_269 = tpu.memref_slice %arg5[%dma_wait3A_255, %dma_wait3A_267, %dma_wait3A_268] : memref<2x128x128xf32, #tpu.memory_space<vmem>> -> memref<1x128x128xf32, #tpu.memory_space<vmem>>
        %dma_wait3A_270 = tpu.memref_squeeze %dma_wait3A_269 : memref<1x128x128xf32, #tpu.memory_space<vmem>> -> memref<128x128xf32, #tpu.memory_space<vmem>>
        tpu.wait_dma2 semaphore(%dma_wait3A_264 : memref<!tpu.dma_semaphore, #tpu.memory_space<semaphore_mem>>) src(%dma_wait3A_270 : memref<128x128xf32, #tpu.memory_space<vmem>>) dst(%dma_wait3A_266 : memref<128x128xf32, #tpu.memory_space<hbm>>)
      } else {
      }
      %scan3A_215 = arith.constant 0 : i32
      %scan3A_216 = arith.constant 0 : i32
      %scan3A_217 = arith.constant 128 : i32
      %scan3A_218 = arith.addi %scan3A_216, %scan3A_217 : i32
      %scan3A_219 = arith.constant 1 : i32
      scf.for %scan3A_249 = %scan3A_216 to %scan3A_218 step %scan3A_219  : i32 {
        %broadcast_in_dim3A = vector.broadcast %scan3A_249 : i32 to vector<16xi32>
        %gather3A = arith.constant 1 : i32
        %gather3A_250 = arith.constant 0 : i32
        %gather3A_251 = arith.constant 0 : i32
        %gather3A_252 = tpu.memref_slice %arg4[%gather3A, %gather3A_250, %gather3A_251] : memref<2x64x128xf32, #tpu.memory_space<vmem>> -> memref<1x64x128xf32, #tpu.memory_space<vmem>>
        %gather3A_253 = tpu.memref_squeeze %gather3A_252 : memref<1x64x128xf32, #tpu.memory_space<vmem>> -> memref<64x128xf32, #tpu.memory_space<vmem>>
        %gather3A_254 = tpu.vector_load_idx %gather3A_253[%add3A_3, %broadcast_in_dim3A] : memref<64x128xf32, #tpu.memory_space<vmem>>[vector<16xi32>, vector<16xi32>], vector<16xf32>,
        %swap3A = arith.constant 1 : i32
        %swap3A_255 = arith.index_cast %swap3A : i32 to index
        %swap3A_256 = arith.index_cast %scan3A_249 : i32 to index
        %swap3A_257 = arith.constant 0 : index
        %swap3A_258 = tpu.vector_load %arg5[%swap3A_255, %swap3A_256, %swap3A_257] {strides = array<i32>} : memref<2x128x128xf32, #tpu.memory_space<vmem>>, vector<16xf32>,
        tpu.vector_store %arg5[%swap3A_255, %swap3A_256, %swap3A_257], %gather3A_254 {strides = array<i32>} : memref<2x128x128xf32, #tpu.memory_space<vmem>>, vector<16xf32>,
        %gather3A_259 = arith.constant 1 : i32
        %gather3A_260 = arith.constant 0 : i32
        %gather3A_261 = arith.constant 0 : i32
        %gather3A_262 = tpu.memref_slice %arg4[%gather3A_259, %gather3A_260, %gather3A_261] : memref<2x64x128xf32, #tpu.memory_space<vmem>> -> memref<1x64x128xf32, #tpu.memory_space<vmem>>
        %gather3A_263 = tpu.memref_squeeze %gather3A_262 : memref<1x64x128xf32, #tpu.memory_space<vmem>> -> memref<64x128xf32, #tpu.memory_space<vmem>>
        %gather3A_264 = tpu.vector_load_idx %gather3A_263[%add3A_7, %broadcast_in_dim3A] : memref<64x128xf32, #tpu.memory_space<vmem>>[vector<16xi32>, vector<16xi32>], vector<16xf32>,
        %swap3A_265 = arith.constant 1 : i32
        %swap3A_266 = arith.index_cast %swap3A_265 : i32 to index
        %swap3A_267 = arith.index_cast %scan3A_249 : i32 to index
        %swap3A_268 = arith.constant 16 : index
        %swap3A_269 = tpu.vector_load %arg5[%swap3A_266, %swap3A_267, %swap3A_268] {strides = array<i32>} : memref<2x128x128xf32, #tpu.memory_space<vmem>>, vector<16xf32>,
        tpu.vector_store %arg5[%swap3A_266, %swap3A_267, %swap3A_268], %gather3A_264 {strides = array<i32>} : memref<2x128x128xf32, #tpu.memory_space<vmem>>, vector<16xf32>,
        %gather3A_270 = arith.constant 1 : i32
        %gather3A_271 = arith.constant 0 : i32
        %gather3A_272 = arith.constant 0 : i32
        %gather3A_273 = tpu.memref_slice %arg4[%gather3A_270, %gather3A_271, %gather3A_272] : memref<2x64x128xf32, #tpu.memory_space<vmem>> -> memref<1x64x128xf32, #tpu.memory_space<vmem>>
        %gather3A_274 = tpu.memref_squeeze %gather3A_273 : memref<1x64x128xf32, #tpu.memory_space<vmem>> -> memref<64x128xf32, #tpu.memory_space<vmem>>
        %gather3A_275 = tpu.vector_load_idx %gather3A_274[%add3A_11, %broadcast_in_dim3A] : memref<64x128xf32, #tpu.memory_space<vmem>>[vector<16xi32>, vector<16xi32>], vector<16xf32>,
        %swap3A_276 = arith.constant 1 : i32
        %swap3A_277 = arith.index_cast %swap3A_276 : i32 to index
        %swap3A_278 = arith.index_cast %scan3A_249 : i32 to index
        %swap3A_279 = arith.constant 32 : index
        %swap3A_280 = tpu.vector_load %arg5[%swap3A_277, %swap3A_278, %swap3A_279] {strides = array<i32>} : memref<2x128x128xf32, #tpu.memory_space<vmem>>, vector<16xf32>,
        tpu.vector_store %arg5[%swap3A_277, %swap3A_278, %swap3A_279], %gather3A_275 {strides = array<i32>} : memref<2x128x128xf32, #tpu.memory_space<vmem>>, vector<16xf32>,
        %gather3A_281 = arith.constant 1 : i32
        %gather3A_282 = arith.constant 0 : i32
        %gather3A_283 = arith.constant 0 : i32
        %gather3A_284 = tpu.memref_slice %arg4[%gather3A_281, %gather3A_282, %gather3A_283] : memref<2x64x128xf32, #tpu.memory_space<vmem>> -> memref<1x64x128xf32, #tpu.memory_space<vmem>>
        %gather3A_285 = tpu.memref_squeeze %gather3A_284 : memref<1x64x128xf32, #tpu.memory_space<vmem>> -> memref<64x128xf32, #tpu.memory_space<vmem>>
        %gather3A_286 = tpu.vector_load_idx %gather3A_285[%add3A_15, %broadcast_in_dim3A] : memref<64x128xf32, #tpu.memory_space<vmem>>[vector<16xi32>, vector<16xi32>], vector<16xf32>,
        %swap3A_287 = arith.constant 1 : i32
        %swap3A_288 = arith.index_cast %swap3A_287 : i32 to index
        %swap3A_289 = arith.index_cast %scan3A_249 : i32 to index
        %swap3A_290 = arith.constant 48 : index
        %swap3A_291 = tpu.vector_load %arg5[%swap3A_288, %swap3A_289, %swap3A_290] {strides = array<i32>} : memref<2x128x128xf32, #tpu.memory_space<vmem>>, vector<16xf32>,
        tpu.vector_store %arg5[%swap3A_288, %swap3A_289, %swap3A_290], %gather3A_286 {strides = array<i32>} : memref<2x128x128xf32, #tpu.memory_space<vmem>>, vector<16xf32>,
      }
      %scan3A_220 = arith.constant 128 : i32
      %mul3A_221 = arith.constant 32 : i32
      %mul3A_222 = arith.muli %add3A_188, %mul3A_221 : i32
      %add3A_223 = arith.addi %mul3A_222, %add3A : i32
      %mul3A_224 = arith.constant 128 : i32
      %mul3A_225 = arith.muli %add3A_223, %mul3A_224 : i32
      %dma_start3A_226 = arith.constant 1 : i32
      %dma_start3A_227 = arith.constant 1 : i32
      %dma_start3A_228 = arith.constant 0 : i32
      %dma_start3A_229 = arith.constant 0 : i32
      %dma_start3A_230 = tpu.memref_slice %arg5[%dma_start3A_226, %dma_start3A_228, %dma_start3A_229] : memref<2x128x128xf32, #tpu.memory_space<vmem>> -> memref<1x128x128xf32, #tpu.memory_space<vmem>>
      %dma_start3A_231 = tpu.memref_squeeze %dma_start3A_230 : memref<1x128x128xf32, #tpu.memory_space<vmem>> -> memref<128x128xf32, #tpu.memory_space<vmem>>
      %dma_start3A_232 = arith.constant 0 : i32
      %dma_start3A_233 = tpu.memref_slice %arg3[%mul3A_225, %dma_start3A_232] : memref<1000000x128xf32, #tpu.memory_space<hbm>> -> memref<128x128xf32, #tpu.memory_space<hbm>>
      %dma_start3A_234 = tpu.memref_slice %arg8[%dma_start3A_227] : memref<2x!tpu.dma_semaphore, #tpu.memory_space<semaphore_mem>> -> memref<1x!tpu.dma_semaphore, #tpu.memory_space<semaphore_mem>>
      %dma_start3A_235 = tpu.memref_squeeze %dma_start3A_234 : memref<1x!tpu.dma_semaphore, #tpu.memory_space<semaphore_mem>> -> memref<!tpu.dma_semaphore, #tpu.memory_space<semaphore_mem>>
      %dma_start3A_236 = arith.constant 0 : i32
      %dma_start3A_237 = tpu.memref_slice %arg3[%mul3A_225, %dma_start3A_236] : memref<1000000x128xf32, #tpu.memory_space<hbm>> -> memref<128x128xf32, #tpu.memory_space<hbm>>
      %dma_start3A_238 = arith.constant 0 : i32
      %dma_start3A_239 = arith.constant 0 : i32
      %dma_start3A_240 = tpu.memref_slice %arg5[%dma_start3A_226, %dma_start3A_238, %dma_start3A_239] : memref<2x128x128xf32, #tpu.memory_space<vmem>> -> memref<1x128x128xf32, #tpu.memory_space<vmem>>
      %dma_start3A_241 = tpu.memref_squeeze %dma_start3A_240 : memref<1x128x128xf32, #tpu.memory_space<vmem>> -> memref<128x128xf32, #tpu.memory_space<vmem>>
      tpu.enqueue_dma source(%dma_start3A_241 : memref<128x128xf32, #tpu.memory_space<vmem>>) target(%dma_start3A_237 : memref<128x128xf32, #tpu.memory_space<hbm>>) target_semaphore(%dma_start3A_235 : memref<!tpu.dma_semaphore, #tpu.memory_space<semaphore_mem>>)
      %add3A_242 = arith.constant 2 : i32
      %add3A_243 = arith.addi %add3A_188, %add3A_242 : i32
      %lt3A_244 = arith.constant 244 : i32
      %lt3A_245 = arith.cmpi slt, %add3A_243, %lt3A_244 : i32
      %convert_element_type3A_246 = arith.extui %lt3A_245 : i1 to i32
      %cond3A_247 = arith.constant 0 : i32
      %cond3A_248 = arith.cmpi ne, %convert_element_type3A_246, %cond3A_247 : i32
      scf.if %cond3A_248 {
        %add3A_249 = arith.constant 2 : i32
        %add3A_250 = arith.addi %add3A_188, %add3A_249 : i32
        %mul3A_251 = arith.constant 32 : i32
        %mul3A_252 = arith.muli %add3A_250, %mul3A_251 : i32
        %add3A_253 = arith.addi %mul3A_252, %add3A : i32
        %mul3A_254 = arith.constant 128 : i32
        %mul3A_255 = arith.muli %add3A_253, %mul3A_254 : i32
        %dma_start3A_256 = arith.constant 1 : i32
        %dma_start3A_257 = arith.constant 1 : i32
        %dma_start3A_258 = arith.constant 0 : i32
        %dma_start3A_259 = arith.constant 0 : i32
        %dma_start3A_260 = tpu.memref_slice %arg4[%dma_start3A_256, %dma_start3A_258, %dma_start3A_259] : memref<2x64x128xf32, #tpu.memory_space<vmem>> -> memref<1x64x128xf32, #tpu.memory_space<vmem>>
        %dma_start3A_261 = tpu.memref_squeeze %dma_start3A_260 : memref<1x64x128xf32, #tpu.memory_space<vmem>> -> memref<64x128xf32, #tpu.memory_space<vmem>>
        %dma_start3A_262 = arith.constant 0 : i32
        %dma_start3A_263 = tpu.memref_slice %arg2[%dma_start3A_262, %mul3A_255] : memref<64x1000000xf32, #tpu.memory_space<hbm>> -> memref<64x128xf32, #tpu.memory_space<hbm>>
        %dma_start3A_264 = tpu.memref_slice %arg7[%dma_start3A_257] : memref<2x!tpu.dma_semaphore, #tpu.memory_space<semaphore_mem>> -> memref<1x!tpu.dma_semaphore, #tpu.memory_space<semaphore_mem>>
        %dma_start3A_265 = tpu.memref_squeeze %dma_start3A_264 : memref<1x!tpu.dma_semaphore, #tpu.memory_space<semaphore_mem>> -> memref<!tpu.dma_semaphore, #tpu.memory_space<semaphore_mem>>
        %dma_start3A_266 = arith.constant 0 : i32
        %dma_start3A_267 = arith.constant 0 : i32
        %dma_start3A_268 = tpu.memref_slice %arg4[%dma_start3A_256, %dma_start3A_266, %dma_start3A_267] : memref<2x64x128xf32, #tpu.memory_space<vmem>> -> memref<1x64x128xf32, #tpu.memory_space<vmem>>
        %dma_start3A_269 = tpu.memref_squeeze %dma_start3A_268 : memref<1x64x128xf32, #tpu.memory_space<vmem>> -> memref<64x128xf32, #tpu.memory_space<vmem>>
        %dma_start3A_270 = arith.constant 0 : i32
        %dma_start3A_271 = tpu.memref_slice %arg2[%dma_start3A_270, %mul3A_255] : memref<64x1000000xf32, #tpu.memory_space<hbm>> -> memref<64x128xf32, #tpu.memory_space<hbm>>
        tpu.enqueue_dma source(%dma_start3A_271 : memref<64x128xf32, #tpu.memory_space<hbm>>) target(%dma_start3A_269 : memref<64x128xf32, #tpu.memory_space<vmem>>) target_semaphore(%dma_start3A_265 : memref<!tpu.dma_semaphore, #tpu.memory_space<semaphore_mem>>)
      } else {
      }
    }
    %scan3A_75 = arith.constant 122 : i32
    %add3A_76 = arith.constant 7744 : i32
    %add3A_77 = arith.addi %add3A_76, %add3A : i32
    %mul3A_78 = arith.constant 128 : i32
    %mul3A_79 = arith.muli %add3A_77, %mul3A_78 : i32
    %dma_wait3A = arith.constant 0 : i32
    %dma_wait3A_80 = arith.constant 0 : i32
    %dma_wait3A_81 = arith.constant 0 : i32
    %dma_wait3A_82 = arith.constant 0 : i32
    %dma_wait3A_83 = tpu.memref_slice %arg5[%dma_wait3A, %dma_wait3A_81, %dma_wait3A_82] : memref<2x128x128xf32, #tpu.memory_space<vmem>> -> memref<1x128x128xf32, #tpu.memory_space<vmem>>
    %dma_wait3A_84 = tpu.memref_squeeze %dma_wait3A_83 : memref<1x128x128xf32, #tpu.memory_space<vmem>> -> memref<128x128xf32, #tpu.memory_space<vmem>>
    %dma_wait3A_85 = arith.constant 0 : i32
    %dma_wait3A_86 = tpu.memref_slice %arg3[%mul3A_79, %dma_wait3A_85] : memref<1000000x128xf32, #tpu.memory_space<hbm>> -> memref<128x128xf32, #tpu.memory_space<hbm>>
    %dma_wait3A_87 = tpu.memref_slice %arg8[%dma_wait3A_80] : memref<2x!tpu.dma_semaphore, #tpu.memory_space<semaphore_mem>> -> memref<1x!tpu.dma_semaphore, #tpu.memory_space<semaphore_mem>>
    %dma_wait3A_88 = tpu.memref_squeeze %dma_wait3A_87 : memref<1x!tpu.dma_semaphore, #tpu.memory_space<semaphore_mem>> -> memref<!tpu.dma_semaphore, #tpu.memory_space<semaphore_mem>>
    %dma_wait3A_89 = arith.constant 0 : i32
    %dma_wait3A_90 = tpu.memref_slice %arg3[%mul3A_79, %dma_wait3A_89] : memref<1000000x128xf32, #tpu.memory_space<hbm>> -> memref<128x128xf32, #tpu.memory_space<hbm>>
    %dma_wait3A_91 = arith.constant 0 : i32
    %dma_wait3A_92 = arith.constant 0 : i32
    %dma_wait3A_93 = tpu.memref_slice %arg5[%dma_wait3A, %dma_wait3A_91, %dma_wait3A_92] : memref<2x128x128xf32, #tpu.memory_space<vmem>> -> memref<1x128x128xf32, #tpu.memory_space<vmem>>
    %dma_wait3A_94 = tpu.memref_squeeze %dma_wait3A_93 : memref<1x128x128xf32, #tpu.memory_space<vmem>> -> memref<128x128xf32, #tpu.memory_space<vmem>>
    tpu.wait_dma2 semaphore(%dma_wait3A_88 : memref<!tpu.dma_semaphore, #tpu.memory_space<semaphore_mem>>) src(%dma_wait3A_94 : memref<128x128xf32, #tpu.memory_space<vmem>>) dst(%dma_wait3A_90 : memref<128x128xf32, #tpu.memory_space<hbm>>)
    %add3A_95 = arith.constant 7776 : i32
    %add3A_96 = arith.addi %add3A_95, %add3A : i32
    %mul3A_97 = arith.constant 128 : i32
    %mul3A_98 = arith.muli %add3A_96, %mul3A_97 : i32
    %dma_wait3A_99 = arith.constant 1 : i32
    %dma_wait3A_100 = arith.constant 1 : i32
    %dma_wait3A_101 = arith.constant 0 : i32
    %dma_wait3A_102 = arith.constant 0 : i32
    %dma_wait3A_103 = tpu.memref_slice %arg5[%dma_wait3A_99, %dma_wait3A_101, %dma_wait3A_102] : memref<2x128x128xf32, #tpu.memory_space<vmem>> -> memref<1x128x128xf32, #tpu.memory_space<vmem>>
    %dma_wait3A_104 = tpu.memref_squeeze %dma_wait3A_103 : memref<1x128x128xf32, #tpu.memory_space<vmem>> -> memref<128x128xf32, #tpu.memory_space<vmem>>
    %dma_wait3A_105 = arith.constant 0 : i32
    %dma_wait3A_106 = tpu.memref_slice %arg3[%mul3A_98, %dma_wait3A_105] : memref<1000000x128xf32, #tpu.memory_space<hbm>> -> memref<128x128xf32, #tpu.memory_space<hbm>>
    %dma_wait3A_107 = tpu.memref_slice %arg8[%dma_wait3A_100] : memref<2x!tpu.dma_semaphore, #tpu.memory_space<semaphore_mem>> -> memref<1x!tpu.dma_semaphore, #tpu.memory_space<semaphore_mem>>
    %dma_wait3A_108 = tpu.memref_squeeze %dma_wait3A_107 : memref<1x!tpu.dma_semaphore, #tpu.memory_space<semaphore_mem>> -> memref<!tpu.dma_semaphore, #tpu.memory_space<semaphore_mem>>
    %dma_wait3A_109 = arith.constant 0 : i32
    %dma_wait3A_110 = tpu.memref_slice %arg3[%mul3A_98, %dma_wait3A_109] : memref<1000000x128xf32, #tpu.memory_space<hbm>> -> memref<128x128xf32, #tpu.memory_space<hbm>>
    %dma_wait3A_111 = arith.constant 0 : i32
    %dma_wait3A_112 = arith.constant 0 : i32
    %dma_wait3A_113 = tpu.memref_slice %arg5[%dma_wait3A_99, %dma_wait3A_111, %dma_wait3A_112] : memref<2x128x128xf32, #tpu.memory_space<vmem>> -> memref<1x128x128xf32, #tpu.memory_space<vmem>>
    %dma_wait3A_114 = tpu.memref_squeeze %dma_wait3A_113 : memref<1x128x128xf32, #tpu.memory_space<vmem>> -> memref<128x128xf32, #tpu.memory_space<vmem>>
    tpu.wait_dma2 semaphore(%dma_wait3A_108 : memref<!tpu.dma_semaphore, #tpu.memory_space<semaphore_mem>>) src(%dma_wait3A_114 : memref<128x128xf32, #tpu.memory_space<vmem>>) dst(%dma_wait3A_110 : memref<128x128xf32, #tpu.memory_space<hbm>>)
    %lt3A = arith.constant 4 : i32
    %lt3A_115 = arith.cmpi slt, %add3A, %lt3A : i32
    %convert_element_type3A = arith.extui %lt3A_115 : i1 to i32
    %cond3A = arith.constant 0 : i32
    %cond3A_116 = arith.cmpi ne, %convert_element_type3A, %cond3A : i32
    scf.if %cond3A_116 {
      %add3A_121 = arith.constant 7808 : i32
      %add3A_122 = arith.addi %add3A_121, %add3A : i32
      %mul3A_123 = arith.constant 128 : i32
      %mul3A_124 = arith.muli %add3A_122, %mul3A_123 : i32
      %dma_start3A_125 = arith.constant 0 : i32
      %dma_start3A_126 = arith.constant 0 : i32
      %dma_start3A_127 = arith.constant 0 : i32
      %dma_start3A_128 = arith.constant 0 : i32
      %dma_start3A_129 = tpu.memref_slice %arg4[%dma_start3A_125, %dma_start3A_127, %dma_start3A_128] : memref<2x64x128xf32, #tpu.memory_space<vmem>> -> memref<1x64x128xf32, #tpu.memory_space<vmem>>
      %dma_start3A_130 = tpu.memref_squeeze %dma_start3A_129 : memref<1x64x128xf32, #tpu.memory_space<vmem>> -> memref<64x128xf32, #tpu.memory_space<vmem>>
      %dma_start3A_131 = arith.constant 0 : i32
      %dma_start3A_132 = tpu.memref_slice %arg2[%dma_start3A_131, %mul3A_124] : memref<64x1000000xf32, #tpu.memory_space<hbm>> -> memref<64x128xf32, #tpu.memory_space<hbm>>
      %dma_start3A_133 = tpu.memref_slice %arg7[%dma_start3A_126] : memref<2x!tpu.dma_semaphore, #tpu.memory_space<semaphore_mem>> -> memref<1x!tpu.dma_semaphore, #tpu.memory_space<semaphore_mem>>
      %dma_start3A_134 = tpu.memref_squeeze %dma_start3A_133 : memref<1x!tpu.dma_semaphore, #tpu.memory_space<semaphore_mem>> -> memref<!tpu.dma_semaphore, #tpu.memory_space<semaphore_mem>>
      %dma_start3A_135 = arith.constant 0 : i32
      %dma_start3A_136 = arith.constant 0 : i32
      %dma_start3A_137 = tpu.memref_slice %arg4[%dma_start3A_125, %dma_start3A_135, %dma_start3A_136] : memref<2x64x128xf32, #tpu.memory_space<vmem>> -> memref<1x64x128xf32, #tpu.memory_space<vmem>>
      %dma_start3A_138 = tpu.memref_squeeze %dma_start3A_137 : memref<1x64x128xf32, #tpu.memory_space<vmem>> -> memref<64x128xf32, #tpu.memory_space<vmem>>
      %dma_start3A_139 = arith.constant 0 : i32
      %dma_start3A_140 = tpu.memref_slice %arg2[%dma_start3A_139, %mul3A_124] : memref<64x1000000xf32, #tpu.memory_space<hbm>> -> memref<64x128xf32, #tpu.memory_space<hbm>>
      tpu.enqueue_dma source(%dma_start3A_140 : memref<64x128xf32, #tpu.memory_space<hbm>>) target(%dma_start3A_138 : memref<64x128xf32, #tpu.memory_space<vmem>>) target_semaphore(%dma_start3A_134 : memref<!tpu.dma_semaphore, #tpu.memory_space<semaphore_mem>>)
      %dma_wait3A_141 = arith.constant 0 : i32
      %dma_wait3A_142 = arith.constant 0 : i32
      %dma_wait3A_143 = arith.constant 0 : i32
      %dma_wait3A_144 = arith.constant 0 : i32
      %dma_wait3A_145 = tpu.memref_slice %arg4[%dma_wait3A_141, %dma_wait3A_143, %dma_wait3A_144] : memref<2x64x128xf32, #tpu.memory_space<vmem>> -> memref<1x64x128xf32, #tpu.memory_space<vmem>>
      %dma_wait3A_146 = tpu.memref_squeeze %dma_wait3A_145 : memref<1x64x128xf32, #tpu.memory_space<vmem>> -> memref<64x128xf32, #tpu.memory_space<vmem>>
      %dma_wait3A_147 = arith.constant 0 : i32
      %dma_wait3A_148 = tpu.memref_slice %arg2[%dma_wait3A_147, %mul3A_124] : memref<64x1000000xf32, #tpu.memory_space<hbm>> -> memref<64x128xf32, #tpu.memory_space<hbm>>
      %dma_wait3A_149 = tpu.memref_slice %arg7[%dma_wait3A_142] : memref<2x!tpu.dma_semaphore, #tpu.memory_space<semaphore_mem>> -> memref<1x!tpu.dma_semaphore, #tpu.memory_space<semaphore_mem>>
      %dma_wait3A_150 = tpu.memref_squeeze %dma_wait3A_149 : memref<1x!tpu.dma_semaphore, #tpu.memory_space<semaphore_mem>> -> memref<!tpu.dma_semaphore, #tpu.memory_space<semaphore_mem>>
      %dma_wait3A_151 = arith.constant 0 : i32
      %dma_wait3A_152 = arith.constant 0 : i32
      %dma_wait3A_153 = tpu.memref_slice %arg4[%dma_wait3A_141, %dma_wait3A_151, %dma_wait3A_152] : memref<2x64x128xf32, #tpu.memory_space<vmem>> -> memref<1x64x128xf32, #tpu.memory_space<vmem>>
      %dma_wait3A_154 = tpu.memref_squeeze %dma_wait3A_153 : memref<1x64x128xf32, #tpu.memory_space<vmem>> -> memref<64x128xf32, #tpu.memory_space<vmem>>
      %dma_wait3A_155 = arith.constant 0 : i32
      %dma_wait3A_156 = tpu.memref_slice %arg2[%dma_wait3A_155, %mul3A_124] : memref<64x1000000xf32, #tpu.memory_space<hbm>> -> memref<64x128xf32, #tpu.memory_space<hbm>>
      tpu.wait_dma2 semaphore(%dma_wait3A_150 : memref<!tpu.dma_semaphore, #tpu.memory_space<semaphore_mem>>) src(%dma_wait3A_156 : memref<64x128xf32, #tpu.memory_space<hbm>>) dst(%dma_wait3A_154 : memref<64x128xf32, #tpu.memory_space<vmem>>)
      %scan3A_157 = arith.constant 0 : i32
      %scan3A_158 = arith.constant 0 : i32
      %scan3A_159 = arith.constant 128 : i32
      %scan3A_160 = arith.addi %scan3A_158, %scan3A_159 : i32
      %scan3A_161 = arith.constant 1 : i32
      scf.for %scan3A_195 = %scan3A_158 to %scan3A_160 step %scan3A_161  : i32 {
        %broadcast_in_dim3A = vector.broadcast %scan3A_195 : i32 to vector<16xi32>
        %gather3A = arith.constant 0 : i32
        %gather3A_196 = arith.constant 0 : i32
        %gather3A_197 = arith.constant 0 : i32
        %gather3A_198 = tpu.memref_slice %arg4[%gather3A, %gather3A_196, %gather3A_197] : memref<2x64x128xf32, #tpu.memory_space<vmem>> -> memref<1x64x128xf32, #tpu.memory_space<vmem>>
        %gather3A_199 = tpu.memref_squeeze %gather3A_198 : memref<1x64x128xf32, #tpu.memory_space<vmem>> -> memref<64x128xf32, #tpu.memory_space<vmem>>
        %gather3A_200 = tpu.vector_load_idx %gather3A_199[%add3A_3, %broadcast_in_dim3A] : memref<64x128xf32, #tpu.memory_space<vmem>>[vector<16xi32>, vector<16xi32>], vector<16xf32>,
        %swap3A = arith.constant 0 : i32
        %swap3A_201 = arith.index_cast %swap3A : i32 to index
        %swap3A_202 = arith.index_cast %scan3A_195 : i32 to index
        %swap3A_203 = arith.constant 0 : index
        %swap3A_204 = tpu.vector_load %arg5[%swap3A_201, %swap3A_202, %swap3A_203] {strides = array<i32>} : memref<2x128x128xf32, #tpu.memory_space<vmem>>, vector<16xf32>,
        tpu.vector_store %arg5[%swap3A_201, %swap3A_202, %swap3A_203], %gather3A_200 {strides = array<i32>} : memref<2x128x128xf32, #tpu.memory_space<vmem>>, vector<16xf32>,
        %gather3A_205 = arith.constant 0 : i32
        %gather3A_206 = arith.constant 0 : i32
        %gather3A_207 = arith.constant 0 : i32
        %gather3A_208 = tpu.memref_slice %arg4[%gather3A_205, %gather3A_206, %gather3A_207] : memref<2x64x128xf32, #tpu.memory_space<vmem>> -> memref<1x64x128xf32, #tpu.memory_space<vmem>>
        %gather3A_209 = tpu.memref_squeeze %gather3A_208 : memref<1x64x128xf32, #tpu.memory_space<vmem>> -> memref<64x128xf32, #tpu.memory_space<vmem>>
        %gather3A_210 = tpu.vector_load_idx %gather3A_209[%add3A_7, %broadcast_in_dim3A] : memref<64x128xf32, #tpu.memory_space<vmem>>[vector<16xi32>, vector<16xi32>], vector<16xf32>,
        %swap3A_211 = arith.constant 0 : i32
        %swap3A_212 = arith.index_cast %swap3A_211 : i32 to index
        %swap3A_213 = arith.index_cast %scan3A_195 : i32 to index
        %swap3A_214 = arith.constant 16 : index
        %swap3A_215 = tpu.vector_load %arg5[%swap3A_212, %swap3A_213, %swap3A_214] {strides = array<i32>} : memref<2x128x128xf32, #tpu.memory_space<vmem>>, vector<16xf32>,
        tpu.vector_store %arg5[%swap3A_212, %swap3A_213, %swap3A_214], %gather3A_210 {strides = array<i32>} : memref<2x128x128xf32, #tpu.memory_space<vmem>>, vector<16xf32>,
        %gather3A_216 = arith.constant 0 : i32
        %gather3A_217 = arith.constant 0 : i32
        %gather3A_218 = arith.constant 0 : i32
        %gather3A_219 = tpu.memref_slice %arg4[%gather3A_216, %gather3A_217, %gather3A_218] : memref<2x64x128xf32, #tpu.memory_space<vmem>> -> memref<1x64x128xf32, #tpu.memory_space<vmem>>
        %gather3A_220 = tpu.memref_squeeze %gather3A_219 : memref<1x64x128xf32, #tpu.memory_space<vmem>> -> memref<64x128xf32, #tpu.memory_space<vmem>>
        %gather3A_221 = tpu.vector_load_idx %gather3A_220[%add3A_11, %broadcast_in_dim3A] : memref<64x128xf32, #tpu.memory_space<vmem>>[vector<16xi32>, vector<16xi32>], vector<16xf32>,
        %swap3A_222 = arith.constant 0 : i32
        %swap3A_223 = arith.index_cast %swap3A_222 : i32 to index
        %swap3A_224 = arith.index_cast %scan3A_195 : i32 to index
        %swap3A_225 = arith.constant 32 : index
        %swap3A_226 = tpu.vector_load %arg5[%swap3A_223, %swap3A_224, %swap3A_225] {strides = array<i32>} : memref<2x128x128xf32, #tpu.memory_space<vmem>>, vector<16xf32>,
        tpu.vector_store %arg5[%swap3A_223, %swap3A_224, %swap3A_225], %gather3A_221 {strides = array<i32>} : memref<2x128x128xf32, #tpu.memory_space<vmem>>, vector<16xf32>,
        %gather3A_227 = arith.constant 0 : i32
        %gather3A_228 = arith.constant 0 : i32
        %gather3A_229 = arith.constant 0 : i32
        %gather3A_230 = tpu.memref_slice %arg4[%gather3A_227, %gather3A_228, %gather3A_229] : memref<2x64x128xf32, #tpu.memory_space<vmem>> -> memref<1x64x128xf32, #tpu.memory_space<vmem>>
        %gather3A_231 = tpu.memref_squeeze %gather3A_230 : memref<1x64x128xf32, #tpu.memory_space<vmem>> -> memref<64x128xf32, #tpu.memory_space<vmem>>
        %gather3A_232 = tpu.vector_load_idx %gather3A_231[%add3A_15, %broadcast_in_dim3A] : memref<64x128xf32, #tpu.memory_space<vmem>>[vector<16xi32>, vector<16xi32>], vector<16xf32>,
        %swap3A_233 = arith.constant 0 : i32
        %swap3A_234 = arith.index_cast %swap3A_233 : i32 to index
        %swap3A_235 = arith.index_cast %scan3A_195 : i32 to index
        %swap3A_236 = arith.constant 48 : index
        %swap3A_237 = tpu.vector_load %arg5[%swap3A_234, %swap3A_235, %swap3A_236] {strides = array<i32>} : memref<2x128x128xf32, #tpu.memory_space<vmem>>, vector<16xf32>,
        tpu.vector_store %arg5[%swap3A_234, %swap3A_235, %swap3A_236], %gather3A_232 {strides = array<i32>} : memref<2x128x128xf32, #tpu.memory_space<vmem>>, vector<16xf32>,
      }
      %scan3A_162 = arith.constant 128 : i32
      %dma_start3A_163 = arith.constant 0 : i32
      %dma_start3A_164 = arith.constant 0 : i32
      %dma_start3A_165 = arith.constant 0 : i32
      %dma_start3A_166 = arith.constant 0 : i32
      %dma_start3A_167 = tpu.memref_slice %arg5[%dma_start3A_163, %dma_start3A_165, %dma_start3A_166] : memref<2x128x128xf32, #tpu.memory_space<vmem>> -> memref<1x128x128xf32, #tpu.memory_space<vmem>>
      %dma_start3A_168 = tpu.memref_squeeze %dma_start3A_167 : memref<1x128x128xf32, #tpu.memory_space<vmem>> -> memref<128x128xf32, #tpu.memory_space<vmem>>
      %dma_start3A_169 = arith.constant 0 : i32
      %dma_start3A_170 = tpu.memref_slice %arg3[%mul3A_124, %dma_start3A_169] : memref<1000000x128xf32, #tpu.memory_space<hbm>> -> memref<128x128xf32, #tpu.memory_space<hbm>>
      %dma_start3A_171 = tpu.memref_slice %arg8[%dma_start3A_164] : memref<2x!tpu.dma_semaphore, #tpu.memory_space<semaphore_mem>> -> memref<1x!tpu.dma_semaphore, #tpu.memory_space<semaphore_mem>>
      %dma_start3A_172 = tpu.memref_squeeze %dma_start3A_171 : memref<1x!tpu.dma_semaphore, #tpu.memory_space<semaphore_mem>> -> memref<!tpu.dma_semaphore, #tpu.memory_space<semaphore_mem>>
      %dma_start3A_173 = arith.constant 0 : i32
      %dma_start3A_174 = tpu.memref_slice %arg3[%mul3A_124, %dma_start3A_173] : memref<1000000x128xf32, #tpu.memory_space<hbm>> -> memref<128x128xf32, #tpu.memory_space<hbm>>
      %dma_start3A_175 = arith.constant 0 : i32
      %dma_start3A_176 = arith.constant 0 : i32
      %dma_start3A_177 = tpu.memref_slice %arg5[%dma_start3A_163, %dma_start3A_175, %dma_start3A_176] : memref<2x128x128xf32, #tpu.memory_space<vmem>> -> memref<1x128x128xf32, #tpu.memory_space<vmem>>
      %dma_start3A_178 = tpu.memref_squeeze %dma_start3A_177 : memref<1x128x128xf32, #tpu.memory_space<vmem>> -> memref<128x128xf32, #tpu.memory_space<vmem>>
      tpu.enqueue_dma source(%dma_start3A_178 : memref<128x128xf32, #tpu.memory_space<vmem>>) target(%dma_start3A_174 : memref<128x128xf32, #tpu.memory_space<hbm>>) target_semaphore(%dma_start3A_172 : memref<!tpu.dma_semaphore, #tpu.memory_space<semaphore_mem>>)
      %dma_wait3A_179 = arith.constant 0 : i32
      %dma_wait3A_180 = arith.constant 0 : i32
      %dma_wait3A_181 = arith.constant 0 : i32
      %dma_wait3A_182 = arith.constant 0 : i32
      %dma_wait3A_183 = tpu.memref_slice %arg5[%dma_wait3A_179, %dma_wait3A_181, %dma_wait3A_182] : memref<2x128x128xf32, #tpu.memory_space<vmem>> -> memref<1x128x128xf32, #tpu.memory_space<vmem>>
      %dma_wait3A_184 = tpu.memref_squeeze %dma_wait3A_183 : memref<1x128x128xf32, #tpu.memory_space<vmem>> -> memref<128x128xf32, #tpu.memory_space<vmem>>
      %dma_wait3A_185 = arith.constant 0 : i32
      %dma_wait3A_186 = tpu.memref_slice %arg3[%mul3A_124, %dma_wait3A_185] : memref<1000000x128xf32, #tpu.memory_space<hbm>> -> memref<128x128xf32, #tpu.memory_space<hbm>>
      %dma_wait3A_187 = tpu.memref_slice %arg8[%dma_wait3A_180] : memref<2x!tpu.dma_semaphore, #tpu.memory_space<semaphore_mem>> -> memref<1x!tpu.dma_semaphore, #tpu.memory_space<semaphore_mem>>
      %dma_wait3A_188 = tpu.memref_squeeze %dma_wait3A_187 : memref<1x!tpu.dma_semaphore, #tpu.memory_space<semaphore_mem>> -> memref<!tpu.dma_semaphore, #tpu.memory_space<semaphore_mem>>
      %dma_wait3A_189 = arith.constant 0 : i32
      %dma_wait3A_190 = tpu.memref_slice %arg3[%mul3A_124, %dma_wait3A_189] : memref<1000000x128xf32, #tpu.memory_space<hbm>> -> memref<128x128xf32, #tpu.memory_space<hbm>>
      %dma_wait3A_191 = arith.constant 0 : i32
      %dma_wait3A_192 = arith.constant 0 : i32
      %dma_wait3A_193 = tpu.memref_slice %arg5[%dma_wait3A_179, %dma_wait3A_191, %dma_wait3A_192] : memref<2x128x128xf32, #tpu.memory_space<vmem>> -> memref<1x128x128xf32, #tpu.memory_space<vmem>>
      %dma_wait3A_194 = tpu.memref_squeeze %dma_wait3A_193 : memref<1x128x128xf32, #tpu.memory_space<vmem>> -> memref<128x128xf32, #tpu.memory_space<vmem>>
      tpu.wait_dma2 semaphore(%dma_wait3A_188 : memref<!tpu.dma_semaphore, #tpu.memory_space<semaphore_mem>>) src(%dma_wait3A_194 : memref<128x128xf32, #tpu.memory_space<vmem>>) dst(%dma_wait3A_190 : memref<128x128xf32, #tpu.memory_space<hbm>>)
    } else {
    }
    %eq3A = arith.constant 4 : i32
    %eq3A_117 = arith.cmpi eq, %add3A, %eq3A : i32
    %convert_element_type3A_118 = arith.extui %eq3A_117 : i1 to i32
    %cond3A_119 = arith.constant 0 : i32
    %cond3A_120 = arith.cmpi ne, %convert_element_type3A_118, %cond3A_119 : i32
    scf.if %cond3A_120 {
      %dma_start3A_121 = arith.constant 1 : i32
      %dma_start3A_122 = arith.constant 0 : i32
      %dma_start3A_123 = arith.constant 999936 : i32
      %dma_start3A_124 = tpu.memref_slice %arg2[%dma_start3A_122, %dma_start3A_123] : memref<64x1000000xf32, #tpu.memory_space<hbm>> -> memref<64x64xf32, #tpu.memory_space<hbm>>
      %dma_start3A_125 = tpu.memref_slice %arg7[%dma_start3A_121] : memref<2x!tpu.dma_semaphore, #tpu.memory_space<semaphore_mem>> -> memref<1x!tpu.dma_semaphore, #tpu.memory_space<semaphore_mem>>
      %dma_start3A_126 = tpu.memref_squeeze %dma_start3A_125 : memref<1x!tpu.dma_semaphore, #tpu.memory_space<semaphore_mem>> -> memref<!tpu.dma_semaphore, #tpu.memory_space<semaphore_mem>>
      %dma_start3A_127 = arith.constant 0 : i32
      %dma_start3A_128 = arith.constant 999936 : i32
      %dma_start3A_129 = tpu.memref_slice %arg2[%dma_start3A_127, %dma_start3A_128] : memref<64x1000000xf32, #tpu.memory_space<hbm>> -> memref<64x64xf32, #tpu.memory_space<hbm>>
      tpu.enqueue_dma source(%dma_start3A_129 : memref<64x64xf32, #tpu.memory_space<hbm>>) target(%arg6 : memref<64x64xf32, #tpu.memory_space<vmem>>) target_semaphore(%dma_start3A_126 : memref<!tpu.dma_semaphore, #tpu.memory_space<semaphore_mem>>)
      %dma_wait3A_130 = arith.constant 1 : i32
      %dma_wait3A_131 = arith.constant 0 : i32
      %dma_wait3A_132 = arith.constant 999936 : i32
      %dma_wait3A_133 = tpu.memref_slice %arg2[%dma_wait3A_131, %dma_wait3A_132] : memref<64x1000000xf32, #tpu.memory_space<hbm>> -> memref<64x64xf32, #tpu.memory_space<hbm>>
      %dma_wait3A_134 = tpu.memref_slice %arg7[%dma_wait3A_130] : memref<2x!tpu.dma_semaphore, #tpu.memory_space<semaphore_mem>> -> memref<1x!tpu.dma_semaphore, #tpu.memory_space<semaphore_mem>>
      %dma_wait3A_135 = tpu.memref_squeeze %dma_wait3A_134 : memref<1x!tpu.dma_semaphore, #tpu.memory_space<semaphore_mem>> -> memref<!tpu.dma_semaphore, #tpu.memory_space<semaphore_mem>>
      %dma_wait3A_136 = arith.constant 0 : i32
      %dma_wait3A_137 = arith.constant 999936 : i32
      %dma_wait3A_138 = tpu.memref_slice %arg2[%dma_wait3A_136, %dma_wait3A_137] : memref<64x1000000xf32, #tpu.memory_space<hbm>> -> memref<64x64xf32, #tpu.memory_space<hbm>>
      tpu.wait_dma2 semaphore(%dma_wait3A_135 : memref<!tpu.dma_semaphore, #tpu.memory_space<semaphore_mem>>) src(%dma_wait3A_138 : memref<64x64xf32, #tpu.memory_space<hbm>>) dst(%arg6 : memref<64x64xf32, #tpu.memory_space<vmem>>)
      %scan3A_139 = arith.constant 0 : i32
      %scan3A_140 = arith.constant 0 : i32
      %scan3A_141 = arith.constant 64 : i32
      %scan3A_142 = arith.addi %scan3A_140, %scan3A_141 : i32
      %scan3A_143 = arith.constant 1 : i32
      scf.for %scan3A_193 = %scan3A_140 to %scan3A_142 step %scan3A_143  : i32 {
        %broadcast_in_dim3A = vector.broadcast %scan3A_193 : i32 to vector<16xi32>
        %gather3A = tpu.vector_load_idx %arg6[%add3A_3, %broadcast_in_dim3A] : memref<64x64xf32, #tpu.memory_space<vmem>>[vector<16xi32>, vector<16xi32>], vector<16xf32>,
        %swap3A = arith.constant 1 : i32
        %swap3A_194 = arith.index_cast %swap3A : i32 to index
        %swap3A_195 = arith.index_cast %scan3A_193 : i32 to index
        %swap3A_196 = arith.constant 0 : index
        %swap3A_197 = tpu.vector_load %arg5[%swap3A_194, %swap3A_195, %swap3A_196] {strides = array<i32>} : memref<2x128x128xf32, #tpu.memory_space<vmem>>, vector<16xf32>,
        tpu.vector_store %arg5[%swap3A_194, %swap3A_195, %swap3A_196], %gather3A {strides = array<i32>} : memref<2x128x128xf32, #tpu.memory_space<vmem>>, vector<16xf32>,
        %gather3A_198 = tpu.vector_load_idx %arg6[%add3A_7, %broadcast_in_dim3A] : memref<64x64xf32, #tpu.memory_space<vmem>>[vector<16xi32>, vector<16xi32>], vector<16xf32>,
        %swap3A_199 = arith.constant 1 : i32
        %swap3A_200 = arith.index_cast %swap3A_199 : i32 to index
        %swap3A_201 = arith.index_cast %scan3A_193 : i32 to index
        %swap3A_202 = arith.constant 16 : index
        %swap3A_203 = tpu.vector_load %arg5[%swap3A_200, %swap3A_201, %swap3A_202] {strides = array<i32>} : memref<2x128x128xf32, #tpu.memory_space<vmem>>, vector<16xf32>,
        tpu.vector_store %arg5[%swap3A_200, %swap3A_201, %swap3A_202], %gather3A_198 {strides = array<i32>} : memref<2x128x128xf32, #tpu.memory_space<vmem>>, vector<16xf32>,
        %gather3A_204 = tpu.vector_load_idx %arg6[%add3A_11, %broadcast_in_dim3A] : memref<64x64xf32, #tpu.memory_space<vmem>>[vector<16xi32>, vector<16xi32>], vector<16xf32>,
        %swap3A_205 = arith.constant 1 : i32
        %swap3A_206 = arith.index_cast %swap3A_205 : i32 to index
        %swap3A_207 = arith.index_cast %scan3A_193 : i32 to index
        %swap3A_208 = arith.constant 32 : index
        %swap3A_209 = tpu.vector_load %arg5[%swap3A_206, %swap3A_207, %swap3A_208] {strides = array<i32>} : memref<2x128x128xf32, #tpu.memory_space<vmem>>, vector<16xf32>,
        tpu.vector_store %arg5[%swap3A_206, %swap3A_207, %swap3A_208], %gather3A_204 {strides = array<i32>} : memref<2x128x128xf32, #tpu.memory_space<vmem>>, vector<16xf32>,
        %gather3A_210 = tpu.vector_load_idx %arg6[%add3A_15, %broadcast_in_dim3A] : memref<64x64xf32, #tpu.memory_space<vmem>>[vector<16xi32>, vector<16xi32>], vector<16xf32>,
        %swap3A_211 = arith.constant 1 : i32
        %swap3A_212 = arith.index_cast %swap3A_211 : i32 to index
        %swap3A_213 = arith.index_cast %scan3A_193 : i32 to index
        %swap3A_214 = arith.constant 48 : index
        %swap3A_215 = tpu.vector_load %arg5[%swap3A_212, %swap3A_213, %swap3A_214] {strides = array<i32>} : memref<2x128x128xf32, #tpu.memory_space<vmem>>, vector<16xf32>,
        tpu.vector_store %arg5[%swap3A_212, %swap3A_213, %swap3A_214], %gather3A_210 {strides = array<i32>} : memref<2x128x128xf32, #tpu.memory_space<vmem>>, vector<16xf32>,
      }
      %scan3A_144 = arith.constant 64 : i32
      %dma_start3A_145 = arith.constant 1 : i32
      %dma_start3A_146 = arith.constant 1 : i32
      %dma_start3A_147 = arith.constant 0 : i32
      %dma_start3A_148 = arith.constant 0 : i32
      %dma_start3A_149 = tpu.memref_slice %arg5[%dma_start3A_145, %dma_start3A_147, %dma_start3A_148] : memref<2x128x128xf32, #tpu.memory_space<vmem>> -> memref<1x128x128xf32, #tpu.memory_space<vmem>>
      %dma_start3A_150 = tpu.memref_squeeze %dma_start3A_149 : memref<1x128x128xf32, #tpu.memory_space<vmem>> -> memref<128x128xf32, #tpu.memory_space<vmem>>
      %dma_start3A_151 = arith.constant 0 : i32
      %dma_start3A_152 = arith.constant 0 : i32
      %dma_start3A_153 = tpu.memref_slice %dma_start3A_150[%dma_start3A_151, %dma_start3A_152] : memref<128x128xf32, #tpu.memory_space<vmem>> -> memref<64x128xf32, #tpu.memory_space<vmem>>
      %dma_start3A_154 = arith.constant 999936 : i32
      %dma_start3A_155 = arith.constant 0 : i32
      %dma_start3A_156 = tpu.memref_slice %arg3[%dma_start3A_154, %dma_start3A_155] : memref<1000000x128xf32, #tpu.memory_space<hbm>> -> memref<64x128xf32, #tpu.memory_space<hbm>>
      %dma_start3A_157 = tpu.memref_slice %arg8[%dma_start3A_146] : memref<2x!tpu.dma_semaphore, #tpu.memory_space<semaphore_mem>> -> memref<1x!tpu.dma_semaphore, #tpu.memory_space<semaphore_mem>>
      %dma_start3A_158 = tpu.memref_squeeze %dma_start3A_157 : memref<1x!tpu.dma_semaphore, #tpu.memory_space<semaphore_mem>> -> memref<!tpu.dma_semaphore, #tpu.memory_space<semaphore_mem>>
      %dma_start3A_159 = arith.constant 999936 : i32
      %dma_start3A_160 = arith.constant 0 : i32
      %dma_start3A_161 = tpu.memref_slice %arg3[%dma_start3A_159, %dma_start3A_160] : memref<1000000x128xf32, #tpu.memory_space<hbm>> -> memref<64x128xf32, #tpu.memory_space<hbm>>
      %dma_start3A_162 = arith.constant 0 : i32
      %dma_start3A_163 = arith.constant 0 : i32
      %dma_start3A_164 = tpu.memref_slice %arg5[%dma_start3A_145, %dma_start3A_162, %dma_start3A_163] : memref<2x128x128xf32, #tpu.memory_space<vmem>> -> memref<1x128x128xf32, #tpu.memory_space<vmem>>
      %dma_start3A_165 = tpu.memref_squeeze %dma_start3A_164 : memref<1x128x128xf32, #tpu.memory_space<vmem>> -> memref<128x128xf32, #tpu.memory_space<vmem>>
      %dma_start3A_166 = arith.constant 0 : i32
      %dma_start3A_167 = arith.constant 0 : i32
      %dma_start3A_168 = tpu.memref_slice %dma_start3A_165[%dma_start3A_166, %dma_start3A_167] : memref<128x128xf32, #tpu.memory_space<vmem>> -> memref<64x128xf32, #tpu.memory_space<vmem>>
      tpu.enqueue_dma source(%dma_start3A_168 : memref<64x128xf32, #tpu.memory_space<vmem>>) target(%dma_start3A_161 : memref<64x128xf32, #tpu.memory_space<hbm>>) target_semaphore(%dma_start3A_158 : memref<!tpu.dma_semaphore, #tpu.memory_space<semaphore_mem>>)
      %dma_wait3A_169 = arith.constant 1 : i32
      %dma_wait3A_170 = arith.constant 1 : i32
      %dma_wait3A_171 = arith.constant 0 : i32
      %dma_wait3A_172 = arith.constant 0 : i32
      %dma_wait3A_173 = tpu.memref_slice %arg5[%dma_wait3A_169, %dma_wait3A_171, %dma_wait3A_172] : memref<2x128x128xf32, #tpu.memory_space<vmem>> -> memref<1x128x128xf32, #tpu.memory_space<vmem>>
      %dma_wait3A_174 = tpu.memref_squeeze %dma_wait3A_173 : memref<1x128x128xf32, #tpu.memory_space<vmem>> -> memref<128x128xf32, #tpu.memory_space<vmem>>
      %dma_wait3A_175 = arith.constant 0 : i32
      %dma_wait3A_176 = arith.constant 0 : i32
      %dma_wait3A_177 = tpu.memref_slice %dma_wait3A_174[%dma_wait3A_175, %dma_wait3A_176] : memref<128x128xf32, #tpu.memory_space<vmem>> -> memref<64x128xf32, #tpu.memory_space<vmem>>
      %dma_wait3A_178 = arith.constant 999936 : i32
      %dma_wait3A_179 = arith.constant 0 : i32
      %dma_wait3A_180 = tpu.memref_slice %arg3[%dma_wait3A_178, %dma_wait3A_179] : memref<1000000x128xf32, #tpu.memory_space<hbm>> -> memref<64x128xf32, #tpu.memory_space<hbm>>
      %dma_wait3A_181 = tpu.memref_slice %arg8[%dma_wait3A_170] : memref<2x!tpu.dma_semaphore, #tpu.memory_space<semaphore_mem>> -> memref<1x!tpu.dma_semaphore, #tpu.memory_space<semaphore_mem>>
      %dma_wait3A_182 = tpu.memref_squeeze %dma_wait3A_181 : memref<1x!tpu.dma_semaphore, #tpu.memory_space<semaphore_mem>> -> memref<!tpu.dma_semaphore, #tpu.memory_space<semaphore_mem>>
      %dma_wait3A_183 = arith.constant 999936 : i32
      %dma_wait3A_184 = arith.constant 0 : i32
      %dma_wait3A_185 = tpu.memref_slice %arg3[%dma_wait3A_183, %dma_wait3A_184] : memref<1000000x128xf32, #tpu.memory_space<hbm>> -> memref<64x128xf32, #tpu.memory_space<hbm>>
      %dma_wait3A_186 = arith.constant 0 : i32
      %dma_wait3A_187 = arith.constant 0 : i32
      %dma_wait3A_188 = tpu.memref_slice %arg5[%dma_wait3A_169, %dma_wait3A_186, %dma_wait3A_187] : memref<2x128x128xf32, #tpu.memory_space<vmem>> -> memref<1x128x128xf32, #tpu.memory_space<vmem>>
      %dma_wait3A_189 = tpu.memref_squeeze %dma_wait3A_188 : memref<1x128x128xf32, #tpu.memory_space<vmem>> -> memref<128x128xf32, #tpu.memory_space<vmem>>
      %dma_wait3A_190 = arith.constant 0 : i32
      %dma_wait3A_191 = arith.constant 0 : i32
      %dma_wait3A_192 = tpu.memref_slice %dma_wait3A_189[%dma_wait3A_190, %dma_wait3A_191] : memref<128x128xf32, #tpu.memory_space<vmem>> -> memref<64x128xf32, #tpu.memory_space<vmem>>
      tpu.wait_dma2 semaphore(%dma_wait3A_182 : memref<!tpu.dma_semaphore, #tpu.memory_space<semaphore_mem>>) src(%dma_wait3A_192 : memref<64x128xf32, #tpu.memory_space<vmem>>) dst(%dma_wait3A_185 : memref<64x128xf32, #tpu.memory_space<hbm>>)
    } else {
    }
    return
  }
}

</mosaic_0001>

<sc_bundles>
// kernel: kernel.4.cloned.1.call-start
scs
__scs_entry_jumppad:
0x0: {  	(pc) =	sbr.rel $0x88, $3  }
0x1: {  	(tag) =	ssettag $0x0;
	lr =	simm.s32 $0x1  }
0x2: {  	[smem:$0x3F9F] =	sst lr;
	_ =	strace $0xD0000000  }
0x3: {  	_ = 	snop  }
0x4: {  	_ = 	snop  }
0x5: {  	_ = 	snop  }
0x6: {  	_ = 	snop  }
0x7: {  	_ = 	snop  }
__scs_overlays_trampoline_lowered:
0x8: {  	[smem:$0x3FAE] =	sst s0  }
0x9: {  	[smem:$0x3FAF] =	sst s1  }
0xa: {  	[smem:$0x3FB0] =	sst s2  }
0xb: {  	[smem:$0x3FB1] =	sst s3  }
0xc: {  	[smem:$0x3FB2] =	sst s4  }
0xd: {  	[smem:$0x3FB3] =	sst s5  }
0xe: {  	[smem:$0x3FB4] =	sst s6  }
0xf: {  	[smem:$0x3FB5] =	sst s7  }
0x10: {  	[smem:$0x3FB6] =	sst s8  }
0x11: {  	[smem:$0x3FB7] =	sst s9;
	s0 =	simm.s32 @!p0 $0x0  }
0x12: {  	s1 =	sld [smem:$0x3F9D];
	s0 =	simm.s32 @p0 $0x1  }
0x13: {  	[smem:$0x3FB8] =	sst s0;
	s0 =	simm.s32 @!p1 $0x0  }
0x14: {  	s2 =	sld [smem:$0x3F9C];
	s0 =	simm.s32 @p1 $0x1  }
0x15: {  	[smem:$0x3FB9] =	sst s0;
	s0 =	simm.s32 @!p2 $0x0  }
0x16: {  	s3 =	sld [smem:$0x3FDB];
	s0 =	simm.s32 @p2 $0x1  }
0x17: {  	s4 =	simm.s32 $0x1BF5;
	[smem:$0x3FBB] =	sst s0  }
0x18: {  	s0 =	sld [smem:$0x3F9E];
	_ =	swait.ge [sflag:s4], $0x0  }
0x19: {  	s7 =	sld [smem:$0x3F9F]  }
0x1a: {  	s8 =	sadd.s32 $0xFFFFE003, lr  }
0x1b: {  	s9 =	sadd.s32 $0xFFFFFEF7, lr;
	s5 =	simm.s32 $0xFFFFFFFF;
	p2 =	slt.u32 s8, $0xFFFFF086  }
0x1c: {  	p1 =	slt.u32 s9, $0xF7A;
	s5 =	simm.s32 @!p2 $0x0  }
0x1d: {  	s5 =	simm.s32 @p1 $0x1;
	p0 =	seq.s32 s7, s2  }
0x1e: {  	s7 =	smul.u32 @!p0 $0xF7A, s2;
	p2 =	seq.s32 @!p0 s5, $0x0  }
0x1f: {  	s9 =	smul.u32 $0xF7A, s1;
	s8 =	simm.s32 @!p0 $0x1BF5;
	p2 =	por !p2, p0  }
0x20: {  	[sflag:s8] =	ssyncset.s32 @!p0 $0xFFFFF086;
	s6 =	sadd.s32 @!p0 s3, s7;
	s7 =	simm.s32 @!p0 $0x108  }
0x21: {  	s3 =	sadd.s32 s3, s9;
	s6 =	sadd.s32 @!p0 $0x88, s6;
	s7 =	simm.s32 @p2 $0x1082  }
0x22: {  	[simem:s7], [sflag:s8] =	dma.local @!p0 [hbm:s6], $0xF7A  }
0x23: {  	s9 =	sor.u32 $0xD0000000, s2;
	s6 =	simm.s32 $0x108;
	_ =	swait.ge @!p0 [sflag:s8], $0x0  }
0x24: {  	s3 =	sadd.s32 $0x88, s3;
	s6 =	simm.s32 @!p1 $0x1082;
	[sflag:s4] =	ssyncset.s32 $0xFFFFF086  }
0x25: {  	[simem:s6], [sflag:s4] =	dma.local [hbm:s3], $0xF7A  }
0x26: {  	[smem:$0x3F9F] =	sst s1;
	(tag) =	ssettag s2;
	_ =	strace s9  }
0x27: {  	s1 =	sld [smem:$0x3FAF]  }
0x28: {  	s2 =	sld [smem:$0x3FB0]  }
0x29: {  	s4 =	sld [smem:$0x3FB2]  }
0x2a: {  	p0 =	seq.s32 s5, $0x0;
	s5 =	sld [smem:$0x3FB3]  }
0x2b: {  	s6 =	sld [smem:$0x3FB4]  }
0x2c: {  	s7 =	sld [smem:$0x3FB5]  }
0x2d: {  	s3 =	simm.s32 $0x108;
	s8 =	sld [smem:$0x3FB6]  }
0x2e: {  	s3 =	simm.s32 @!p0 $0x1082;
	s9 =	sld [smem:$0x3FB7]  }
0x2f: {  	lr =	sadd.s32 s0, s3;
	s0 =	sld [smem:$0x3FAE]  }
0x30: {  	s3 =	sld [smem:$0x3FB1]  }
0x31: {  	[smem:$0x3FBA] =	sst s10  }
0x32: {  	s10 =	sld [smem:$0x3FB8];
	_ =	sdelay $0x3  }
0x33: {  	p0 =	seq.s32 s10, $0x1;
	s10 =	sld [smem:$0x3FBA];
	_ =	sdelay $0x3  }
0x34: {  	[smem:$0x3FBA] =	sst s10  }
0x35: {  	s10 =	sld [smem:$0x3FB9];
	_ =	sdelay $0x3  }
0x36: {  	p1 =	seq.s32 s10, $0x1;
	s10 =	sld [smem:$0x3FBA];
	_ =	sdelay $0x3  }
0x37: {  	[smem:$0x3FBA] =	sst s10  }
0x38: {  	s10 =	sld [smem:$0x3FBB]  }
0x39: {  	_ = 	snop;
	(pc) =	sbr.ind lr, $3  }
0x3a: {  	_ = 	snop  }
0x3b: {  	_ = 	snop  }
0x3c: {  	p2 =	seq.s32 s10, $0x1;
	s10 =	sld [smem:$0x3FBA]  }
0x3d: {  	_ =	shalt  }
0x3e: {  	_ =	shalt  }
0x3f: {  	_ =	shalt  }
0x40: {  	_ =	shalt  }
0x41: {  	_ =	shalt  }
0x42: {  	_ =	shalt  }
0x43: {  	_ =	shalt  }
0x44: {  	_ =	shalt  }
0x45: {  	_ =	shalt  }
0x46: {  	_ =	shalt  }
0x47: {  	_ =	shalt  }
0x48: {  	_ =	shalt  }
0x49: {  	_ =	shalt  }
0x4a: {  	_ =	shalt  }
0x4b: {  	_ =	shalt  }
0x4c: {  	_ =	shalt  }
0x4d: {  	_ =	shalt  }
0x4e: {  	_ =	shalt  }
0x4f: {  	_ =	shalt  }
0x50: {  	_ =	shalt  }
0x51: {  	_ =	shalt  }
0x52: {  	_ =	shalt  }
0x53: {  	_ =	shalt  }
0x54: {  	_ =	shalt  }
0x55: {  	_ =	shalt  }
0x56: {  	_ =	shalt  }
0x57: {  	_ =	shalt  }
0x58: {  	_ =	shalt  }
0x59: {  	_ =	shalt  }
0x5a: {  	_ =	shalt  }
0x5b: {  	_ =	shalt  }
0x5c: {  	_ =	shalt  }
0x5d: {  	_ =	shalt  }
0x5e: {  	_ =	shalt  }
0x5f: {  	_ =	shalt  }
0x60: {  	_ =	shalt  }
0x61: {  	_ =	shalt  }
0x62: {  	_ =	shalt  }
0x63: {  	_ =	shalt  }
0x64: {  	_ =	shalt  }
0x65: {  	_ =	shalt  }
0x66: {  	_ =	shalt  }
0x67: {  	_ =	shalt  }
0x68: {  	_ =	shalt  }
0x69: {  	_ =	shalt  }
0x6a: {  	_ =	shalt  }
0x6b: {  	_ =	shalt  }
0x6c: {  	_ =	shalt  }
0x6d: {  	_ =	shalt  }
0x6e: {  	_ =	shalt  }
0x6f: {  	_ =	shalt  }
0x70: {  	_ =	shalt  }
0x71: {  	_ =	shalt  }
0x72: {  	_ =	shalt  }
0x73: {  	_ =	shalt  }
0x74: {  	_ =	shalt  }
0x75: {  	_ =	shalt  }
0x76: {  	_ =	shalt  }
0x77: {  	_ =	shalt  }
0x78: {  	_ =	shalt  }
0x79: {  	_ =	shalt  }
0x7a: {  	_ =	shalt  }
0x7b: {  	_ =	shalt  }
0x7c: {  	_ =	shalt  }
0x7d: {  	_ =	shalt  }
0x7e: {  	_ =	shalt  }
0x7f: {  	_ =	shalt  }
0x80: {  	_ =	shalt  }
0x81: {  	_ =	shalt  }
0x82: {  	_ =	shalt  }
0x83: {  	_ =	shalt  }
0x84: {  	_ =	shalt  }
0x85: {  	_ =	shalt  }
0x86: {  	_ =	shalt  }
0x87: {  	_ =	shalt  }
.Lfunc_end0:
.L_simem_size_0:
called_computation_lowered:
.L_overlay_start_0:
0x88: {  	s2 =	sld [smem:$0x3FD9]  }
0x89: {  	s3 =	sld [smem:$0x3FFE];
	_ =	sdelay $0x1  }
0x8a: {  	s1 =	srdreg.scid  }
0x8b: {  	s0 =	sand.u32 $0x1, s1  }
0x8c: {  	s17 =	sshll.u32 s0, $0xA;
	s2 =	sadd.s32 s3, s2  }
0x8d: {  	s2 =	sadd.s32 s2, s17  }
0x8e: {  	[smem:$0x3FC6] =	sst s2  }
0x8f: {  	_ = 	snop  }
0x90: {  	s2 =	sld [smem:$0x3FC8];
	(tm) =	ssettm $0x1  }
0x91: {  	s18 =	sld [smem:$0x3FFB];
	_ =	sdelay $0x3  }
0x92: {  	_ =	strace s18  }
0x93: {  	s3 =	sld [smem:$0x3FFC];
	_ =	sdelay $0x3  }
0x94: {  	_ =	strace s3  }
0x95: {  	s3 =	sld [smem:$0x3FFD];
	_ =	sdelay $0x3  }
0x96: {  	_ =	strace s3  }
0x97: {  	_ =	strace $0x8FFFFFFF  }
0x98: {  	s19 =	sld [smem:$0x3FDB];
	_ =	sdelay $0x1  }
0x99: {  	s4 =	simm.s32 $_scs_section_size  }
0x9a: {  	s5 =	simm.s32 $_size__tile_overlayer_lowered;
	s6 =	simm.s32 $_tile_overlayer_lowered  }
0x9b: {  	s22 =	simm.s32 $0x1BFF;
	s21 =	sshll.u32 s6, $0x1;
	s3 =	sadd.s32 s4, s19  }
0x9c: {  	s7 =	simm.s32 $0x0;
	s20 =	sshll.u32 s5, $0x1;
	s5 =	sadd.s32 s21, s3  }
0x9d: {  	[timem:s7], [sflag:s22] =	dma.local [hbm:s5], s20  }
0x9e: {  	_ =	swait.ge [sflag:s22], s20  }
0x9f: {  	s4 =	ssub.s32 $0x0, s20;
	[sflag:s22] =	ssyncset.done $0x0  }
0xa0: {  	[sflag:s22] =	ssyncadd.s32 s4;
	_ =	sdelay $0x1  }
0xa1: {  	s23 =	simm.s32 $0x1B8B  }
0xa2: {  	_ =	swait.ge [sflag:s23], $0x1  }
0xa3: {  	[sflag:s23] =	ssyncset.done $0x0  }
0xa4: {  	s25 =	simm.s32 $0x1B8E;
	s24 =	sld [smem:$0x3FFE];
	[sflag:s23] =	ssyncadd.s32 $0xFFFFFFFF  }
0xa5: {  	s26 =	simm.s32 $execute0_lowered;
	[smem:$0x3FD2] =	sst s25  }
0xa6: {  	s5 =	sshll.u32 s26, $0x1;
	_ =	strace $0x80000046;
	[dreg:$0x1] =	wrdreg $0xFFFFFFFF  }
0xa7: {  	s28 =	simm.s32 $_size_execute0_lowered;
	s3 =	sadd.s32 s3, s5;
	[dreg:$0x0] =	wrdreg $0x0  }
0xa8: {  	s5 =	sshll.u32 s28, $0x1;
	[dreg:$0x2] =	wrdreg s3  }
0xa9: {  	[dreg:$0x3] =	wrdreg s5  }
0xaa: {  	[dreg:$0x4] =	wrdreg $0xC0  }
0xab: {  	_ =	task [dreg:s7], $0x5FFFF  }
0xac: {  	[dreg:$0x1] =	wrdreg $0xFFFFFFFF  }
0xad: {  	[dreg:$0x0] =	wrdreg $0x60  }
0xae: {  	[dreg:$0x2] =	wrdreg s2  }
0xaf: {  	[dreg:$0x3] =	wrdreg s24  }
0xb0: {  	[dreg:$0x4] =	wrdreg $0x9  }
0xb1: {  	_ =	task.clear_ibuf [dreg:s7], $0x5FFFF;
	_ =	strace $0x90000046  }
0xb2: {  	s29 =	simm.s32 $0x9;
	_ =	strace $0x80000048  }
0xb3: {  	_ =	swait.ge [sflag:s29], $0x1  }
0xb4: {  	[sflag:s29] =	ssyncadd.s32 $0xFFFFFFFF  }
0xb5: {  	_ =	strace $0x90000048  }
0xb6: {  	_ =	sfence  }
0xb7: {  	s30 =	sld [smem:$0x0];
	_ =	sdelay $0x2  }
0xb8: {  	s31 =	sshll.u32 s1, $0xD;
	s1 =	sshrl.u32 s1, $0x2  }
0xb9: {  	s3 =	sand.u32 $0x4000, s31;
	s1 =	sadd.s32 s1, s30  }
0xba: {  	s0 =	sor.u32 s3, s0;
	s1 =	sshll.u32 s1, $0x11  }
0xbb: {  	s0 =	sor.u32 s1, s0  }
0xbc: {  	s0 =	sadd.s32 $0x8F2B, s0  }
0xbd: {  	[sflag:s0] =	ssyncadd.remote.s32 $0x1  }
0xbe: {  	_ =	sfence.sel $0xFFFF  }
0xbf: {  	[dreg:$0x0] =	wrdreg $0xFFFFFFFF;
	(pc) =	sbr.abs _section_cstart, $3  }
0xc0: {  	[dreg:$0x1] =	wrdreg $0xFFFFFFFF  }
0xc1: {  	_ =	task.clear_ibuf [dreg:s7], $0x2FFFF;
	_ =	strace $0x9FFFFFFF  }
0xc2: {  	(tm) =	ssettm $0x7FFFFFFF  }
0xc3: {  	_ =	shalt  }
tec
execute0_lowered:
.L_overlay_start_1:
0x0: {  	(tag) =	ssettag $0x1  }
0x1: {  	s12 =	rddreg [dreg:$0x0];
	s1 =	srdreg.scid  }
0x2: {  	s0 =	stileid.u32;
	s13 =	rddreg [dreg:$0x1]  }
0x3: {  	s2 =	simm.s32 $0x0;
	s15 =	simm.s32 $0x400;
	s16 =	simm.s32 $0x7A1400  }
0x4: {  	s17 =	simm.s32 $0x2000;
	s18 =	simm.s32 $0x1;
	s19 =	simm.s32 $0x4000  }
0x5: {  	s20 =	simm.s32 $0x2;
	s21 =	simm.s32 $0x4;
	s22 =	simm.s32 $0x8000  }
0x6: {  	s23 =	simm.s32 $0x3;
	s3 =	sand.u32 $0x1, s1;
	s1 =	rddreg [dreg:$0x2]  }
0x7: {  	s25 =	simm.s32 $0x0;
	s4 =	sshll.u32 s0, $0x1;
	[smem:$0x7FF] =	sst s2  }
0x8: {  	p0 =	sgt.u32 s0, $0x1;
	s24 =	sor.u32 s3, s4;
	s5 =	ssub.s32 $0x2, s3  }
0x9: {  	_ =	strace $0x80000047;
	s4 =	sadd.s32 $0xA00, s13;
	s8 =	sshll.u32 s24, $0x7  }
0xa: {  	s6 =	sshrl.u32 s5, $0x1;
	p1 =	sne.s32 s24, $0x4;
	s3 =	sadd.s32 s12, s8  }
.Ltmp0:
0xb: {  	s14 =	ssub.s32 s5, s6;
	s6 =	sshll.u32 s24, $0xB;
	(pc) =	sbr.rel .LBB2_1-.Ltmp0, $4  }
0xc: {  	v0 =	vlaneseq.u32;
	s10 =	sor.u32 $0xF4000, s8;
	s8 =	sadd.s32 $0x10A00, s13;
	s13 =	sadd.s32 $0xF42A00, s13  }
0xd: {  	v0 =	vmul.u32 $0x80, v0;
	s24 =	simm.s32 $0xC000;
	s5 =	sadd.s32 $0x1000, s3;
	s7 =	sadd.s32 $0x2000, s3  }
0xe: {  	s9 =	sadd.s32 $0x3000, s3;
	s11 =	sshll.u32 s10, $0x4;
	s10 =	sadd.s32 s12, s10  }
0xf: {  	v1 =	vor.u32 $0x800, v0;
	v2 =	vor.u32 $0x1000, v0;
	v3 =	vor.u32 $0x1800, v0;
	s12 =	sadd.s32 $0xF4200, s12;
	s14 =	smax.u32 s14, $0x1;
	s11 =	sadd.s32 s4, s11  }
.LBB2_20:
0x10: {  	s25 =	sadd.s32 $0x1, s25  }
0x11: {  	p2 =	sne.s32 s25, s14  }
.Ltmp1:
0x12: {  	_ = 	snop;
	(pc) =	sbr.rel @!p2 .LBB2_21-.Ltmp1, $1  }
0x13: {  	_ =	sdelay $0x3  }
.LBB2_1:
0x14: {  	[tilespmem:s2], [sflag:$0x1] =	stream.strided.gather [hbm4b:s3+s15], $0x2000, s16, s15, $0x38;
	[tilespmem:$0xE000] =	vst v63  }
0x15: {  	s26 =	simm.s32 $0x0  }
0x16: {  	[tilespmem:s17], [sflag:$0x2] =	stream.strided.gather [hbm4b:s5+s15], $0x2000, s16, s15, $0x38;
	[tilespmem:$0xE000] =	vst v63  }
.LBB2_2:
0x17: {  	s28 =	simm.s32 $0x0  }
0x18: {  	v4 =	vmov s28  }
0x19: {  	v4 =	vand.u32 $0x7F, v4  }
0x1a: {  	v4 =	vbroadcast v4, $0x0  }
0x1b: {  	_ =	swait.ge [sflag:s18], $0x2000  }
0x1c: {  	p2 =	seq.s32 s26, $0x0;
	[sflag:s18] =	ssyncset.done $0x0;
	v5 =	vor.u32 v0, v4  }
0x1d: {  	s28 =	simm.s32 @!p2 $0x3;
	[sflag:s18] =	ssyncadd.s32 $0xFFFFE000  }
0x1e: {  	_ =	swait.ge @!p2 [sflag:s28], $0x4000  }
0x1f: {  	[sflag:s28] =	ssyncset.done @!p2 $0x0  }
0x20: {  	[sflag:s28] =	ssyncadd.s32 @!p2 $0xFFFFC000  }
0x21: {  	v5 =	vld.idx.msk [tilespmem:v5+s2+$0x0], $0xffff  }
0x22: {  	v6 =	vor.u32 v1, v4;
	_ =	sdelay $0x2  }
0x23: {  	s30 =	simm.s32 $0x4020  }
0x24: {  	[tilespmem:s30+$0xFFFFFFE0] =	vst v5  }
0x25: {  	v5 =	vld.idx.msk [tilespmem:v6+s2+$0x0], $0xffff  }
0x26: {  	v6 =	vor.u32 v2, v4;
	_ =	sdelay $0x3  }
0x27: {  	[tilespmem:s30+$0xFFFFFFF0] =	vst v5  }
0x28: {  	v5 =	vld.idx.msk [tilespmem:v6+s2+$0x0], $0xffff  }
0x29: {  	v4 =	vor.u32 v3, v4;
	_ =	sdelay $0x1  }
0x2a: {  	s29 =	sshll.u32 s26, $0x11;
	s31 =	simm.s32 $0x1  }
0x2b: {  	s29 =	sor.u32 s6, s29;
	s28 =	sshll.u32 s26, $0xD;
	v6 =	vmov s31;
	s31 =	simm.s32 $0x2  }
.LBB2_3:
0x2c: {  	p3 =	sne.s32 s31, $0x7F;
	v6 =	vand.u32 $0x7F, v6;
	[tilespmem:s30+$0x0] =	vst v5  }
0x2d: {  	v6 =	vbroadcast v6, $0x0;
	v4 =	vld.idx.msk [tilespmem:v4+s2+$0x0], $0xffff;
	_ =	sdelay $0x1  }
0x2e: {  	v5 =	vor.u32 v0, v6;
	_ =	sdelay $0x3  }
0x2f: {  	[tilespmem:s30+$0x10] =	vst v4  }
0x30: {  	v4 =	vld.idx.msk [tilespmem:v5+s2+$0x0], $0xffff;
	_ =	sdelay $0x1  }
0x31: {  	v5 =	vor.u32 v1, v6;
	_ =	sdelay $0x2  }
0x32: {  	s30 =	sadd.s32 $0x80, s30  }
0x33: {  	[tilespmem:s30+$0xFFFFFFE0] =	vst v4  }
0x34: {  	v4 =	vld.idx.msk [tilespmem:v5+s2+$0x0], $0xffff;
	_ =	sdelay $0x1  }
0x35: {  	v5 =	vor.u32 v2, v6;
	_ =	sdelay $0x3  }
0x36: {  	[tilespmem:s30+$0xFFFFFFF0] =	vst v4  }
0x37: {  	v5 =	vld.idx.msk [tilespmem:v5+s2+$0x0], $0xffff  }
.Ltmp2:
0x38: {  	(pc) =	sbr.rel @p3 .LBB2_3-.Ltmp2, $2  }
0x39: {  	v4 =	vor.u32 v3, v6;
	_ =	sdelay $0x2  }
0x3a: {  	v6 =	vmov s31;
	s31 =	sadd.s32 $0x1, s31  }
0x3b: {  	_ =	sdelay $0x1  }
0x3c: {  	v6 =	vand.u32 $0x7F, v6  }
0x3d: {  	[tilespmem:s30+$0x0] =	vst v5;
	v5 =	vbroadcast v6, $0x0  }
0x3e: {  	v4 =	vld.idx.msk [tilespmem:v4+s2+$0x0], $0xffff  }
0x3f: {  	v6 =	vor.u32 v0, v5;
	_ =	sdelay $0x3  }
0x40: {  	[tilespmem:s30+$0x10] =	vst v4  }
0x41: {  	v4 =	vld.idx.msk [tilespmem:v6+s2+$0x0], $0xffff  }
0x42: {  	v62 =	vor.u32 v1, v5;
	_ =	sdelay $0x2  }
0x43: {  	s31 =	sadd.s32 $0x80, s30  }
0x44: {  	[tilespmem:s31+$0xFFFFFFE0] =	vst v4  }
0x45: {  	v4 =	vld.idx.msk [tilespmem:v62+s2+$0x0], $0xffff  }
0x46: {  	v63 =	vor.u32 v2, v5;
	_ =	sdelay $0x3  }
0x47: {  	[tilespmem:s31+$0xFFFFFFF0] =	vst v4  }
0x48: {  	v4 =	vld.idx.msk [tilespmem:v63+s2+$0x0], $0xffff  }
0x49: {  	v5 =	vor.u32 v3, v5;
	_ =	sdelay $0x3  }
0x4a: {  	[tilespmem:s31+$0x0] =	vst v4  }
0x4b: {  	v4 =	vld.idx.msk [tilespmem:v5+s2+$0x0], $0xffff  }
0x4c: {  	p3 =	sne.s32 s26, $0x79  }
.Ltmp3:
0x4d: {  	_ = 	snop;
	(pc) =	sbr.rel @p3 .LBB2_6-.Ltmp3, $3  }
0x4e: {  	_ =	sdelay $0x1  }
0x4f: {  	[tilespmem:s31+$0x10] =	vst v4;
	s31 =	sadd.s32 s4, s29  }
0x50: {  	[hbm4b:s31+s2] =	stream.linear.scatter [tilespmem:s19], [sflag:$0x3], $0x4000, $0x38;
	[tilespmem:$0xE000] =	vst v63  }
.Ltmp4:
0x51: {  	(pc) =	sbr.rel .LBB2_7-.Ltmp4, $4  }
0x52: {  	_ = 	snop  }
0x53: {  	_ =	swait.ge [sflag:s20], $0x2000  }
0x54: {  	[sflag:s20] =	ssyncset.done $0x0  }
0x55: {  	[sflag:s20] =	ssyncadd.s32 $0xFFFFE000  }
.LBB2_6:
.Ltmp5:
0x56: {  	s30 =	sadd.s32 s28, s7;
	(pc) =	sbr.rel @p2 .LBB2_8-.Ltmp5, $4  }
0x57: {  	[tilespmem:s2], [sflag:$0x1] =	stream.strided.gather [hbm4b:s30+s15], $0x2000, s16, s15, $0x38;
	[tilespmem:$0xE000] =	vst v63  }
0x58: {  	_ =	swait.ge [sflag:s20], $0x2000  }
0x59: {  	[sflag:s20] =	ssyncset.done $0x0  }
0x5a: {  	[sflag:s20] =	ssyncadd.s32 $0xFFFFE000  }
.LBB2_7:
0x5b: {  	_ =	swait.ge [sflag:s21], $0x4000  }
0x5c: {  	[sflag:s21] =	ssyncset.done $0x0  }
0x5d: {  	[sflag:s21] =	ssyncadd.s32 $0xFFFFC000  }
.LBB2_8:
0x5e: {  	s30 =	simm.s32 $0x0  }
0x5f: {  	v4 =	vmov s30  }
0x60: {  	v4 =	vand.u32 $0x7F, v4  }
0x61: {  	v4 =	vbroadcast v4, $0x0;
	_ =	sdelay $0x1  }
0x62: {  	v5 =	vor.u32 v0, v4;
	_ =	sdelay $0x4  }
0x63: {  	v5 =	vld.idx.msk [tilespmem:v5+s17+$0x0], $0xffff  }
0x64: {  	v6 =	vor.u32 v1, v4;
	_ =	sdelay $0x2  }
0x65: {  	s30 =	simm.s32 $0x8000  }
0x66: {  	[tilespmem:s30+$0x0] =	vst v5  }
0x67: {  	v5 =	vld.idx.msk [tilespmem:v6+s17+$0x0], $0xffff  }
0x68: {  	v6 =	vor.u32 v2, v4;
	_ =	sdelay $0x3  }
0x69: {  	[tilespmem:s30+$0x10] =	vst v5  }
0x6a: {  	v5 =	vld.idx.msk [tilespmem:v6+s17+$0x0], $0xffff  }
0x6b: {  	v4 =	vor.u32 v3, v4;
	_ =	sdelay $0x1  }
0x6c: {  	s31 =	simm.s32 $0x1  }
0x6d: {  	v6 =	vmov s31;
	s31 =	simm.s32 $0x2  }
.LBB2_9:
0x6e: {  	p2 =	sne.s32 s31, $0x7F;
	v6 =	vand.u32 $0x7F, v6;
	[tilespmem:s30+$0x20] =	vst v5  }
0x6f: {  	v6 =	vbroadcast v6, $0x0;
	v4 =	vld.idx.msk [tilespmem:v4+s17+$0x0], $0xffff;
	_ =	sdelay $0x1  }
0x70: {  	v5 =	vor.u32 v0, v6;
	_ =	sdelay $0x3  }
0x71: {  	[tilespmem:s30+$0x30] =	vst v4  }
0x72: {  	v4 =	vld.idx.msk [tilespmem:v5+s17+$0x0], $0xffff;
	_ =	sdelay $0x1  }
0x73: {  	v5 =	vor.u32 v1, v6;
	_ =	sdelay $0x2  }
0x74: {  	s30 =	sadd.s32 $0x80, s30  }
0x75: {  	[tilespmem:s30+$0x0] =	vst v4  }
0x76: {  	v4 =	vld.idx.msk [tilespmem:v5+s17+$0x0], $0xffff;
	_ =	sdelay $0x1  }
0x77: {  	v5 =	vor.u32 v2, v6;
	_ =	sdelay $0x3  }
0x78: {  	[tilespmem:s30+$0x10] =	vst v4  }
0x79: {  	v5 =	vld.idx.msk [tilespmem:v5+s17+$0x0], $0xffff  }
.Ltmp6:
0x7a: {  	(pc) =	sbr.rel @p2 .LBB2_9-.Ltmp6, $2  }
0x7b: {  	v4 =	vor.u32 v3, v6;
	_ =	sdelay $0x2  }
0x7c: {  	v6 =	vmov s31;
	s31 =	sadd.s32 $0x1, s31  }
0x7d: {  	_ =	sdelay $0x1  }
0x7e: {  	v6 =	vand.u32 $0x7F, v6  }
0x7f: {  	[tilespmem:s30+$0x20] =	vst v5;
	v5 =	vbroadcast v6, $0x0  }
0x80: {  	v4 =	vld.idx.msk [tilespmem:v4+s17+$0x0], $0xffff  }
0x81: {  	v6 =	vor.u32 v0, v5;
	_ =	sdelay $0x3  }
0x82: {  	[tilespmem:s30+$0x30] =	vst v4  }
0x83: {  	v4 =	vld.idx.msk [tilespmem:v6+s17+$0x0], $0xffff  }
0x84: {  	v62 =	vor.u32 v1, v5;
	_ =	sdelay $0x2  }
0x85: {  	s31 =	sadd.s32 $0x80, s30  }
0x86: {  	[tilespmem:s31+$0x0] =	vst v4  }
0x87: {  	v4 =	vld.idx.msk [tilespmem:v62+s17+$0x0], $0xffff  }
0x88: {  	v63 =	vor.u32 v2, v5;
	_ =	sdelay $0x3  }
0x89: {  	[tilespmem:s31+$0x10] =	vst v4  }
0x8a: {  	v4 =	vld.idx.msk [tilespmem:v63+s17+$0x0], $0xffff  }
0x8b: {  	v5 =	vor.u32 v3, v5;
	_ =	sdelay $0x3  }
0x8c: {  	[tilespmem:s31+$0x20] =	vst v4  }
0x8d: {  	v4 =	vld.idx.msk [tilespmem:v5+s17+$0x0], $0xffff  }
0x8e: {  	p2 =	seq.s32 s26, $0x79  }
.Ltmp7:
0x8f: {  	_ = 	snop;
	(pc) =	sbr.rel @p2 .LBB2_12-.Ltmp7, $3  }
0x90: {  	_ =	sdelay $0x1  }
0x91: {  	s29 =	sadd.s32 s29, s8;
	[tilespmem:s31+$0x30] =	vst v4  }
0x92: {  	[hbm4b:s29+s2] =	stream.linear.scatter [tilespmem:s22], [sflag:$0x4], $0x4000, $0x38;
	[tilespmem:$0xE000] =	vst v63  }
.Ltmp8:
0x93: {  	(pc) =	sbr.rel .LBB2_2-.Ltmp8, $3  }
0x94: {  	_ =	sdelay $0x1  }
0x95: {  	s28 =	sadd.s32 s28, s9;
	s26 =	sadd.s32 $0x1, s26  }
0x96: {  	[tilespmem:s17], [sflag:$0x2] =	stream.strided.gather [hbm4b:s28+s15], $0x2000, s16, s15, $0x38;
	[tilespmem:$0xE000] =	vst v63  }
.LBB2_12:
0x97: {  	_ =	swait.ge [sflag:s23], $0x4000  }
.Ltmp9:
0x98: {  	[sflag:s23] =	ssyncset.done $0x0;
	(pc) =	sbr.rel @p0 .LBB2_16-.Ltmp9, $4  }
0x99: {  	[sflag:s23] =	ssyncadd.s32 $0xFFFFC000  }
0x9a: {  	_ =	swait.ge [sflag:s21], $0x4000  }
0x9b: {  	[sflag:s21] =	ssyncset.done $0x0  }
0x9c: {  	[sflag:s21] =	ssyncadd.s32 $0xFFFFC000  }
0x9d: {  	s26 =	simm.s32 $0x0  }
0x9e: {  	v4 =	vmov s26  }
0x9f: {  	v4 =	vand.u32 $0x7F, v4  }
0xa0: {  	v4 =	vbroadcast v4, $0x0;
	_ =	sdelay $0x1  }
0xa1: {  	v5 =	vor.u32 v0, v4  }
0xa2: {  	[tilespmem:s26], [sflag:$0x1] =	stream.strided.gather [hbm4b:s10+s15], $0x2000, s16, s15, $0x38;
	[tilespmem:$0xE000] =	vst v63  }
0xa3: {  	_ =	swait.ge [sflag:s18], $0x2000  }
0xa4: {  	[sflag:s18] =	ssyncset.done $0x0  }
0xa5: {  	[sflag:s18] =	ssyncadd.s32 $0xFFFFE000  }
0xa6: {  	v5 =	vld.idx.msk [tilespmem:v5+s2+$0x0], $0xffff  }
0xa7: {  	v6 =	vor.u32 v1, v4;
	_ =	sdelay $0x2  }
0xa8: {  	s26 =	simm.s32 $0x4020  }
0xa9: {  	[tilespmem:s26+$0xFFFFFFE0] =	vst v5  }
0xaa: {  	v5 =	vld.idx.msk [tilespmem:v6+s2+$0x0], $0xffff  }
0xab: {  	v6 =	vor.u32 v2, v4;
	_ =	sdelay $0x3  }
0xac: {  	[tilespmem:s26+$0xFFFFFFF0] =	vst v5  }
0xad: {  	v5 =	vld.idx.msk [tilespmem:v6+s2+$0x0], $0xffff  }
0xae: {  	v4 =	vor.u32 v3, v4;
	_ =	sdelay $0x1  }
0xaf: {  	s28 =	simm.s32 $0x1  }
0xb0: {  	v6 =	vmov s28;
	s28 =	simm.s32 $0x2  }
.LBB2_14:
0xb1: {  	p2 =	sne.s32 s28, $0x7F;
	v6 =	vand.u32 $0x7F, v6;
	[tilespmem:s26+$0x0] =	vst v5  }
0xb2: {  	v6 =	vbroadcast v6, $0x0;
	v4 =	vld.idx.msk [tilespmem:v4+s2+$0x0], $0xffff;
	_ =	sdelay $0x1  }
0xb3: {  	v5 =	vor.u32 v0, v6;
	_ =	sdelay $0x3  }
0xb4: {  	[tilespmem:s26+$0x10] =	vst v4  }
0xb5: {  	v4 =	vld.idx.msk [tilespmem:v5+s2+$0x0], $0xffff;
	_ =	sdelay $0x1  }
0xb6: {  	v5 =	vor.u32 v1, v6;
	_ =	sdelay $0x2  }
0xb7: {  	s26 =	sadd.s32 $0x80, s26  }
0xb8: {  	[tilespmem:s26+$0xFFFFFFE0] =	vst v4  }
0xb9: {  	v4 =	vld.idx.msk [tilespmem:v5+s2+$0x0], $0xffff;
	_ =	sdelay $0x1  }
0xba: {  	v5 =	vor.u32 v2, v6;
	_ =	sdelay $0x3  }
0xbb: {  	[tilespmem:s26+$0xFFFFFFF0] =	vst v4  }
0xbc: {  	v5 =	vld.idx.msk [tilespmem:v5+s2+$0x0], $0xffff  }
.Ltmp10:
0xbd: {  	(pc) =	sbr.rel @p2 .LBB2_14-.Ltmp10, $2  }
0xbe: {  	v4 =	vor.u32 v3, v6;
	_ =	sdelay $0x2  }
0xbf: {  	v6 =	vmov s28;
	s28 =	sadd.s32 $0x1, s28  }
0xc0: {  	_ =	sdelay $0x1  }
0xc1: {  	v6 =	vand.u32 $0x7F, v6  }
0xc2: {  	[tilespmem:s26+$0x0] =	vst v5;
	v5 =	vbroadcast v6, $0x0  }
0xc3: {  	v4 =	vld.idx.msk [tilespmem:v4+s2+$0x0], $0xffff  }
0xc4: {  	v6 =	vor.u32 v0, v5;
	_ =	sdelay $0x3  }
0xc5: {  	[tilespmem:s26+$0x10] =	vst v4  }
0xc6: {  	v4 =	vld.idx.msk [tilespmem:v6+s2+$0x0], $0xffff  }
0xc7: {  	v62 =	vor.u32 v1, v5;
	_ =	sdelay $0x2  }
0xc8: {  	s31 =	sadd.s32 $0x80, s26  }
0xc9: {  	[tilespmem:s31+$0xFFFFFFE0] =	vst v4  }
0xca: {  	v4 =	vld.idx.msk [tilespmem:v62+s2+$0x0], $0xffff  }
0xcb: {  	v63 =	vor.u32 v2, v5;
	_ =	sdelay $0x3  }
0xcc: {  	[tilespmem:s31+$0xFFFFFFF0] =	vst v4  }
0xcd: {  	v4 =	vld.idx.msk [tilespmem:v63+s2+$0x0], $0xffff  }
0xce: {  	v5 =	vor.u32 v3, v5;
	_ =	sdelay $0x3  }
0xcf: {  	[tilespmem:s31+$0x0] =	vst v4  }
0xd0: {  	v4 =	vld.idx.msk [tilespmem:v5+s2+$0x0], $0xffff;
	_ =	sdelay $0x4  }
0xd1: {  	[tilespmem:s31+$0x10] =	vst v4  }
0xd2: {  	[hbm4b:s11+s2] =	stream.linear.scatter [tilespmem:s19], [sflag:$0x3], $0x4000, $0x38;
	[tilespmem:$0xE000] =	vst v63  }
0xd3: {  	_ =	swait.ge [sflag:s23], $0x4000  }
0xd4: {  	[sflag:s23] =	ssyncset.done $0x0  }
0xd5: {  	[sflag:s23] =	ssyncadd.s32 $0xFFFFC000  }
.LBB2_16:
.Ltmp11:
0xd6: {  	(pc) =	sbr.rel @p1 .LBB2_20-.Ltmp11, $1  }
0xd7: {  	_ =	sdelay $0x3  }
0xd8: {  	s26 =	simm.s32 $0x0  }
0xd9: {  	v4 =	vmov s26  }
0xda: {  	v4 =	vand.u32 $0x7F, v4  }
0xdb: {  	v4 =	vbroadcast v4, $0x0;
	_ =	sdelay $0x1  }
0xdc: {  	v5 =	vor.u32 v0, v4  }
0xdd: {  	[tilespmem:s24], [sflag:$0x2] =	stream.strided.gather [hbm4b:s12+s15], $0x2000, s16, s15, $0x38;
	[tilespmem:$0xE000] =	vst v63  }
0xde: {  	_ =	swait.ge [sflag:s20], $0x2000  }
0xdf: {  	[sflag:s20] =	ssyncset.done $0x0  }
0xe0: {  	[sflag:s20] =	ssyncadd.s32 $0xFFFFE000  }
0xe1: {  	v5 =	vld.idx.msk [tilespmem:v5+s24+$0x0], $0xffff  }
0xe2: {  	v6 =	vor.u32 v1, v4;
	_ =	sdelay $0x2  }
0xe3: {  	s26 =	simm.s32 $0x8000  }
0xe4: {  	[tilespmem:s26+$0x0] =	vst v5  }
0xe5: {  	v5 =	vld.idx.msk [tilespmem:v6+s24+$0x0], $0xffff  }
0xe6: {  	v6 =	vor.u32 v2, v4;
	_ =	sdelay $0x3  }
0xe7: {  	[tilespmem:s26+$0x10] =	vst v5  }
0xe8: {  	v5 =	vld.idx.msk [tilespmem:v6+s24+$0x0], $0xffff  }
0xe9: {  	v4 =	vor.u32 v3, v4;
	_ =	sdelay $0x1  }
0xea: {  	s28 =	simm.s32 $0x1  }
0xeb: {  	v6 =	vmov s28;
	s28 =	simm.s32 $0x2  }
.LBB2_18:
0xec: {  	p2 =	sne.s32 s28, $0x3F;
	v6 =	vand.u32 $0x7F, v6;
	[tilespmem:s26+$0x20] =	vst v5  }
0xed: {  	v6 =	vbroadcast v6, $0x0;
	v4 =	vld.idx.msk [tilespmem:v4+s24+$0x0], $0xffff;
	_ =	sdelay $0x1  }
0xee: {  	v5 =	vor.u32 v0, v6;
	_ =	sdelay $0x3  }
0xef: {  	[tilespmem:s26+$0x30] =	vst v4  }
0xf0: {  	v4 =	vld.idx.msk [tilespmem:v5+s24+$0x0], $0xffff;
	_ =	sdelay $0x1  }
0xf1: {  	v5 =	vor.u32 v1, v6;
	_ =	sdelay $0x2  }
0xf2: {  	s26 =	sadd.s32 $0x80, s26  }
0xf3: {  	[tilespmem:s26+$0x0] =	vst v4  }
0xf4: {  	v4 =	vld.idx.msk [tilespmem:v5+s24+$0x0], $0xffff;
	_ =	sdelay $0x1  }
0xf5: {  	v5 =	vor.u32 v2, v6;
	_ =	sdelay $0x3  }
0xf6: {  	[tilespmem:s26+$0x10] =	vst v4  }
0xf7: {  	v5 =	vld.idx.msk [tilespmem:v5+s24+$0x0], $0xffff  }
.Ltmp12:
0xf8: {  	(pc) =	sbr.rel @p2 .LBB2_18-.Ltmp12, $2  }
0xf9: {  	v4 =	vor.u32 v3, v6;
	_ =	sdelay $0x2  }
0xfa: {  	v6 =	vmov s28;
	s28 =	sadd.s32 $0x1, s28  }
0xfb: {  	_ =	sdelay $0x1  }
0xfc: {  	v6 =	vand.u32 $0x7F, v6  }
0xfd: {  	[tilespmem:s26+$0x20] =	vst v5;
	v5 =	vbroadcast v6, $0x0  }
0xfe: {  	v4 =	vld.idx.msk [tilespmem:v4+s24+$0x0], $0xffff  }
0xff: {  	v6 =	vor.u32 v0, v5;
	_ =	sdelay $0x3  }
0x100: {  	[tilespmem:s26+$0x30] =	vst v4  }
0x101: {  	v4 =	vld.idx.msk [tilespmem:v6+s24+$0x0], $0xffff  }
0x102: {  	v62 =	vor.u32 v1, v5;
	_ =	sdelay $0x2  }
0x103: {  	s31 =	sadd.s32 $0x80, s26  }
0x104: {  	[tilespmem:s31+$0x0] =	vst v4  }
0x105: {  	v4 =	vld.idx.msk [tilespmem:v62+s24+$0x0], $0xffff  }
0x106: {  	v63 =	vor.u32 v2, v5;
	_ =	sdelay $0x3  }
0x107: {  	[tilespmem:s31+$0x10] =	vst v4  }
0x108: {  	v4 =	vld.idx.msk [tilespmem:v63+s24+$0x0], $0xffff  }
0x109: {  	v5 =	vor.u32 v3, v5;
	_ =	sdelay $0x3  }
0x10a: {  	[tilespmem:s31+$0x20] =	vst v4  }
0x10b: {  	v4 =	vld.idx.msk [tilespmem:v5+s24+$0x0], $0xffff;
	_ =	sdelay $0x4  }
.Ltmp13:
0x10c: {  	[tilespmem:s31+$0x30] =	vst v4;
	(pc) =	sbr.rel .LBB2_20-.Ltmp13, $4  }
0x10d: {  	[hbm4b:s13+s2] =	stream.linear.scatter [tilespmem:s22], [sflag:$0x4], $0x2000, $0x38;
	[tilespmem:$0xE000] =	vst v63  }
0x10e: {  	_ =	swait.ge [sflag:s21], $0x2000  }
0x10f: {  	[sflag:s21] =	ssyncset.done $0x0  }
0x110: {  	[sflag:s21] =	ssyncadd.s32 $0xFFFFE000  }
.LBB2_21:
0x111: {  	_ =	sfence.sel $0x180000  }
0x112: {  	[bflag:$0x0] =	sbarrier.arrive $0xFFFF  }
0x113: {  	p0 =	sne.s32 s0, $0x0;
	_ =	strace $0x90000047  }
0x114: {  	s0 =	sadd.s32 @!p0 $0x100000, s1;
	[bflag:$0x2] =	sbarrier.arrive $0xFFFF  }
0x115: {  	[sflag:s0] =	ssyncadd.tile.s32 @!p0 $0x1;
	_ =	shalt  }
.Lfunc_end2:
_tile_overlayer_lowered:
.L_overlay_start_2:
0x116: {  	(tag) =	ssettag $0x2  }
0x117: {  	s0 =	rddreg [dreg:$0x0];
	s2 =	stileid.u32  }
0x118: {  	s1 =	rddreg [dreg:$0x1];
	p0 =	sne.s32 s2, $0x0  }
0x119: {  	s3 =	rddreg [dreg:$0x2];
	[bflag:$0x3] =	sbarrier.arrive $0xFFFF;
	s2 =	simm.s32 @!p0 $0x1C05  }
0x11a: {  	[timem:s3], [sflag:s2] =	dma.local @!p0 [hbm:s0], s1  }
0x11b: {  	s0 =	simm.s32 @!p0 $0x5  }
0x11c: {  	_ =	swait.ge @!p0 [sflag:s0], s1  }
0x11d: {  	s1 =	ssub.s32 @!p0 $0x0, s1;
	[sflag:s0] =	ssyncset.done @!p0 $0x0  }
0x11e: {  	[sflag:s0] =	ssyncadd.s32 @!p0 s1  }
0x11f: {  	[bflag:$0x3] =	sbarrier.arrive $0xFFFF  }
0x120: {  	_ =	shalt  }

// kernel: kernel.7.cloned.1.call-start
scs
__scs_entry_jumppad:
0x0: {  	(pc) =	sbr.rel $0x88, $3  }
0x1: {  	(tag) =	ssettag $0x0;
	lr =	simm.s32 $0x1  }
0x2: {  	[smem:$0x3F9F] =	sst lr;
	_ =	strace $0xD0000000  }
0x3: {  	_ = 	snop  }
0x4: {  	_ = 	snop  }
0x5: {  	_ = 	snop  }
0x6: {  	_ = 	snop  }
0x7: {  	_ = 	snop  }
__scs_overlays_trampoline_lowered:
0x8: {  	[smem:$0x3FAE] =	sst s0  }
0x9: {  	[smem:$0x3FAF] =	sst s1  }
0xa: {  	[smem:$0x3FB0] =	sst s2  }
0xb: {  	[smem:$0x3FB1] =	sst s3  }
0xc: {  	[smem:$0x3FB2] =	sst s4  }
0xd: {  	[smem:$0x3FB3] =	sst s5  }
0xe: {  	[smem:$0x3FB4] =	sst s6  }
0xf: {  	[smem:$0x3FB5] =	sst s7  }
0x10: {  	[smem:$0x3FB6] =	sst s8  }
0x11: {  	[smem:$0x3FB7] =	sst s9;
	s0 =	simm.s32 @!p0 $0x0  }
0x12: {  	s1 =	sld [smem:$0x3F9D];
	s0 =	simm.s32 @p0 $0x1  }
0x13: {  	[smem:$0x3FB8] =	sst s0;
	s0 =	simm.s32 @!p1 $0x0  }
0x14: {  	s2 =	sld [smem:$0x3F9C];
	s0 =	simm.s32 @p1 $0x1  }
0x15: {  	[smem:$0x3FB9] =	sst s0;
	s0 =	simm.s32 @!p2 $0x0  }
0x16: {  	s3 =	sld [smem:$0x3FDB];
	s0 =	simm.s32 @p2 $0x1  }
0x17: {  	s4 =	simm.s32 $0x1BF5;
	[smem:$0x3FBB] =	sst s0  }
0x18: {  	s0 =	sld [smem:$0x3F9E];
	_ =	swait.ge [sflag:s4], $0x0  }
0x19: {  	s7 =	sld [smem:$0x3F9F]  }
0x1a: {  	s8 =	sadd.s32 $0xFFFFE003, lr  }
0x1b: {  	s9 =	sadd.s32 $0xFFFFFEF7, lr;
	s5 =	simm.s32 $0xFFFFFFFF;
	p2 =	slt.u32 s8, $0xFFFFF086  }
0x1c: {  	p1 =	slt.u32 s9, $0xF7A;
	s5 =	simm.s32 @!p2 $0x0  }
0x1d: {  	s5 =	simm.s32 @p1 $0x1;
	p0 =	seq.s32 s7, s2  }
0x1e: {  	s7 =	smul.u32 @!p0 $0xF7A, s2;
	p2 =	seq.s32 @!p0 s5, $0x0  }
0x1f: {  	s9 =	smul.u32 $0xF7A, s1;
	s8 =	simm.s32 @!p0 $0x1BF5;
	p2 =	por !p2, p0  }
0x20: {  	[sflag:s8] =	ssyncset.s32 @!p0 $0xFFFFF086;
	s6 =	sadd.s32 @!p0 s3, s7;
	s7 =	simm.s32 @!p0 $0x108  }
0x21: {  	s3 =	sadd.s32 s3, s9;
	s6 =	sadd.s32 @!p0 $0x88, s6;
	s7 =	simm.s32 @p2 $0x1082  }
0x22: {  	[simem:s7], [sflag:s8] =	dma.local @!p0 [hbm:s6], $0xF7A  }
0x23: {  	s9 =	sor.u32 $0xD0000000, s2;
	s6 =	simm.s32 $0x108;
	_ =	swait.ge @!p0 [sflag:s8], $0x0  }
0x24: {  	s3 =	sadd.s32 $0x88, s3;
	s6 =	simm.s32 @!p1 $0x1082;
	[sflag:s4] =	ssyncset.s32 $0xFFFFF086  }
0x25: {  	[simem:s6], [sflag:s4] =	dma.local [hbm:s3], $0xF7A  }
0x26: {  	[smem:$0x3F9F] =	sst s1;
	(tag) =	ssettag s2;
	_ =	strace s9  }
0x27: {  	s1 =	sld [smem:$0x3FAF]  }
0x28: {  	s2 =	sld [smem:$0x3FB0]  }
0x29: {  	s4 =	sld [smem:$0x3FB2]  }
0x2a: {  	p0 =	seq.s32 s5, $0x0;
	s5 =	sld [smem:$0x3FB3]  }
0x2b: {  	s6 =	sld [smem:$0x3FB4]  }
0x2c: {  	s7 =	sld [smem:$0x3FB5]  }
0x2d: {  	s3 =	simm.s32 $0x108;
	s8 =	sld [smem:$0x3FB6]  }
0x2e: {  	s3 =	simm.s32 @!p0 $0x1082;
	s9 =	sld [smem:$0x3FB7]  }
0x2f: {  	lr =	sadd.s32 s0, s3;
	s0 =	sld [smem:$0x3FAE]  }
0x30: {  	s3 =	sld [smem:$0x3FB1]  }
0x31: {  	[smem:$0x3FBA] =	sst s10  }
0x32: {  	s10 =	sld [smem:$0x3FB8];
	_ =	sdelay $0x3  }
0x33: {  	p0 =	seq.s32 s10, $0x1;
	s10 =	sld [smem:$0x3FBA];
	_ =	sdelay $0x3  }
0x34: {  	[smem:$0x3FBA] =	sst s10  }
0x35: {  	s10 =	sld [smem:$0x3FB9];
	_ =	sdelay $0x3  }
0x36: {  	p1 =	seq.s32 s10, $0x1;
	s10 =	sld [smem:$0x3FBA];
	_ =	sdelay $0x3  }
0x37: {  	[smem:$0x3FBA] =	sst s10  }
0x38: {  	s10 =	sld [smem:$0x3FBB]  }
0x39: {  	_ = 	snop;
	(pc) =	sbr.ind lr, $3  }
0x3a: {  	_ = 	snop  }
0x3b: {  	_ = 	snop  }
0x3c: {  	p2 =	seq.s32 s10, $0x1;
	s10 =	sld [smem:$0x3FBA]  }
0x3d: {  	_ =	shalt  }
0x3e: {  	_ =	shalt  }
0x3f: {  	_ =	shalt  }
0x40: {  	_ =	shalt  }
0x41: {  	_ =	shalt  }
0x42: {  	_ =	shalt  }
0x43: {  	_ =	shalt  }
0x44: {  	_ =	shalt  }
0x45: {  	_ =	shalt  }
0x46: {  	_ =	shalt  }
0x47: {  	_ =	shalt  }
0x48: {  	_ =	shalt  }
0x49: {  	_ =	shalt  }
0x4a: {  	_ =	shalt  }
0x4b: {  	_ =	shalt  }
0x4c: {  	_ =	shalt  }
0x4d: {  	_ =	shalt  }
0x4e: {  	_ =	shalt  }
0x4f: {  	_ =	shalt  }
0x50: {  	_ =	shalt  }
0x51: {  	_ =	shalt  }
0x52: {  	_ =	shalt  }
0x53: {  	_ =	shalt  }
0x54: {  	_ =	shalt  }
0x55: {  	_ =	shalt  }
0x56: {  	_ =	shalt  }
0x57: {  	_ =	shalt  }
0x58: {  	_ =	shalt  }
0x59: {  	_ =	shalt  }
0x5a: {  	_ =	shalt  }
0x5b: {  	_ =	shalt  }
0x5c: {  	_ =	shalt  }
0x5d: {  	_ =	shalt  }
0x5e: {  	_ =	shalt  }
0x5f: {  	_ =	shalt  }
0x60: {  	_ =	shalt  }
0x61: {  	_ =	shalt  }
0x62: {  	_ =	shalt  }
0x63: {  	_ =	shalt  }
0x64: {  	_ =	shalt  }
0x65: {  	_ =	shalt  }
0x66: {  	_ =	shalt  }
0x67: {  	_ =	shalt  }
0x68: {  	_ =	shalt  }
0x69: {  	_ =	shalt  }
0x6a: {  	_ =	shalt  }
0x6b: {  	_ =	shalt  }
0x6c: {  	_ =	shalt  }
0x6d: {  	_ =	shalt  }
0x6e: {  	_ =	shalt  }
0x6f: {  	_ =	shalt  }
0x70: {  	_ =	shalt  }
0x71: {  	_ =	shalt  }
0x72: {  	_ =	shalt  }
0x73: {  	_ =	shalt  }
0x74: {  	_ =	shalt  }
0x75: {  	_ =	shalt  }
0x76: {  	_ =	shalt  }
0x77: {  	_ =	shalt  }
0x78: {  	_ =	shalt  }
0x79: {  	_ =	shalt  }
0x7a: {  	_ =	shalt  }
0x7b: {  	_ =	shalt  }
0x7c: {  	_ =	shalt  }
0x7d: {  	_ =	shalt  }
0x7e: {  	_ =	shalt  }
0x7f: {  	_ =	shalt  }
0x80: {  	_ =	shalt  }
0x81: {  	_ =	shalt  }
0x82: {  	_ =	shalt  }
0x83: {  	_ =	shalt  }
0x84: {  	_ =	shalt  }
0x85: {  	_ =	shalt  }
0x86: {  	_ =	shalt  }
0x87: {  	_ =	shalt  }
.Lfunc_end0:
.L_simem_size_0:
called_computation.1_lowered:
.L_overlay_start_0:
0x88: {  	s2 =	sld [smem:$0x3FD9]  }
0x89: {  	s3 =	sld [smem:$0x3FFE];
	_ =	sdelay $0x1  }
0x8a: {  	s1 =	srdreg.scid  }
0x8b: {  	s0 =	sand.u32 $0x1, s1  }
0x8c: {  	s17 =	sshll.u32 s0, $0xA;
	s2 =	sadd.s32 s3, s2  }
0x8d: {  	s2 =	sadd.s32 s2, s17  }
0x8e: {  	[smem:$0x3FC6] =	sst s2  }
0x8f: {  	_ = 	snop  }
0x90: {  	s2 =	sld [smem:$0x3FD0];
	(tm) =	ssettm $0x1  }
0x91: {  	s18 =	sld [smem:$0x3FFB];
	_ =	sdelay $0x3  }
0x92: {  	_ =	strace s18  }
0x93: {  	s3 =	sld [smem:$0x3FFC];
	_ =	sdelay $0x3  }
0x94: {  	_ =	strace s3  }
0x95: {  	s3 =	sld [smem:$0x3FFD];
	_ =	sdelay $0x3  }
0x96: {  	_ =	strace s3  }
0x97: {  	_ =	strace $0x8FFFFFFF  }
0x98: {  	s19 =	sld [smem:$0x3FDB];
	_ =	sdelay $0x1  }
0x99: {  	s4 =	simm.s32 $_scs_section_size  }
0x9a: {  	s5 =	simm.s32 $_size__tile_overlayer_lowered;
	s6 =	simm.s32 $_tile_overlayer_lowered  }
0x9b: {  	s22 =	simm.s32 $0x1BFF;
	s21 =	sshll.u32 s6, $0x1;
	s3 =	sadd.s32 s4, s19  }
0x9c: {  	s7 =	simm.s32 $0x0;
	s20 =	sshll.u32 s5, $0x1;
	s5 =	sadd.s32 s21, s3  }
0x9d: {  	[timem:s7], [sflag:s22] =	dma.local [hbm:s5], s20  }
0x9e: {  	_ =	swait.ge [sflag:s22], s20  }
0x9f: {  	s4 =	ssub.s32 $0x0, s20;
	[sflag:s22] =	ssyncset.done $0x0  }
0xa0: {  	[sflag:s22] =	ssyncadd.s32 s4;
	_ =	sdelay $0x1  }
0xa1: {  	s23 =	simm.s32 $0x1B8B  }
0xa2: {  	_ =	swait.ge [sflag:s23], $0x1  }
0xa3: {  	[sflag:s23] =	ssyncset.done $0x0  }
0xa4: {  	s25 =	simm.s32 $0x1B8E;
	s24 =	sld [smem:$0x3FFE];
	[sflag:s23] =	ssyncadd.s32 $0xFFFFFFFF  }
0xa5: {  	s26 =	simm.s32 $execute0_lowered;
	[smem:$0x3FD2] =	sst s25  }
0xa6: {  	s5 =	sshll.u32 s26, $0x1;
	_ =	strace $0x80000049;
	[dreg:$0x1] =	wrdreg $0xFFFFFFFF  }
0xa7: {  	s28 =	simm.s32 $_size_execute0_lowered;
	s3 =	sadd.s32 s3, s5;
	[dreg:$0x0] =	wrdreg $0x0  }
0xa8: {  	s5 =	sshll.u32 s28, $0x1;
	[dreg:$0x2] =	wrdreg s3  }
0xa9: {  	[dreg:$0x3] =	wrdreg s5  }
0xaa: {  	[dreg:$0x4] =	wrdreg $0xC0  }
0xab: {  	_ =	task [dreg:s7], $0x5FFFF  }
0xac: {  	[dreg:$0x1] =	wrdreg $0xFFFFFFFF  }
0xad: {  	[dreg:$0x0] =	wrdreg $0x60  }
0xae: {  	[dreg:$0x2] =	wrdreg s24  }
0xaf: {  	[dreg:$0x3] =	wrdreg s2  }
0xb0: {  	[dreg:$0x4] =	wrdreg $0x9  }
0xb1: {  	_ =	task.clear_ibuf [dreg:s7], $0x5FFFF;
	_ =	strace $0x90000049  }
0xb2: {  	s29 =	simm.s32 $0x9;
	_ =	strace $0x8000004B  }
0xb3: {  	_ =	swait.ge [sflag:s29], $0x1  }
0xb4: {  	[sflag:s29] =	ssyncadd.s32 $0xFFFFFFFF  }
0xb5: {  	_ =	strace $0x9000004B  }
0xb6: {  	_ =	sfence  }
0xb7: {  	s30 =	sld [smem:$0x0];
	_ =	sdelay $0x2  }
0xb8: {  	s31 =	sshll.u32 s1, $0xD;
	s1 =	sshrl.u32 s1, $0x2  }
0xb9: {  	s3 =	sand.u32 $0x4000, s31;
	s1 =	sadd.s32 s1, s30  }
0xba: {  	s0 =	sor.u32 s3, s0;
	s1 =	sshll.u32 s1, $0x11  }
0xbb: {  	s0 =	sor.u32 s1, s0  }
0xbc: {  	s0 =	sadd.s32 $0x8F2B, s0  }
0xbd: {  	[sflag:s0] =	ssyncadd.remote.s32 $0x1  }
0xbe: {  	_ =	sfence.sel $0xFFFF  }
0xbf: {  	[dreg:$0x0] =	wrdreg $0xFFFFFFFF;
	(pc) =	sbr.abs _section_cstart, $3  }
0xc0: {  	[dreg:$0x1] =	wrdreg $0xFFFFFFFF  }
0xc1: {  	_ =	task.clear_ibuf [dreg:s7], $0x2FFFF;
	_ =	strace $0x9FFFFFFF  }
0xc2: {  	(tm) =	ssettm $0x7FFFFFFF  }
0xc3: {  	_ =	shalt  }
tec
execute0_lowered:
.L_overlay_start_1:
0x0: {  	(tag) =	ssettag $0x1  }
0x1: {  	s0 =	rddreg [dreg:$0x0]  }
0x2: {  	s2 =	rddreg [dreg:$0x1]  }
0x3: {  	s1 =	simm.s32 $0x0;
	s4 =	srdreg.scid;
	s31 =	stileid.u32  }
0x4: {  	s11 =	simm.s32 $0x80;
	s12 =	simm.s32 $0x1000;
	s13 =	simm.s32 $0x7  }
0x5: {  	s14 =	simm.s32 $0x6400;
	s15 =	simm.s32 $0xA400;
	s17 =	simm.s32 $0xE400  }
0x6: {  	s19 =	simm.s32 $0x12400;
	s20 =	simm.s32 $0x1;
	s21 =	simm.s32 $0x16400  }
0x7: {  	s22 =	simm.s32 $0x2;
	s23 =	simm.s32 $0x6;
	s24 =	simm.s32 $0x18400  }
0x8: {  	s25 =	simm.s32 $0x3;
	s26 =	simm.s32 $0x5;
	s28 =	simm.s32 $0x4  }
0x9: {  	v0 =	vlaneseq.u32;
	s29 =	simm.s32 $0x0;
	[smem:$0x7FF] =	sst s1;
	s3 =	sadd.s32 $0xA00, s0  }
.Ltmp0:
0xa: {  	s4 =	sand.u32 $0x1, s4;
	s5 =	sshll.u32 s31, $0x5;
	v0 =	vmul.u32 $0x80, v0;
	(pc) =	sbr.rel .LBB2_1-.Ltmp0, $4  }
0xb: {  	s9 =	sadd.s32 $0xF5AE00, s0;
	_ =	strace $0x8000004A;
	s6 =	ssub.s32 $0x2, s4  }
0xc: {  	s7 =	sshll.u32 s4, $0x4;
	s4 =	sadd.s32 $0xF42E00, s0;
	s8 =	sshrl.u32 s6, $0x1;
	v1 =	vor.u32 $0x800, v0  }
0xd: {  	s5 =	sor.u32 s7, s5;
	s7 =	sadd.s32 $0xF4AE00, s0;
	v2 =	vor.u32 $0x1000, v0;
	v3 =	vor.u32 $0x1800, v0;
	v4 =	vor.u32 $0x2000, v0;
	s10 =	ssub.s32 s6, s8  }
0xe: {  	v5 =	vor.u32 $0x2800, v0;
	v6 =	vor.u32 $0x3000, v0;
	v7 =	vor.u32 $0x3800, v0;
	s6 =	sadd.s32 s2, s5;
	s8 =	sadd.s32 $0xF52E00, s0;
	s10 =	smax.u32 s10, $0x1  }
.LBB2_16:
0xf: {  	s29 =	sadd.s32 $0x1, s29  }
0x10: {  	_ =	swait.ge [sflag:s26], $0x2000;
	p0 =	sne.s32 s29, s10  }
.Ltmp1:
0x11: {  	[sflag:s26] =	ssyncset.done $0x0;
	(pc) =	sbr.rel @!p0 .LBB2_17-.Ltmp1, $4  }
0x12: {  	[sflag:s26] =	ssyncadd.s32 $0xFFFFE000  }
0x13: {  	_ =	swait.ge [sflag:s23], $0x2000  }
0x14: {  	[sflag:s23] =	ssyncset.done $0x0  }
0x15: {  	[sflag:s23] =	ssyncadd.s32 $0xFFFFE000  }
.LBB2_1:
0x16: {  	s0 =	simm.s32 $0x0  }
0x17: {  	[tilespmem:s0], [sflag:$0x7] =	stream.strided.gather [hbm4b:s6+s11], $0x6400, s12, s11, $0x38;
	[tilespmem:$0x1A400] =	vst v63  }
0x18: {  	_ =	swait.ge [sflag:s13], $0x6400  }
0x19: {  	[sflag:s13] =	ssyncset.done $0x0  }
0x1a: {  	[sflag:s13] =	ssyncadd.s32 $0xFFFF9C00  }
0x1b: {  	[tilespmem:s14], [sflag:$0x1] =	stream.indirect.gather [hbm4b:s3+s11], $0x80, s0, s11, $0xb8;
	[tilespmem:$0x1A400] =	vst v63  }
0x1c: {  	_ = 	snop  }
0x1d: {  	[tilespmem:s15], [sflag:$0x2] =	stream.indirect.gather [hbm4b:s3+s11], $0x80, s11, s11, $0xb8;
	[tilespmem:$0x1A400] =	vst v63  }
0x1e: {  	s18 =	simm.s32 $0x100  }
0x1f: {  	[tilespmem:s17], [sflag:$0x3] =	stream.indirect.gather [hbm4b:s3+s11], $0x80, s18, s11, $0xb8;
	[tilespmem:$0x1A400] =	vst v63  }
0x20: {  	s31 =	simm.s32 $0x180;
	s30 =	simm.s32 $0x0  }
0x21: {  	[tilespmem:s19], [sflag:$0x4] =	stream.indirect.gather [hbm4b:s3+s11], $0x80, s31, s11, $0xb8;
	[tilespmem:$0x1A400] =	vst v63  }
.LBB2_2:
0x22: {  	s0 =	simm.s32 $0x0  }
0x23: {  	v8 =	vmov s0  }
0x24: {  	v8 =	vand.u32 $0x3F, v8  }
0x25: {  	v8 =	vbroadcast v8, $0x0  }
0x26: {  	_ =	swait.ge [sflag:s20], $0x4000  }
0x27: {  	p0 =	seq.s32 s30, $0x0;
	[sflag:s20] =	ssyncset.done $0x0;
	v9 =	vor.u32 v0, v8  }
0x28: {  	s0 =	simm.s32 @!p0 $0x5;
	[sflag:s20] =	ssyncadd.s32 $0xFFFFC000  }
0x29: {  	_ =	swait.ge @!p0 [sflag:s0], $0x2000  }
0x2a: {  	[sflag:s0] =	ssyncset.done @!p0 $0x0  }
0x2b: {  	[sflag:s0] =	ssyncadd.s32 @!p0 $0xFFFFE000  }
0x2c: {  	v9 =	vld.idx.msk [tilespmem:v9+s14+$0x0], $0xffff  }
0x2d: {  	v10 =	vor.u32 v1, v8;
	_ =	sdelay $0x2  }
0x2e: {  	s0 =	simm.s32 $0x16440  }
0x2f: {  	[tilespmem:s0+$0xFFFFFFC0] =	vst v9  }
0x30: {  	v9 =	vld.idx.msk [tilespmem:v10+s14+$0x0], $0xffff  }
0x31: {  	v10 =	vor.u32 v2, v8;
	_ =	sdelay $0x3  }
0x32: {  	[tilespmem:s0+$0xFFFFFFD0] =	vst v9  }
0x33: {  	v9 =	vld.idx.msk [tilespmem:v10+s14+$0x0], $0xffff  }
0x34: {  	v10 =	vor.u32 v3, v8;
	_ =	sdelay $0x3  }
0x35: {  	[tilespmem:s0+$0xFFFFFFE0] =	vst v9  }
0x36: {  	v9 =	vld.idx.msk [tilespmem:v10+s14+$0x0], $0xffff  }
0x37: {  	v10 =	vor.u32 v4, v8;
	_ =	sdelay $0x3  }
0x38: {  	[tilespmem:s0+$0xFFFFFFF0] =	vst v9  }
0x39: {  	v9 =	vld.idx.msk [tilespmem:v10+s14+$0x0], $0xffff  }
0x3a: {  	v10 =	vor.u32 v5, v8;
	_ =	sdelay $0x3  }
0x3b: {  	[tilespmem:s0+$0x0] =	vst v9  }
0x3c: {  	v9 =	vld.idx.msk [tilespmem:v10+s14+$0x0], $0xffff  }
0x3d: {  	v10 =	vor.u32 v6, v8;
	_ =	sdelay $0x3  }
0x3e: {  	[tilespmem:s0+$0x10] =	vst v9  }
0x3f: {  	v9 =	vld.idx.msk [tilespmem:v10+s14+$0x0], $0xffff  }
0x40: {  	v8 =	vor.u32 v7, v8;
	_ =	sdelay $0x1  }
0x41: {  	s2 =	simm.s32 $0x1  }
0x42: {  	s31 =	sshll.u32 s30, $0xB;
	v10 =	vmov s2;
	s2 =	simm.s32 $0x2  }
.LBB2_3:
0x43: {  	p1 =	sne.s32 s2, $0x3F;
	v10 =	vand.u32 $0x3F, v10;
	[tilespmem:s0+$0x20] =	vst v9  }
0x44: {  	v10 =	vbroadcast v10, $0x0;
	v8 =	vld.idx.msk [tilespmem:v8+s14+$0x0], $0xffff;
	_ =	sdelay $0x1  }
0x45: {  	v9 =	vor.u32 v0, v10;
	_ =	sdelay $0x3  }
0x46: {  	[tilespmem:s0+$0x30] =	vst v8  }
0x47: {  	v8 =	vld.idx.msk [tilespmem:v9+s14+$0x0], $0xffff;
	_ =	sdelay $0x1  }
0x48: {  	v9 =	vor.u32 v1, v10;
	_ =	sdelay $0x2  }
0x49: {  	s0 =	sadd.s32 $0x80, s0  }
0x4a: {  	[tilespmem:s0+$0xFFFFFFC0] =	vst v8  }
0x4b: {  	v8 =	vld.idx.msk [tilespmem:v9+s14+$0x0], $0xffff;
	_ =	sdelay $0x1  }
0x4c: {  	v9 =	vor.u32 v2, v10;
	_ =	sdelay $0x3  }
0x4d: {  	[tilespmem:s0+$0xFFFFFFD0] =	vst v8  }
0x4e: {  	v8 =	vld.idx.msk [tilespmem:v9+s14+$0x0], $0xffff;
	_ =	sdelay $0x1  }
0x4f: {  	v9 =	vor.u32 v3, v10;
	_ =	sdelay $0x3  }
0x50: {  	[tilespmem:s0+$0xFFFFFFE0] =	vst v8  }
0x51: {  	v8 =	vld.idx.msk [tilespmem:v9+s14+$0x0], $0xffff;
	_ =	sdelay $0x1  }
0x52: {  	v9 =	vor.u32 v4, v10;
	_ =	sdelay $0x3  }
0x53: {  	[tilespmem:s0+$0xFFFFFFF0] =	vst v8  }
0x54: {  	v8 =	vld.idx.msk [tilespmem:v9+s14+$0x0], $0xffff;
	_ =	sdelay $0x1  }
0x55: {  	v9 =	vor.u32 v5, v10;
	_ =	sdelay $0x3  }
0x56: {  	[tilespmem:s0+$0x0] =	vst v8  }
0x57: {  	v8 =	vld.idx.msk [tilespmem:v9+s14+$0x0], $0xffff;
	_ =	sdelay $0x1  }
0x58: {  	v9 =	vor.u32 v6, v10;
	_ =	sdelay $0x3  }
0x59: {  	[tilespmem:s0+$0x10] =	vst v8  }
0x5a: {  	v9 =	vld.idx.msk [tilespmem:v9+s14+$0x0], $0xffff  }
.Ltmp2:
0x5b: {  	(pc) =	sbr.rel @p1 .LBB2_3-.Ltmp2, $2  }
0x5c: {  	v8 =	vor.u32 v7, v10;
	_ =	sdelay $0x2  }
0x5d: {  	v10 =	vmov s2;
	s2 =	sadd.s32 $0x1, s2  }
0x5e: {  	_ =	sdelay $0x1  }
0x5f: {  	v10 =	vand.u32 $0x3F, v10  }
0x60: {  	[tilespmem:s0+$0x20] =	vst v9;
	v57 =	vbroadcast v10, $0x0  }
0x61: {  	v8 =	vld.idx.msk [tilespmem:v8+s14+$0x0], $0xffff  }
0x62: {  	v10 =	vor.u32 v0, v57;
	_ =	sdelay $0x3  }
0x63: {  	[tilespmem:s0+$0x30] =	vst v8  }
0x64: {  	v8 =	vld.idx.msk [tilespmem:v10+s14+$0x0], $0xffff  }
0x65: {  	v58 =	vor.u32 v1, v57;
	_ =	sdelay $0x2  }
0x66: {  	s2 =	sadd.s32 $0x80, s0  }
0x67: {  	[tilespmem:s2+$0xFFFFFFC0] =	vst v8  }
0x68: {  	v8 =	vld.idx.msk [tilespmem:v58+s14+$0x0], $0xffff  }
0x69: {  	v59 =	vor.u32 v2, v57;
	_ =	sdelay $0x3  }
0x6a: {  	[tilespmem:s2+$0xFFFFFFD0] =	vst v8  }
0x6b: {  	v8 =	vld.idx.msk [tilespmem:v59+s14+$0x0], $0xffff  }
0x6c: {  	v60 =	vor.u32 v3, v57;
	_ =	sdelay $0x3  }
0x6d: {  	[tilespmem:s2+$0xFFFFFFE0] =	vst v8  }
0x6e: {  	v8 =	vld.idx.msk [tilespmem:v60+s14+$0x0], $0xffff  }
0x6f: {  	v61 =	vor.u32 v4, v57;
	_ =	sdelay $0x3  }
0x70: {  	[tilespmem:s2+$0xFFFFFFF0] =	vst v8  }
0x71: {  	v8 =	vld.idx.msk [tilespmem:v61+s14+$0x0], $0xffff  }
0x72: {  	v62 =	vor.u32 v5, v57;
	_ =	sdelay $0x3  }
0x73: {  	[tilespmem:s2+$0x0] =	vst v8  }
0x74: {  	v8 =	vld.idx.msk [tilespmem:v62+s14+$0x0], $0xffff  }
0x75: {  	v63 =	vor.u32 v6, v57;
	_ =	sdelay $0x3  }
0x76: {  	[tilespmem:s2+$0x10] =	vst v8  }
0x77: {  	v8 =	vld.idx.msk [tilespmem:v63+s14+$0x0], $0xffff  }
0x78: {  	v9 =	vor.u32 v7, v57;
	_ =	sdelay $0x3  }
0x79: {  	[tilespmem:s2+$0x20] =	vst v8  }
0x7a: {  	v8 =	vld.idx.msk [tilespmem:v9+s14+$0x0], $0xffff  }
0x7b: {  	p1 =	sne.s32 s30, $0x31  }
.Ltmp3:
0x7c: {  	_ = 	snop;
	(pc) =	sbr.rel @p1 .LBB2_6-.Ltmp3, $4  }
0x7d: {  	s0 =	sshll.u32 s30, $0x11  }
0x7e: {  	s16 =	sadd.s32 s4, s0  }
0x7f: {  	s18 =	sadd.s32 s5, s16;
	[tilespmem:s2+$0x30] =	vst v8  }
0x80: {  	[hbm4b:s18+s11] =	stream.strided.scatter [tilespmem:s21], [sflag:$0x5], $0x2000, s12, s11, $0x38;
	[tilespmem:$0x1A400] =	vst v63  }
.Ltmp4:
0x81: {  	(pc) =	sbr.rel .LBB2_7-.Ltmp4, $4  }
0x82: {  	_ = 	snop  }
0x83: {  	_ =	swait.ge [sflag:s22], $0x4000  }
0x84: {  	[sflag:s22] =	ssyncset.done $0x0  }
0x85: {  	[sflag:s22] =	ssyncadd.s32 $0xFFFFC000  }
.LBB2_6:
0x86: {  	s2 =	sshrl.u32 s31, $0x2  }
.Ltmp5:
0x87: {  	s2 =	sadd.s32 $0x200, s2;
	(pc) =	sbr.rel @p0 .LBB2_8-.Ltmp5, $4  }
0x88: {  	[tilespmem:s14], [sflag:$0x1] =	stream.indirect.gather [hbm4b:s3+s11], $0x80, s2, s11, $0xb8;
	[tilespmem:$0x1A400] =	vst v63  }
0x89: {  	_ =	swait.ge [sflag:s22], $0x4000  }
0x8a: {  	[sflag:s22] =	ssyncset.done $0x0  }
0x8b: {  	[sflag:s22] =	ssyncadd.s32 $0xFFFFC000  }
.LBB2_7:
0x8c: {  	_ =	swait.ge [sflag:s23], $0x2000  }
0x8d: {  	[sflag:s23] =	ssyncset.done $0x0  }
0x8e: {  	[sflag:s23] =	ssyncadd.s32 $0xFFFFE000  }
.LBB2_8:
0x8f: {  	s2 =	simm.s32 $0x0  }
0x90: {  	v8 =	vmov s2  }
0x91: {  	v8 =	vand.u32 $0x3F, v8  }
0x92: {  	v8 =	vbroadcast v8, $0x0;
	_ =	sdelay $0x1  }
0x93: {  	v9 =	vor.u32 v0, v8;
	_ =	sdelay $0x4  }
0x94: {  	v9 =	vld.idx.msk [tilespmem:v9+s15+$0x0], $0xffff  }
0x95: {  	v10 =	vor.u32 v1, v8;
	_ =	sdelay $0x2  }
0x96: {  	s2 =	simm.s32 $0x18470  }
0x97: {  	[tilespmem:s2+$0xFFFFFF90] =	vst v9  }
0x98: {  	v9 =	vld.idx.msk [tilespmem:v10+s15+$0x0], $0xffff  }
0x99: {  	v10 =	vor.u32 v2, v8;
	_ =	sdelay $0x3  }
0x9a: {  	[tilespmem:s2+$0xFFFFFFA0] =	vst v9  }
0x9b: {  	v9 =	vld.idx.msk [tilespmem:v10+s15+$0x0], $0xffff  }
0x9c: {  	v10 =	vor.u32 v3, v8;
	_ =	sdelay $0x3  }
0x9d: {  	[tilespmem:s2+$0xFFFFFFB0] =	vst v9  }
0x9e: {  	v9 =	vld.idx.msk [tilespmem:v10+s15+$0x0], $0xffff  }
0x9f: {  	v10 =	vor.u32 v4, v8;
	_ =	sdelay $0x3  }
0xa0: {  	[tilespmem:s2+$0xFFFFFFC0] =	vst v9  }
0xa1: {  	v9 =	vld.idx.msk [tilespmem:v10+s15+$0x0], $0xffff  }
0xa2: {  	v10 =	vor.u32 v5, v8;
	_ =	sdelay $0x3  }
0xa3: {  	[tilespmem:s2+$0xFFFFFFD0] =	vst v9  }
0xa4: {  	v9 =	vld.idx.msk [tilespmem:v10+s15+$0x0], $0xffff  }
0xa5: {  	v10 =	vor.u32 v6, v8;
	_ =	sdelay $0x3  }
0xa6: {  	[tilespmem:s2+$0xFFFFFFE0] =	vst v9  }
0xa7: {  	v9 =	vld.idx.msk [tilespmem:v10+s15+$0x0], $0xffff  }
0xa8: {  	v8 =	vor.u32 v7, v8;
	_ =	sdelay $0x1  }
0xa9: {  	s16 =	simm.s32 $0x1  }
0xaa: {  	v10 =	vmov s16;
	s16 =	simm.s32 $0x2  }
.LBB2_9:
0xab: {  	p0 =	sne.s32 s16, $0x3F;
	v10 =	vand.u32 $0x3F, v10;
	[tilespmem:s2+$0xFFFFFFF0] =	vst v9  }
0xac: {  	v10 =	vbroadcast v10, $0x0;
	v8 =	vld.idx.msk [tilespmem:v8+s15+$0x0], $0xffff;
	_ =	sdelay $0x1  }
0xad: {  	v9 =	vor.u32 v0, v10;
	_ =	sdelay $0x3  }
0xae: {  	[tilespmem:s2+$0x0] =	vst v8  }
0xaf: {  	v8 =	vld.idx.msk [tilespmem:v9+s15+$0x0], $0xffff;
	_ =	sdelay $0x1  }
0xb0: {  	v9 =	vor.u32 v1, v10;
	_ =	sdelay $0x2  }
0xb1: {  	s2 =	sadd.s32 $0x80, s2  }
0xb2: {  	[tilespmem:s2+$0xFFFFFF90] =	vst v8  }
0xb3: {  	v8 =	vld.idx.msk [tilespmem:v9+s15+$0x0], $0xffff;
	_ =	sdelay $0x1  }
0xb4: {  	v9 =	vor.u32 v2, v10;
	_ =	sdelay $0x3  }
0xb5: {  	[tilespmem:s2+$0xFFFFFFA0] =	vst v8  }
0xb6: {  	v8 =	vld.idx.msk [tilespmem:v9+s15+$0x0], $0xffff;
	_ =	sdelay $0x1  }
0xb7: {  	v9 =	vor.u32 v3, v10;
	_ =	sdelay $0x3  }
0xb8: {  	[tilespmem:s2+$0xFFFFFFB0] =	vst v8  }
0xb9: {  	v8 =	vld.idx.msk [tilespmem:v9+s15+$0x0], $0xffff;
	_ =	sdelay $0x1  }
0xba: {  	v9 =	vor.u32 v4, v10;
	_ =	sdelay $0x3  }
0xbb: {  	[tilespmem:s2+$0xFFFFFFC0] =	vst v8  }
0xbc: {  	v8 =	vld.idx.msk [tilespmem:v9+s15+$0x0], $0xffff;
	_ =	sdelay $0x1  }
0xbd: {  	v9 =	vor.u32 v5, v10;
	_ =	sdelay $0x3  }
0xbe: {  	[tilespmem:s2+$0xFFFFFFD0] =	vst v8  }
0xbf: {  	v8 =	vld.idx.msk [tilespmem:v9+s15+$0x0], $0xffff;
	_ =	sdelay $0x1  }
0xc0: {  	v9 =	vor.u32 v6, v10;
	_ =	sdelay $0x3  }
0xc1: {  	[tilespmem:s2+$0xFFFFFFE0] =	vst v8  }
0xc2: {  	v9 =	vld.idx.msk [tilespmem:v9+s15+$0x0], $0xffff  }
.Ltmp6:
0xc3: {  	(pc) =	sbr.rel @p0 .LBB2_9-.Ltmp6, $2  }
0xc4: {  	v8 =	vor.u32 v7, v10;
	_ =	sdelay $0x2  }
0xc5: {  	v10 =	vmov s16;
	s16 =	sadd.s32 $0x1, s16  }
0xc6: {  	_ =	sdelay $0x1  }
0xc7: {  	v10 =	vand.u32 $0x3F, v10  }
0xc8: {  	[tilespmem:s2+$0xFFFFFFF0] =	vst v9;
	v9 =	vbroadcast v10, $0x0  }
0xc9: {  	v8 =	vld.idx.msk [tilespmem:v8+s15+$0x0], $0xffff  }
0xca: {  	v10 =	vor.u32 v0, v9;
	_ =	sdelay $0x3  }
0xcb: {  	[tilespmem:s2+$0x0] =	vst v8  }
0xcc: {  	v8 =	vld.idx.msk [tilespmem:v10+s15+$0x0], $0xffff  }
0xcd: {  	v10 =	vor.u32 v1, v9;
	_ =	sdelay $0x2  }
0xce: {  	s1 =	sadd.s32 $0x80, s2  }
0xcf: {  	[tilespmem:s1+$0xFFFFFF90] =	vst v8  }
0xd0: {  	v8 =	vld.idx.msk [tilespmem:v10+s15+$0x0], $0xffff  }
0xd1: {  	v10 =	vor.u32 v2, v9;
	_ =	sdelay $0x3  }
0xd2: {  	[tilespmem:s1+$0xFFFFFFA0] =	vst v8  }
0xd3: {  	v8 =	vld.idx.msk [tilespmem:v10+s15+$0x0], $0xffff  }
0xd4: {  	v10 =	vor.u32 v3, v9;
	_ =	sdelay $0x3  }
0xd5: {  	[tilespmem:s1+$0xFFFFFFB0] =	vst v8  }
0xd6: {  	v8 =	vld.idx.msk [tilespmem:v10+s15+$0x0], $0xffff  }
0xd7: {  	v10 =	vor.u32 v4, v9;
	_ =	sdelay $0x3  }
0xd8: {  	[tilespmem:s1+$0xFFFFFFC0] =	vst v8  }
0xd9: {  	v8 =	vld.idx.msk [tilespmem:v10+s15+$0x0], $0xffff  }
0xda: {  	v10 =	vor.u32 v5, v9;
	_ =	sdelay $0x3  }
0xdb: {  	[tilespmem:s1+$0xFFFFFFD0] =	vst v8  }
0xdc: {  	v8 =	vld.idx.msk [tilespmem:v10+s15+$0x0], $0xffff  }
0xdd: {  	v10 =	vor.u32 v6, v9;
	_ =	sdelay $0x3  }
0xde: {  	[tilespmem:s1+$0xFFFFFFE0] =	vst v8  }
0xdf: {  	v8 =	vld.idx.msk [tilespmem:v10+s15+$0x0], $0xffff  }
0xe0: {  	v9 =	vor.u32 v7, v9;
	_ =	sdelay $0x3  }
0xe1: {  	[tilespmem:s1+$0xFFFFFFF0] =	vst v8  }
0xe2: {  	v8 =	vld.idx.msk [tilespmem:v9+s15+$0x0], $0xffff;
	_ =	sdelay $0x3  }
0xe3: {  	s16 =	sadd.s32 s0, s7;
	p0 =	seq.s32 s30, $0x31  }
0xe4: {  	s18 =	sadd.s32 s5, s16;
	s2 =	sshrl.u32 @!p0 s31, $0x2;
	[tilespmem:s1+$0x0] =	vst v8;
	s1 =	simm.s32 $0x0  }
0xe5: {  	[hbm4b:s18+s11] =	stream.strided.scatter [tilespmem:s24], [sflag:$0x6], $0x2000, s12, s11, $0x38;
	v8 =	vmov s1;
	[tilespmem:$0x1A400] =	vst v63  }
0xe6: {  	s16 =	sadd.s32 @!p0 $0x280, s2;
	s18 =	simm.s32 @!p0 $0x80;
	s1 =	simm.s32 @!p0 $0xA400;
	v8 =	vand.u32 $0x3F, v8  }
0xe7: {  	[tilespmem:s1], [sflag:$0x2] =	stream.indirect.gather @!p0 [hbm4b:s3+s18], $0x80, s16, s18, $0xb8;
	v8 =	vbroadcast v8, $0x0;
	[tilespmem:$0x1A400] =	vst v63  }
0xe8: {  	_ =	swait.ge [sflag:s25], $0x4000  }
0xe9: {  	[sflag:s25] =	ssyncset.done $0x0;
	v9 =	vor.u32 v0, v8  }
0xea: {  	[sflag:s25] =	ssyncadd.s32 $0xFFFFC000  }
0xeb: {  	_ =	swait.ge [sflag:s26], $0x2000  }
0xec: {  	[sflag:s26] =	ssyncset.done $0x0  }
0xed: {  	[sflag:s26] =	ssyncadd.s32 $0xFFFFE000  }
0xee: {  	v9 =	vld.idx.msk [tilespmem:v9+s17+$0x0], $0xffff  }
0xef: {  	v10 =	vor.u32 v1, v8;
	_ =	sdelay $0x2  }
0xf0: {  	s16 =	simm.s32 $0x16440  }
0xf1: {  	[tilespmem:s16+$0xFFFFFFC0] =	vst v9  }
0xf2: {  	v9 =	vld.idx.msk [tilespmem:v10+s17+$0x0], $0xffff  }
0xf3: {  	v10 =	vor.u32 v2, v8;
	_ =	sdelay $0x3  }
0xf4: {  	[tilespmem:s16+$0xFFFFFFD0] =	vst v9  }
0xf5: {  	v9 =	vld.idx.msk [tilespmem:v10+s17+$0x0], $0xffff  }
0xf6: {  	v10 =	vor.u32 v3, v8;
	_ =	sdelay $0x3  }
0xf7: {  	[tilespmem:s16+$0xFFFFFFE0] =	vst v9  }
0xf8: {  	v9 =	vld.idx.msk [tilespmem:v10+s17+$0x0], $0xffff  }
0xf9: {  	v10 =	vor.u32 v4, v8;
	_ =	sdelay $0x3  }
0xfa: {  	[tilespmem:s16+$0xFFFFFFF0] =	vst v9  }
0xfb: {  	v9 =	vld.idx.msk [tilespmem:v10+s17+$0x0], $0xffff  }
0xfc: {  	v10 =	vor.u32 v5, v8;
	_ =	sdelay $0x3  }
0xfd: {  	[tilespmem:s16+$0x0] =	vst v9  }
0xfe: {  	v9 =	vld.idx.msk [tilespmem:v10+s17+$0x0], $0xffff  }
0xff: {  	v10 =	vor.u32 v6, v8;
	_ =	sdelay $0x3  }
0x100: {  	[tilespmem:s16+$0x10] =	vst v9  }
0x101: {  	v9 =	vld.idx.msk [tilespmem:v10+s17+$0x0], $0xffff  }
0x102: {  	v8 =	vor.u32 v7, v8;
	_ =	sdelay $0x1  }
0x103: {  	s18 =	simm.s32 $0x1  }
0x104: {  	v10 =	vmov s18;
	s18 =	simm.s32 $0x2  }
.LBB2_11:
0x105: {  	p1 =	sne.s32 s18, $0x3F;
	v10 =	vand.u32 $0x3F, v10;
	[tilespmem:s16+$0x20] =	vst v9  }
0x106: {  	v10 =	vbroadcast v10, $0x0;
	v8 =	vld.idx.msk [tilespmem:v8+s17+$0x0], $0xffff;
	_ =	sdelay $0x1  }
0x107: {  	v9 =	vor.u32 v0, v10;
	_ =	sdelay $0x3  }
0x108: {  	[tilespmem:s16+$0x30] =	vst v8  }
0x109: {  	v8 =	vld.idx.msk [tilespmem:v9+s17+$0x0], $0xffff;
	_ =	sdelay $0x1  }
0x10a: {  	v9 =	vor.u32 v1, v10;
	_ =	sdelay $0x2  }
0x10b: {  	s16 =	sadd.s32 $0x80, s16  }
0x10c: {  	[tilespmem:s16+$0xFFFFFFC0] =	vst v8  }
0x10d: {  	v8 =	vld.idx.msk [tilespmem:v9+s17+$0x0], $0xffff;
	_ =	sdelay $0x1  }
0x10e: {  	v9 =	vor.u32 v2, v10;
	_ =	sdelay $0x3  }
0x10f: {  	[tilespmem:s16+$0xFFFFFFD0] =	vst v8  }
0x110: {  	v8 =	vld.idx.msk [tilespmem:v9+s17+$0x0], $0xffff;
	_ =	sdelay $0x1  }
0x111: {  	v9 =	vor.u32 v3, v10;
	_ =	sdelay $0x3  }
0x112: {  	[tilespmem:s16+$0xFFFFFFE0] =	vst v8  }
0x113: {  	v8 =	vld.idx.msk [tilespmem:v9+s17+$0x0], $0xffff;
	_ =	sdelay $0x1  }
0x114: {  	v9 =	vor.u32 v4, v10;
	_ =	sdelay $0x3  }
0x115: {  	[tilespmem:s16+$0xFFFFFFF0] =	vst v8  }
0x116: {  	v8 =	vld.idx.msk [tilespmem:v9+s17+$0x0], $0xffff;
	_ =	sdelay $0x1  }
0x117: {  	v9 =	vor.u32 v5, v10;
	_ =	sdelay $0x3  }
0x118: {  	[tilespmem:s16+$0x0] =	vst v8  }
0x119: {  	v8 =	vld.idx.msk [tilespmem:v9+s17+$0x0], $0xffff;
	_ =	sdelay $0x1  }
0x11a: {  	v9 =	vor.u32 v6, v10;
	_ =	sdelay $0x3  }
0x11b: {  	[tilespmem:s16+$0x10] =	vst v8  }
0x11c: {  	v9 =	vld.idx.msk [tilespmem:v9+s17+$0x0], $0xffff  }
.Ltmp7:
0x11d: {  	(pc) =	sbr.rel @p1 .LBB2_11-.Ltmp7, $2  }
0x11e: {  	v8 =	vor.u32 v7, v10;
	_ =	sdelay $0x2  }
0x11f: {  	v10 =	vmov s18;
	s18 =	sadd.s32 $0x1, s18  }
0x120: {  	_ =	sdelay $0x1  }
0x121: {  	v10 =	vand.u32 $0x3F, v10  }
0x122: {  	[tilespmem:s16+$0x20] =	vst v9;
	v9 =	vbroadcast v10, $0x0  }
0x123: {  	v8 =	vld.idx.msk [tilespmem:v8+s17+$0x0], $0xffff  }
0x124: {  	v10 =	vor.u32 v0, v9;
	_ =	sdelay $0x3  }
0x125: {  	[tilespmem:s16+$0x30] =	vst v8  }
0x126: {  	v8 =	vld.idx.msk [tilespmem:v10+s17+$0x0], $0xffff  }
0x127: {  	v10 =	vor.u32 v1, v9;
	_ =	sdelay $0x2  }
0x128: {  	s1 =	sadd.s32 $0x80, s16  }
0x129: {  	[tilespmem:s1+$0xFFFFFFC0] =	vst v8  }
0x12a: {  	v8 =	vld.idx.msk [tilespmem:v10+s17+$0x0], $0xffff  }
0x12b: {  	v10 =	vor.u32 v2, v9;
	_ =	sdelay $0x3  }
0x12c: {  	[tilespmem:s1+$0xFFFFFFD0] =	vst v8  }
0x12d: {  	v8 =	vld.idx.msk [tilespmem:v10+s17+$0x0], $0xffff  }
0x12e: {  	v10 =	vor.u32 v3, v9;
	_ =	sdelay $0x3  }
0x12f: {  	[tilespmem:s1+$0xFFFFFFE0] =	vst v8  }
0x130: {  	v8 =	vld.idx.msk [tilespmem:v10+s17+$0x0], $0xffff  }
0x131: {  	v10 =	vor.u32 v4, v9;
	_ =	sdelay $0x3  }
0x132: {  	[tilespmem:s1+$0xFFFFFFF0] =	vst v8  }
0x133: {  	v8 =	vld.idx.msk [tilespmem:v10+s17+$0x0], $0xffff  }
0x134: {  	v10 =	vor.u32 v5, v9;
	_ =	sdelay $0x3  }
0x135: {  	[tilespmem:s1+$0x0] =	vst v8  }
0x136: {  	v8 =	vld.idx.msk [tilespmem:v10+s17+$0x0], $0xffff  }
0x137: {  	v10 =	vor.u32 v6, v9;
	_ =	sdelay $0x3  }
0x138: {  	[tilespmem:s1+$0x10] =	vst v8  }
0x139: {  	v8 =	vld.idx.msk [tilespmem:v10+s17+$0x0], $0xffff  }
0x13a: {  	v9 =	vor.u32 v7, v9;
	_ =	sdelay $0x3  }
0x13b: {  	[tilespmem:s1+$0x20] =	vst v8  }
0x13c: {  	v8 =	vld.idx.msk [tilespmem:v9+s17+$0x0], $0xffff;
	_ =	sdelay $0x3  }
0x13d: {  	s18 =	sadd.s32 s0, s8  }
0x13e: {  	s16 =	sadd.s32 s5, s18;
	s18 =	simm.s32 $0x0;
	[tilespmem:s1+$0x30] =	vst v8  }
0x13f: {  	v8 =	vmov s18;
	[hbm4b:s16+s11] =	stream.strided.scatter [tilespmem:s21], [sflag:$0x5], $0x2000, s12, s11, $0x38;
	[tilespmem:$0x1A400] =	vst v63  }
0x140: {  	s1 =	sadd.s32 @!p0 $0x300, s2;
	s2 =	simm.s32 @!p0 $0x80;
	s16 =	simm.s32 @!p0 $0xE400;
	v8 =	vand.u32 $0x3F, v8  }
0x141: {  	v8 =	vbroadcast v8, $0x0;
	[tilespmem:s16], [sflag:$0x3] =	stream.indirect.gather @!p0 [hbm4b:s3+s2], $0x80, s1, s2, $0xb8;
	[tilespmem:$0x1A400] =	vst v63  }
0x142: {  	_ =	swait.ge [sflag:s28], $0x4000  }
0x143: {  	v9 =	vor.u32 v0, v8;
	[sflag:s28] =	ssyncset.done $0x0  }
0x144: {  	[sflag:s28] =	ssyncadd.s32 $0xFFFFC000  }
0x145: {  	_ =	swait.ge [sflag:s23], $0x2000  }
0x146: {  	[sflag:s23] =	ssyncset.done $0x0  }
0x147: {  	[sflag:s23] =	ssyncadd.s32 $0xFFFFE000  }
0x148: {  	v9 =	vld.idx.msk [tilespmem:v9+s19+$0x0], $0xffff  }
0x149: {  	v10 =	vor.u32 v1, v8;
	_ =	sdelay $0x2  }
0x14a: {  	s2 =	simm.s32 $0x18470  }
0x14b: {  	[tilespmem:s2+$0xFFFFFF90] =	vst v9  }
0x14c: {  	v9 =	vld.idx.msk [tilespmem:v10+s19+$0x0], $0xffff  }
0x14d: {  	v10 =	vor.u32 v2, v8;
	_ =	sdelay $0x3  }
0x14e: {  	[tilespmem:s2+$0xFFFFFFA0] =	vst v9  }
0x14f: {  	v9 =	vld.idx.msk [tilespmem:v10+s19+$0x0], $0xffff  }
0x150: {  	v10 =	vor.u32 v3, v8;
	_ =	sdelay $0x3  }
0x151: {  	[tilespmem:s2+$0xFFFFFFB0] =	vst v9  }
0x152: {  	v9 =	vld.idx.msk [tilespmem:v10+s19+$0x0], $0xffff  }
0x153: {  	v10 =	vor.u32 v4, v8;
	_ =	sdelay $0x3  }
0x154: {  	[tilespmem:s2+$0xFFFFFFC0] =	vst v9  }
0x155: {  	v9 =	vld.idx.msk [tilespmem:v10+s19+$0x0], $0xffff  }
0x156: {  	v10 =	vor.u32 v5, v8;
	_ =	sdelay $0x3  }
0x157: {  	[tilespmem:s2+$0xFFFFFFD0] =	vst v9  }
0x158: {  	v9 =	vld.idx.msk [tilespmem:v10+s19+$0x0], $0xffff  }
0x159: {  	v10 =	vor.u32 v6, v8;
	_ =	sdelay $0x3  }
0x15a: {  	[tilespmem:s2+$0xFFFFFFE0] =	vst v9  }
0x15b: {  	v9 =	vld.idx.msk [tilespmem:v10+s19+$0x0], $0xffff  }
0x15c: {  	v8 =	vor.u32 v7, v8;
	_ =	sdelay $0x1  }
0x15d: {  	s18 =	simm.s32 $0x1  }
0x15e: {  	s16 =	simm.s32 $0x2;
	v10 =	vmov s18  }
.LBB2_13:
0x15f: {  	p1 =	sne.s32 s16, $0x3F;
	v10 =	vand.u32 $0x3F, v10;
	[tilespmem:s2+$0xFFFFFFF0] =	vst v9  }
0x160: {  	v10 =	vbroadcast v10, $0x0;
	v8 =	vld.idx.msk [tilespmem:v8+s19+$0x0], $0xffff;
	_ =	sdelay $0x1  }
0x161: {  	v9 =	vor.u32 v0, v10;
	_ =	sdelay $0x3  }
0x162: {  	[tilespmem:s2+$0x0] =	vst v8  }
0x163: {  	v8 =	vld.idx.msk [tilespmem:v9+s19+$0x0], $0xffff;
	_ =	sdelay $0x1  }
0x164: {  	v9 =	vor.u32 v1, v10;
	_ =	sdelay $0x2  }
0x165: {  	s2 =	sadd.s32 $0x80, s2  }
0x166: {  	[tilespmem:s2+$0xFFFFFF90] =	vst v8  }
0x167: {  	v8 =	vld.idx.msk [tilespmem:v9+s19+$0x0], $0xffff;
	_ =	sdelay $0x1  }
0x168: {  	v9 =	vor.u32 v2, v10;
	_ =	sdelay $0x3  }
0x169: {  	[tilespmem:s2+$0xFFFFFFA0] =	vst v8  }
0x16a: {  	v8 =	vld.idx.msk [tilespmem:v9+s19+$0x0], $0xffff;
	_ =	sdelay $0x1  }
0x16b: {  	v9 =	vor.u32 v3, v10;
	_ =	sdelay $0x3  }
0x16c: {  	[tilespmem:s2+$0xFFFFFFB0] =	vst v8  }
0x16d: {  	v8 =	vld.idx.msk [tilespmem:v9+s19+$0x0], $0xffff;
	_ =	sdelay $0x1  }
0x16e: {  	v9 =	vor.u32 v4, v10;
	_ =	sdelay $0x3  }
0x16f: {  	[tilespmem:s2+$0xFFFFFFC0] =	vst v8  }
0x170: {  	v8 =	vld.idx.msk [tilespmem:v9+s19+$0x0], $0xffff;
	_ =	sdelay $0x1  }
0x171: {  	v9 =	vor.u32 v5, v10;
	_ =	sdelay $0x3  }
0x172: {  	[tilespmem:s2+$0xFFFFFFD0] =	vst v8  }
0x173: {  	v8 =	vld.idx.msk [tilespmem:v9+s19+$0x0], $0xffff;
	_ =	sdelay $0x1  }
0x174: {  	v9 =	vor.u32 v6, v10;
	_ =	sdelay $0x3  }
0x175: {  	[tilespmem:s2+$0xFFFFFFE0] =	vst v8  }
0x176: {  	v9 =	vld.idx.msk [tilespmem:v9+s19+$0x0], $0xffff  }
.Ltmp8:
0x177: {  	(pc) =	sbr.rel @p1 .LBB2_13-.Ltmp8, $2  }
0x178: {  	v8 =	vor.u32 v7, v10;
	_ =	sdelay $0x2  }
0x179: {  	v10 =	vmov s16;
	s16 =	sadd.s32 $0x1, s16  }
0x17a: {  	_ =	sdelay $0x1  }
0x17b: {  	v10 =	vand.u32 $0x3F, v10  }
0x17c: {  	[tilespmem:s2+$0xFFFFFFF0] =	vst v9;
	v57 =	vbroadcast v10, $0x0  }
0x17d: {  	v8 =	vld.idx.msk [tilespmem:v8+s19+$0x0], $0xffff  }
0x17e: {  	v10 =	vor.u32 v0, v57;
	_ =	sdelay $0x3  }
0x17f: {  	[tilespmem:s2+$0x0] =	vst v8  }
0x180: {  	v8 =	vld.idx.msk [tilespmem:v10+s19+$0x0], $0xffff  }
0x181: {  	v58 =	vor.u32 v1, v57;
	_ =	sdelay $0x2  }
0x182: {  	s1 =	sadd.s32 $0x80, s2  }
0x183: {  	[tilespmem:s1+$0xFFFFFF90] =	vst v8  }
0x184: {  	v8 =	vld.idx.msk [tilespmem:v58+s19+$0x0], $0xffff  }
0x185: {  	v59 =	vor.u32 v2, v57;
	_ =	sdelay $0x3  }
0x186: {  	[tilespmem:s1+$0xFFFFFFA0] =	vst v8  }
0x187: {  	v8 =	vld.idx.msk [tilespmem:v59+s19+$0x0], $0xffff  }
0x188: {  	v60 =	vor.u32 v3, v57;
	_ =	sdelay $0x3  }
0x189: {  	[tilespmem:s1+$0xFFFFFFB0] =	vst v8  }
0x18a: {  	v8 =	vld.idx.msk [tilespmem:v60+s19+$0x0], $0xffff  }
0x18b: {  	v61 =	vor.u32 v4, v57;
	_ =	sdelay $0x3  }
0x18c: {  	[tilespmem:s1+$0xFFFFFFC0] =	vst v8  }
0x18d: {  	v8 =	vld.idx.msk [tilespmem:v61+s19+$0x0], $0xffff  }
0x18e: {  	v62 =	vor.u32 v5, v57;
	_ =	sdelay $0x3  }
0x18f: {  	[tilespmem:s1+$0xFFFFFFD0] =	vst v8  }
0x190: {  	v8 =	vld.idx.msk [tilespmem:v62+s19+$0x0], $0xffff  }
0x191: {  	v63 =	vor.u32 v6, v57;
	_ =	sdelay $0x3  }
0x192: {  	[tilespmem:s1+$0xFFFFFFE0] =	vst v8  }
0x193: {  	v8 =	vld.idx.msk [tilespmem:v63+s19+$0x0], $0xffff  }
0x194: {  	v9 =	vor.u32 v7, v57;
	_ =	sdelay $0x3  }
0x195: {  	[tilespmem:s1+$0xFFFFFFF0] =	vst v8  }
0x196: {  	v8 =	vld.idx.msk [tilespmem:v9+s19+$0x0], $0xffff;
	_ =	sdelay $0x1  }
.Ltmp9:
0x197: {  	_ = 	snop;
	(pc) =	sbr.rel @p0 .LBB2_16-.Ltmp9, $4  }
0x198: {  	_ = 	snop  }
0x199: {  	s0 =	sadd.s32 s0, s9  }
0x19a: {  	s0 =	sadd.s32 s5, s0;
	[tilespmem:s1+$0x0] =	vst v8  }
0x19b: {  	[hbm4b:s0+s11] =	stream.strided.scatter [tilespmem:s24], [sflag:$0x6], $0x2000, s12, s11, $0x38;
	[tilespmem:$0x1A400] =	vst v63  }
.Ltmp10:
0x19c: {  	(pc) =	sbr.rel .LBB2_2-.Ltmp10, $4  }
0x19d: {  	_ = 	snop  }
0x19e: {  	s0 =	sshrl.u32 s31, $0x2  }
0x19f: {  	s30 =	sadd.s32 $0x1, s30;
	s0 =	sadd.s32 $0x380, s0  }
0x1a0: {  	[tilespmem:s19], [sflag:$0x4] =	stream.indirect.gather [hbm4b:s3+s11], $0x80, s0, s11, $0xb8;
	[tilespmem:$0x1A400] =	vst v63  }
.LBB2_17:
0x1a1: {  	_ =	sfence.sel $0x180000  }
0x1a2: {  	[bflag:$0x0] =	sbarrier.arrive $0xFFFF  }
0x1a3: {  	_ =	strace $0x9000004A  }
0x1a4: {  	s0 =	stileid.u32;
	[bflag:$0x2] =	sbarrier.arrive $0xFFFF  }
0x1a5: {  	p0 =	sne.s32 s0, $0x0;
	s0 =	rddreg [dreg:$0x2]  }
0x1a6: {  	s0 =	sadd.s32 @!p0 $0x100000, s0  }
0x1a7: {  	[sflag:s0] =	ssyncadd.tile.s32 @!p0 $0x1;
	_ =	shalt  }
.Lfunc_end2:
_tile_overlayer_lowered:
.L_overlay_start_2:
0x1a8: {  	(tag) =	ssettag $0x2  }
0x1a9: {  	s0 =	rddreg [dreg:$0x0];
	s2 =	stileid.u32  }
0x1aa: {  	s1 =	rddreg [dreg:$0x1];
	p0 =	sne.s32 s2, $0x0  }
0x1ab: {  	s3 =	rddreg [dreg:$0x2];
	[bflag:$0x3] =	sbarrier.arrive $0xFFFF;
	s2 =	simm.s32 @!p0 $0x1C07  }
0x1ac: {  	[timem:s3], [sflag:s2] =	dma.local @!p0 [hbm:s0], s1  }
0x1ad: {  	s0 =	simm.s32 @!p0 $0x7  }
0x1ae: {  	_ =	swait.ge @!p0 [sflag:s0], s1  }
0x1af: {  	s1 =	ssub.s32 @!p0 $0x0, s1;
	[sflag:s0] =	ssyncset.done @!p0 $0x0  }
0x1b0: {  	[sflag:s0] =	ssyncadd.s32 @!p0 s1  }
0x1b1: {  	[bflag:$0x3] =	sbarrier.arrive $0xFFFF  }
0x1b2: {  	_ =	shalt  }

</sc_bundles>
